<compile_context>
chip_gen: v7x
topology: tpu7x:2x2x1
jax: 0.10.2.dev20260603
libtpu: 0.0.44.dev20260713+nightly
codegen_flags: <defaults>
</compile_context>

<pallas_src>
import functools

import jax
import jax.numpy as jnp
from jax import lax
from jax.experimental import pallas as pl
from jax.experimental.pallas import tpu as pltpu
from jax.experimental.pallas import tpu_sc as plsc

_N = 100000
_E = 3200000
_NPAD = 102400
_EPAD = 3276800
_ROWS = _EPAD // 128
_RPT = _ROWS // 32
_NPT = _NPAD // 16
_B = 12800
_DUMMY = _N

_mesh = plsc.VectorSubcoreMesh(core_axis_name="c", subcore_axis_name="s",
                               num_cores=2)


def _wid(c, s):
    return c * 16 + s


@functools.partial(
    pl.kernel,
    mesh=_mesh,
    out_type=jax.ShapeDtypeStruct((2, _NPAD), jnp.float32),
    scratch_types=[
        pltpu.VMEM((16, 128), jnp.int32),
        pltpu.VMEM((128,), jnp.float32),
        pltpu.VMEM_SHARED((_NPAD,), jnp.float32),
        pltpu.SemaphoreType.DMA,
        pltpu.SemaphoreType.DMA,
    ],
)
def _deg_sc(dst_hbm, z1_hbm, deg_out, dst_v, ones_v, deg_sh, sem, sem1):
    c = lax.axis_index("c")
    s = lax.axis_index("s")
    w = _wid(c, s)
    for k in range(8):
        ones_v[pl.ds(k * 16, 16)] = jnp.full((16,), 1.0, jnp.float32)
    sl = pl.ds(s * _NPT, _NPT)
    pltpu.sync_copy(z1_hbm.at[sl], deg_sh.at[sl])
    plsc.subcore_barrier()
    row0 = w * _RPT

    def outer(t, carry):
        pltpu.sync_copy(dst_hbm.at[pl.ds(row0 + t * 16, 16)], dst_v)

        def inner(p, carry2):
            g0 = 4 * p
            s0 = pltpu.async_copy(ones_v, deg_sh.at[dst_v.at[g0]], sem,
                                  add=True)
            s1 = pltpu.async_copy(ones_v, deg_sh.at[dst_v.at[g0 + 1]], sem1,
                                  add=True)
            s2 = pltpu.async_copy(ones_v, deg_sh.at[dst_v.at[g0 + 2]], sem,
                                  add=True)
            s3 = pltpu.async_copy(ones_v, deg_sh.at[dst_v.at[g0 + 3]], sem1,
                                  add=True)
            s0.wait()
            s1.wait()
            s2.wait()
            s3.wait()
            return carry2

        lax.fori_loop(0, 4, inner, 0)
        return carry

    lax.fori_loop(0, _RPT // 16, outer, 0)
    plsc.subcore_barrier()
    pltpu.sync_copy(deg_sh.at[sl], deg_out.at[c, sl])


@functools.partial(
    pl.kernel,
    mesh=_mesh,
    out_type=[
        jax.ShapeDtypeStruct((2, _NPAD), jnp.float32),
        jax.ShapeDtypeStruct((2, _NPAD), jnp.float32),
        jax.ShapeDtypeStruct((2, _NPAD), jnp.float32),
        jax.ShapeDtypeStruct((2, _NPAD), jnp.float32),
    ],
    scratch_types=[
        pltpu.VMEM((16, 128), jnp.int32),
        pltpu.VMEM((16, 128), jnp.int32),
        pltpu.VMEM((128,), jnp.float32),
        pltpu.VMEM((128,), jnp.float32),
        pltpu.VMEM((128,), jnp.float32),
        pltpu.VMEM((128,), jnp.float32),
        pltpu.VMEM((128,), jnp.float32),
        pltpu.VMEM((128,), jnp.float32),
        pltpu.VMEM((128,), jnp.float32),
        pltpu.VMEM((128,), jnp.float32),
        pltpu.VMEM((16,), jnp.int32),
        pltpu.VMEM((16,), jnp.int32),
        pltpu.VMEM_SHARED((_NPAD,), jnp.float32),
        pltpu.VMEM_SHARED((_NPAD,), jnp.float32),
        pltpu.VMEM_SHARED((_NPAD,), jnp.float32),
        pltpu.VMEM_SHARED((_NPAD,), jnp.float32),
        pltpu.VMEM_SHARED((_NPAD,), jnp.float32),
        pltpu.VMEM_SHARED((_NPAD,), jnp.float32),
        pltpu.SemaphoreType.DMA,
        pltpu.SemaphoreType.DMA,
        pltpu.SemaphoreType.DMA,
        pltpu.SemaphoreType.DMA,
    ],
)
def _agg_sc(src_hbm, dst_hbm, y0_hbm, y1_hbm, iv_hbm, jv_hbm, z1_hbm,
            agg0_out, agg1_out, ci_out, cj_out,
            src_v, dst_v, yr0_v, yr1_v, yb0_v, yb1_v,
            mi_v, mj_v, mb_i_v, mb_j_v, iv_v, jv_v,
            y0_sh, y1_sh, agg0_sh, agg1_sh, ci_sh, cj_sh,
            sem0, sem1, sg0, sg1):
    c = lax.axis_index("c")
    s = lax.axis_index("s")
    w = _wid(c, s)
    sl = pl.ds(s * _NPT, _NPT)
    pltpu.sync_copy(y0_hbm.at[sl], y0_sh.at[sl])
    pltpu.sync_copy(y1_hbm.at[sl], y1_sh.at[sl])
    pltpu.sync_copy(z1_hbm.at[sl], agg0_sh.at[sl])
    pltpu.sync_copy(z1_hbm.at[sl], agg1_sh.at[sl])
    pltpu.sync_copy(z1_hbm.at[sl], ci_sh.at[sl])
    pltpu.sync_copy(z1_hbm.at[sl], cj_sh.at[sl])
    pltpu.sync_copy(iv_hbm, iv_v)
    pltpu.sync_copy(jv_hbm, jv_v)
    plsc.subcore_barrier()
    row0 = w * _RPT

    def outer(t, carry):
        rows = pl.ds(row0 + t * 16, 16)
        pltpu.sync_copy(src_hbm.at[rows], src_v)
        pltpu.sync_copy(dst_hbm.at[rows], dst_v)
        ivec = iv_v[...]
        jvec = jv_v[...]

        def masks(g, mi_v, mj_v):
            for k in range(8):
                d16 = dst_v[g, pl.ds(k * 16, 16)]
                mi_v[pl.ds(k * 16, 16)] = jnp.where(d16 == ivec, 1.0, 0.0)
                mj_v[pl.ds(k * 16, 16)] = jnp.where(d16 == jvec, 1.0, 0.0)

        def inner(p, carry2):
            g0 = 2 * p
            g1 = 2 * p + 1
            cpa0 = pltpu.async_copy(y0_sh.at[src_v.at[g0]], yr0_v, sem0)
            cpa1 = pltpu.async_copy(y1_sh.at[src_v.at[g0]], yr1_v, sem1)
            masks(g0, mi_v, mj_v)
            cpb0 = pltpu.async_copy(y0_sh.at[src_v.at[g1]], yb0_v, sem0)
            cpb1 = pltpu.async_copy(y1_sh.at[src_v.at[g1]], yb1_v, sem1)
            cpa0.wait()
            cpa1.wait()
            sa0 = pltpu.async_copy(yr0_v, agg0_sh.at[dst_v.at[g0]], sg0,
                                   add=True)
            sa1 = pltpu.async_copy(yr1_v, agg1_sh.at[dst_v.at[g0]], sg1,
                                   add=True)
            sa2 = pltpu.async_copy(mi_v, ci_sh.at[src_v.at[g0]], sg0,
                                   add=True)
            sa3 = pltpu.async_copy(mj_v, cj_sh.at[src_v.at[g0]], sg1,
                                   add=True)
            masks(g1, mb_i_v, mb_j_v)
            cpb0.wait()
            cpb1.wait()
            sa0.wait()
            sa1.wait()
            sa2.wait()
            sa3.wait()
            sb0 = pltpu.async_copy(yb0_v, agg0_sh.at[dst_v.at[g1]], sg0,
                                   add=True)
            sb1 = pltpu.async_copy(yb1_v, agg1_sh.at[dst_v.at[g1]], sg1,
                                   add=True)
            sb2 = pltpu.async_copy(mb_i_v, ci_sh.at[src_v.at[g1]], sg0,
                                   add=True)
            sb3 = pltpu.async_copy(mb_j_v, cj_sh.at[src_v.at[g1]], sg1,
                                   add=True)
            sb0.wait()
            sb1.wait()
            sb2.wait()
            sb3.wait()
            return carry2

        lax.fori_loop(0, 8, inner, 0)
        return carry

    lax.fori_loop(0, _RPT // 16, outer, 0)
    plsc.subcore_barrier()
    pltpu.sync_copy(agg0_sh.at[sl], agg0_out.at[c, sl])
    pltpu.sync_copy(agg1_sh.at[sl], agg1_out.at[c, sl])
    pltpu.sync_copy(ci_sh.at[sl], ci_out.at[c, sl])
    pltpu.sync_copy(cj_sh.at[sl], cj_out.at[c, sl])


def _y_body(dp_ref, xt_ref, y0_ref, y1_ref):
    deg = dp_ref[0] + dp_ref[1]
    rs = lax.rsqrt(jnp.maximum(deg, 1.0))
    y0_ref[...] = xt_ref[0] * rs
    y1_ref[...] = xt_ref[1] * rs


_YB = 20480

_y_tc = pl.pallas_call(
    _y_body,
    grid=(_NPAD // _YB,),
    in_specs=[
        pl.BlockSpec((2, _YB), lambda k: (0, k)),
        pl.BlockSpec((2, _YB), lambda k: (0, k)),
    ],
    out_specs=[
        pl.BlockSpec((_YB,), lambda k: (k,)),
        pl.BlockSpec((_YB,), lambda k: (k,)),
    ],
    out_shape=[
        jax.ShapeDtypeStruct((_NPAD,), jnp.float32),
        jax.ShapeDtypeStruct((_NPAD,), jnp.float32),
    ],
)


def _h1_body(a0_ref, a1_ref, dp_ref, w0_ref, b0_ref, o_ref):
    a0 = a0_ref[0] + a0_ref[1]
    a1 = a1_ref[0] + a1_ref[1]
    deg = dp_ref[0] + dp_ref[1]
    rs = lax.rsqrt(jnp.maximum(deg, 1.0))
    a = jnp.stack([a0 * rs, a1 * rs], axis=1)
    h = jnp.dot(a, w0_ref[...], preferred_element_type=jnp.float32)
    h = jnp.maximum(h + b0_ref[...], 0.0)
    o_ref[...] = h * rs[:, None]


_h1_tc = pl.pallas_call(
    _h1_body,
    grid=(_NPAD // _B,),
    in_specs=[
        pl.BlockSpec((2, _B), lambda k: (0, k)),
        pl.BlockSpec((2, _B), lambda k: (0, k)),
        pl.BlockSpec((2, _B), lambda k: (0, k)),
        pl.BlockSpec((2, 16), lambda k: (0, 0)),
        pl.BlockSpec((1, 16), lambda k: (0, 0)),
    ],
    out_specs=pl.BlockSpec((_B, 16), lambda k: (k, 0)),
    out_shape=jax.ShapeDtypeStruct((_NPAD, 16), jnp.float32),
)


def _fin_body(ci_ref, cj_ref, h_ref, w1_ref, b1_ref, f1w_ref, f1b_ref,
              f2w_ref, f2b_ref, o_ref, acc, dsum):
    k = pl.program_id(0)

    @pl.when(k == 0)
    def _():
        acc[...] = jnp.zeros_like(acc)
        dsum[...] = jnp.zeros_like(dsum)

    ci = ci_ref[0] + ci_ref[1]
    cj = cj_ref[0] + cj_ref[1]
    h = h_ref[...]
    acc[0:1, :] += jnp.sum(ci[:, None] * h, axis=0, keepdims=True)
    acc[1:2, :] += jnp.sum(cj[:, None] * h, axis=0, keepdims=True)
    dsum[...] += jnp.stack([jnp.sum(ci), jnp.sum(cj)]).reshape(1, 2)

    @pl.when(k == pl.num_programs(0) - 1)
    def _():
        rs2 = lax.rsqrt(jnp.maximum(dsum[...], 1.0))
        agg2 = acc[...] * rs2.reshape(2, 1)
        h2 = jnp.dot(agg2, w1_ref[...], preferred_element_type=jnp.float32)
        h2 = jnp.maximum(h2 + b1_ref[...], 0.0)
        embd = jnp.concatenate([h2[0:1, :], h2[1:2, :]], axis=1)
        r = jnp.dot(embd, f1w_ref[...], preferred_element_type=jnp.float32)
        r = jnp.maximum(r + f1b_ref[...], 0.0)
        o_ref[...] = jnp.dot(r, f2w_ref[...],
                             preferred_element_type=jnp.float32) + f2b_ref[...]


_fin_tc = pl.pallas_call(
    _fin_body,
    grid=(_NPAD // _B,),
    in_specs=[
        pl.BlockSpec((2, _B), lambda k: (0, k)),
        pl.BlockSpec((2, _B), lambda k: (0, k)),
        pl.BlockSpec((_B, 16), lambda k: (k, 0)),
        pl.BlockSpec((16, 16), lambda k: (0, 0)),
        pl.BlockSpec((1, 16), lambda k: (0, 0)),
        pl.BlockSpec((32, 40), lambda k: (0, 0)),
        pl.BlockSpec((1, 40), lambda k: (0, 0)),
        pl.BlockSpec((40, 2), lambda k: (0, 0)),
        pl.BlockSpec((1, 2), lambda k: (0, 0)),
    ],
    out_specs=pl.BlockSpec((1, 2), lambda k: (0, 0)),
    out_shape=jax.ShapeDtypeStruct((1, 2), jnp.float32),
    scratch_shapes=[
        pltpu.VMEM((2, 16), jnp.float32),
        pltpu.VMEM((1, 2), jnp.float32),
    ],
)


def kernel(feature_torch, edge_torch, i, j, W0, b0, W1, b1, fc1_W, fc1_b,
           fc2_W, fc2_b):
    src = edge_torch[0]
    dst = edge_torch[1]
    pad = jnp.full((_EPAD - _E,), _DUMMY, jnp.int32)
    src2 = jnp.concatenate([src, pad]).reshape(_ROWS, 128)
    dst2 = jnp.concatenate([dst, pad]).reshape(_ROWS, 128)
    z1 = jnp.zeros((_NPAD,), jnp.float32)
    iv = jnp.full((16,), i, jnp.int32)
    jv = jnp.full((16,), j, jnp.int32)

    deg_part = _deg_sc(dst2, z1)
    xt = jnp.zeros((2, _NPAD), jnp.float32).at[:, :_N].set(feature_torch.T)
    y0, y1 = _y_tc(deg_part, xt)
    agg0_part, agg1_part, ci_part, cj_part = _agg_sc(
        src2, dst2, y0, y1, iv, jv, z1)
    h1s = _h1_tc(agg0_part, agg1_part, deg_part, W0, b0.reshape(1, 16))
    out = _fin_tc(ci_part, cj_part, h1s, W1, b1.reshape(1, 16),
                  fc1_W, fc1_b.reshape(1, 40), fc2_W, fc2_b.reshape(1, 2))
    return out.reshape(2)

# --- scband reference (transcript-rebuilt; emitter-appended) ---
"""Pipeline reference for scband-gcn-net-16243566313846 (READ-ONLY COPY).

The authoritative reference and input builder live on the scoring server;
editing this copy changes nothing except your own understanding.
"""

import jax, jax.numpy as jnp
import numpy as np

N = 100000
E = 3200000
FEAT = 2
FILTERS = [16, 16]
HIDDEN = 40


def setup_inputs(seed: int = 0) -> dict:
    key = jax.random.key(seed)
    ks = jax.random.split(key, 8)
    feature_torch = jax.random.normal(ks[0], (N, FEAT), dtype=jnp.float32)
    edge_torch = jax.random.randint(ks[1], (2, E), 0, N, dtype=jnp.int32)
    W0 = jax.random.normal(ks[2], (FEAT, FILTERS[0]), dtype=jnp.float32) * 0.1
    b0 = jnp.zeros((FILTERS[0],), dtype=jnp.float32)
    W1 = jax.random.normal(ks[3], (FILTERS[0], FILTERS[1]), dtype=jnp.float32) * 0.1
    b1 = jnp.zeros((FILTERS[1],), dtype=jnp.float32)
    fc1_W = jax.random.normal(ks[4], (2 * FILTERS[1], HIDDEN), dtype=jnp.float32) * 0.1
    fc1_b = jnp.zeros((HIDDEN,), dtype=jnp.float32)
    fc2_W = jax.random.normal(ks[5], (HIDDEN, 2), dtype=jnp.float32) * 0.1
    fc2_b = jnp.zeros((2,), dtype=jnp.float32)
    return {
        'feature_torch': feature_torch,
        'edge_torch': edge_torch,
        'i': 123,
        'j': 4567,
        'W0': W0, 'b0': b0, 'W1': W1, 'b1': b1,
        'fc1_W': fc1_W, 'fc1_b': fc1_b, 'fc2_W': fc2_W, 'fc2_b': fc2_b,
    }


def _gcn_layer(x, src, dst, W, b):
    # symmetric-normalized GCN aggregation: sum_{(s,d) in E} x[s] / sqrt(deg[s]*deg[d])
    deg = jnp.zeros((N,), dtype=jnp.float32).at[dst].add(1.0)
    deg = jnp.clip(deg, 1.0, None)
    norm = jax.lax.rsqrt(deg[src] * deg[dst])
    msgs = x[src] * norm[:, None]
    agg = jax.ops.segment_sum(msgs, dst, num_segments=N)
    return jax.nn.relu(agg @ W + b)


def reference(feature_torch, edge_torch, i, j, W0, b0, W1, b1, fc1_W, fc1_b, fc2_W, fc2_b):
    src = edge_torch[0]
    dst = edge_torch[1]
    h = _gcn_layer(feature_torch, src, dst, W0, b0)
    h = _gcn_layer(h, src, dst, W1, b1)
    embd = jnp.concatenate([h[i], h[j]])
    r = jax.nn.relu(embd @ fc1_W + fc1_b)
    result = r @ fc2_W + fc2_b
    return result

if __name__ == "__main__":
    import jax
    _d = setup_inputs()
    print(jax.jit(kernel)(*tuple(_d.values())))

</pallas_src>

<mosaic_0001>
#map = affine_map<(d0, d1) -> (0, 0)>
#map1 = affine_map<(d0, d1) -> (0)>
module attributes {stable_mosaic.version = 14 : i64} {
  func.func @_deg_sc(%arg0: i32, %arg1: i32, %arg2: memref<25600x128xi32, #tpu.memory_space<hbm>>, %arg3: memref<102400xf32, #tpu.memory_space<hbm>>, %arg4: memref<2x102400xf32, #tpu.memory_space<hbm>>, %arg5: memref<16x128xi32, #tpu.memory_space<vmem>>, %arg6: memref<128xf32, #tpu.memory_space<vmem>>, %arg7: memref<102400xf32, #tpu.memory_space<vmem_shared>>, %arg8: memref<!tpu.dma_semaphore, #tpu.memory_space<semaphore_mem>>, %arg9: memref<!tpu.dma_semaphore, #tpu.memory_space<semaphore_mem>>) attributes {dimension_semantics = [#tpu.dimension_semantics<core_parallel>, #tpu.dimension_semantics<subcore_parallel>], iteration_bounds = array<i64: 2, 16>, scalar_prefetch = 0 : i64, scratch_operands = 5 : i64, tpu.core_type = #tpu.core_type<sc_vector_subcore>, window_params = [{transform_indices = #map}, {transform_indices = #map1}, {transform_indices = #map}]} {
    %mul3A = arith.constant 16 : i32
    %mul3A_0 = arith.muli %arg0, %mul3A : i32
    %add3A = arith.addi %mul3A_0, %arg1 : i32
    %broadcast_in_dim3A = arith.constant 1.000000e+00 : f32
    %broadcast_in_dim3A_1 = vector.broadcast %broadcast_in_dim3A : f32 to vector<16xf32>
    %swap3A = arith.constant 0 : index
    %swap3A_2 = tpu.vector_load %arg6[%swap3A] {strides = array<i32>} : memref<128xf32, #tpu.memory_space<vmem>>, vector<16xf32>,
    %swap3A_3 = vector.shape_cast %swap3A_2 : vector<16xf32> to vector<16xf32>
    %swap3A_4 = vector.shape_cast %broadcast_in_dim3A_1 : vector<16xf32> to vector<16xf32>
    tpu.vector_store %arg6[%swap3A], %swap3A_4 {strides = array<i32>} : memref<128xf32, #tpu.memory_space<vmem>>, vector<16xf32>,
    %broadcast_in_dim3A_5 = arith.constant 1.000000e+00 : f32
    %broadcast_in_dim3A_6 = vector.broadcast %broadcast_in_dim3A_5 : f32 to vector<16xf32>
    %swap3A_7 = arith.constant 16 : index
    %swap3A_8 = tpu.vector_load %arg6[%swap3A_7] {strides = array<i32>} : memref<128xf32, #tpu.memory_space<vmem>>, vector<16xf32>,
    %swap3A_9 = vector.shape_cast %swap3A_8 : vector<16xf32> to vector<16xf32>
    %swap3A_10 = vector.shape_cast %broadcast_in_dim3A_6 : vector<16xf32> to vector<16xf32>
    tpu.vector_store %arg6[%swap3A_7], %swap3A_10 {strides = array<i32>} : memref<128xf32, #tpu.memory_space<vmem>>, vector<16xf32>,
    %broadcast_in_dim3A_11 = arith.constant 1.000000e+00 : f32
    %broadcast_in_dim3A_12 = vector.broadcast %broadcast_in_dim3A_11 : f32 to vector<16xf32>
    %swap3A_13 = arith.constant 32 : index
    %swap3A_14 = tpu.vector_load %arg6[%swap3A_13] {strides = array<i32>} : memref<128xf32, #tpu.memory_space<vmem>>, vector<16xf32>,
    %swap3A_15 = vector.shape_cast %swap3A_14 : vector<16xf32> to vector<16xf32>
    %swap3A_16 = vector.shape_cast %broadcast_in_dim3A_12 : vector<16xf32> to vector<16xf32>
    tpu.vector_store %arg6[%swap3A_13], %swap3A_16 {strides = array<i32>} : memref<128xf32, #tpu.memory_space<vmem>>, vector<16xf32>,
    %broadcast_in_dim3A_17 = arith.constant 1.000000e+00 : f32
    %broadcast_in_dim3A_18 = vector.broadcast %broadcast_in_dim3A_17 : f32 to vector<16xf32>
    %swap3A_19 = arith.constant 48 : index
    %swap3A_20 = tpu.vector_load %arg6[%swap3A_19] {strides = array<i32>} : memref<128xf32, #tpu.memory_space<vmem>>, vector<16xf32>,
    %swap3A_21 = vector.shape_cast %swap3A_20 : vector<16xf32> to vector<16xf32>
    %swap3A_22 = vector.shape_cast %broadcast_in_dim3A_18 : vector<16xf32> to vector<16xf32>
    tpu.vector_store %arg6[%swap3A_19], %swap3A_22 {strides = array<i32>} : memref<128xf32, #tpu.memory_space<vmem>>, vector<16xf32>,
    %broadcast_in_dim3A_23 = arith.constant 1.000000e+00 : f32
    %broadcast_in_dim3A_24 = vector.broadcast %broadcast_in_dim3A_23 : f32 to vector<16xf32>
    %swap3A_25 = arith.constant 64 : index
    %swap3A_26 = tpu.vector_load %arg6[%swap3A_25] {strides = array<i32>} : memref<128xf32, #tpu.memory_space<vmem>>, vector<16xf32>,
    %swap3A_27 = vector.shape_cast %swap3A_26 : vector<16xf32> to vector<16xf32>
    %swap3A_28 = vector.shape_cast %broadcast_in_dim3A_24 : vector<16xf32> to vector<16xf32>
    tpu.vector_store %arg6[%swap3A_25], %swap3A_28 {strides = array<i32>} : memref<128xf32, #tpu.memory_space<vmem>>, vector<16xf32>,
    %broadcast_in_dim3A_29 = arith.constant 1.000000e+00 : f32
    %broadcast_in_dim3A_30 = vector.broadcast %broadcast_in_dim3A_29 : f32 to vector<16xf32>
    %swap3A_31 = arith.constant 80 : index
    %swap3A_32 = tpu.vector_load %arg6[%swap3A_31] {strides = array<i32>} : memref<128xf32, #tpu.memory_space<vmem>>, vector<16xf32>,
    %swap3A_33 = vector.shape_cast %swap3A_32 : vector<16xf32> to vector<16xf32>
    %swap3A_34 = vector.shape_cast %broadcast_in_dim3A_30 : vector<16xf32> to vector<16xf32>
    tpu.vector_store %arg6[%swap3A_31], %swap3A_34 {strides = array<i32>} : memref<128xf32, #tpu.memory_space<vmem>>, vector<16xf32>,
    %broadcast_in_dim3A_35 = arith.constant 1.000000e+00 : f32
    %broadcast_in_dim3A_36 = vector.broadcast %broadcast_in_dim3A_35 : f32 to vector<16xf32>
    %swap3A_37 = arith.constant 96 : index
    %swap3A_38 = tpu.vector_load %arg6[%swap3A_37] {strides = array<i32>} : memref<128xf32, #tpu.memory_space<vmem>>, vector<16xf32>,
    %swap3A_39 = vector.shape_cast %swap3A_38 : vector<16xf32> to vector<16xf32>
    %swap3A_40 = vector.shape_cast %broadcast_in_dim3A_36 : vector<16xf32> to vector<16xf32>
    tpu.vector_store %arg6[%swap3A_37], %swap3A_40 {strides = array<i32>} : memref<128xf32, #tpu.memory_space<vmem>>, vector<16xf32>,
    %broadcast_in_dim3A_41 = arith.constant 1.000000e+00 : f32
    %broadcast_in_dim3A_42 = vector.broadcast %broadcast_in_dim3A_41 : f32 to vector<16xf32>
    %swap3A_43 = arith.constant 112 : index
    %swap3A_44 = tpu.vector_load %arg6[%swap3A_43] {strides = array<i32>} : memref<128xf32, #tpu.memory_space<vmem>>, vector<16xf32>,
    %swap3A_45 = vector.shape_cast %swap3A_44 : vector<16xf32> to vector<16xf32>
    %swap3A_46 = vector.shape_cast %broadcast_in_dim3A_42 : vector<16xf32> to vector<16xf32>
    tpu.vector_store %arg6[%swap3A_43], %swap3A_46 {strides = array<i32>} : memref<128xf32, #tpu.memory_space<vmem>>, vector<16xf32>,
    %mul3A_47 = arith.constant 6400 : i32
    %mul3A_48 = arith.muli %arg1, %mul3A_47 : i32
    "tpu.region"() ({
      %run_scoped3A = tpu.sem_alloc : memref<!tpu.dma_semaphore, #tpu.memory_space<semaphore_mem>>
      %dma_start3A = tpu.memref_slice %arg7[%mul3A_48] : memref<102400xf32, #tpu.memory_space<vmem_shared>> -> memref<6400xf32, #tpu.memory_space<vmem_shared>>
      %dma_start3A_57 = tpu.memref_slice %arg3[%mul3A_48] : memref<102400xf32, #tpu.memory_space<hbm>> -> memref<6400xf32, #tpu.memory_space<hbm>>
      tpu.enqueue_dma source(%dma_start3A_57 : memref<6400xf32, #tpu.memory_space<hbm>>) target(%dma_start3A : memref<6400xf32, #tpu.memory_space<vmem_shared>>) target_semaphore(%run_scoped3A : memref<!tpu.dma_semaphore, #tpu.memory_space<semaphore_mem>>)
      %dma_wait3A = tpu.memref_slice %arg7[%mul3A_48] : memref<102400xf32, #tpu.memory_space<vmem_shared>> -> memref<6400xf32, #tpu.memory_space<vmem_shared>>
      %dma_wait3A_58 = tpu.memref_slice %arg3[%mul3A_48] : memref<102400xf32, #tpu.memory_space<hbm>> -> memref<6400xf32, #tpu.memory_space<hbm>>
      tpu.wait_dma2 semaphore(%run_scoped3A : memref<!tpu.dma_semaphore, #tpu.memory_space<semaphore_mem>>) src(%dma_wait3A_58 : memref<6400xf32, #tpu.memory_space<hbm>>) dst(%dma_wait3A : memref<6400xf32, #tpu.memory_space<vmem_shared>>)
      tpu.yield
    }) : () -> ()
    %barrier3A = arith.constant 0 : index
    tpu.barrier barrier_id(%barrier3A)
    %mul3A_49 = arith.constant 800 : i32
    %mul3A_50 = arith.muli %add3A, %mul3A_49 : i32
    %scan3A = arith.constant 0 : i32
    %scan3A_51 = arith.constant 0 : i32
    %scan3A_52 = arith.constant 50 : i32
    %scan3A_53 = arith.addi %scan3A_51, %scan3A_52 : i32
    %scan3A_54 = arith.constant 1 : i32
    scf.for %scan3A_57 = %scan3A_51 to %scan3A_53 step %scan3A_54  : i32 {
      %mul3A_58 = arith.constant 16 : i32
      %mul3A_59 = arith.muli %scan3A_57, %mul3A_58 : i32
      %add3A_60 = arith.addi %mul3A_50, %mul3A_59 : i32
      "tpu.region"() ({
        %run_scoped3A = tpu.sem_alloc : memref<!tpu.dma_semaphore, #tpu.memory_space<semaphore_mem>>
        %dma_start3A = arith.constant 0 : i32
        %dma_start3A_67 = tpu.memref_slice %arg2[%add3A_60, %dma_start3A] : memref<25600x128xi32, #tpu.memory_space<hbm>> -> memref<16x128xi32, #tpu.memory_space<hbm>>
        %dma_start3A_68 = arith.constant 0 : i32
        %dma_start3A_69 = tpu.memref_slice %arg2[%add3A_60, %dma_start3A_68] : memref<25600x128xi32, #tpu.memory_space<hbm>> -> memref<16x128xi32, #tpu.memory_space<hbm>>
        tpu.enqueue_dma source(%dma_start3A_69 : memref<16x128xi32, #tpu.memory_space<hbm>>) target(%arg5 : memref<16x128xi32, #tpu.memory_space<vmem>>) target_semaphore(%run_scoped3A : memref<!tpu.dma_semaphore, #tpu.memory_space<semaphore_mem>>)
        %dma_wait3A = arith.constant 0 : i32
        %dma_wait3A_70 = tpu.memref_slice %arg2[%add3A_60, %dma_wait3A] : memref<25600x128xi32, #tpu.memory_space<hbm>> -> memref<16x128xi32, #tpu.memory_space<hbm>>
        %dma_wait3A_71 = arith.constant 0 : i32
        %dma_wait3A_72 = tpu.memref_slice %arg2[%add3A_60, %dma_wait3A_71] : memref<25600x128xi32, #tpu.memory_space<hbm>> -> memref<16x128xi32, #tpu.memory_space<hbm>>
        tpu.wait_dma2 semaphore(%run_scoped3A : memref<!tpu.dma_semaphore, #tpu.memory_space<semaphore_mem>>) src(%dma_wait3A_72 : memref<16x128xi32, #tpu.memory_space<hbm>>) dst(%arg5 : memref<16x128xi32, #tpu.memory_space<vmem>>)
        tpu.yield
      }) : () -> ()
      %scan3A_61 = arith.constant 0 : i32
      %scan3A_62 = arith.constant 0 : i32
      %scan3A_63 = arith.constant 4 : i32
      %scan3A_64 = arith.addi %scan3A_62, %scan3A_63 : i32
      %scan3A_65 = arith.constant 1 : i32
      scf.for %scan3A_67 = %scan3A_62 to %scan3A_64 step %scan3A_65  : i32 {
        %mul3A_68 = arith.constant 4 : i32
        %mul3A_69 = arith.muli %mul3A_68, %scan3A_67 : i32
        %dma_start3A = arith.constant 0 : i32
        %dma_start3A_70 = tpu.memref_slice %arg5[%mul3A_69, %dma_start3A] : memref<16x128xi32, #tpu.memory_space<vmem>> -> memref<1x128xi32, #tpu.memory_space<vmem>>
        %dma_start3A_71 = tpu.memref_squeeze %dma_start3A_70 : memref<1x128xi32, #tpu.memory_space<vmem>> -> memref<128xi32, #tpu.memory_space<vmem>>
        %dma_start3A_72 = arith.constant 0 : i32
        %dma_start3A_73 = tpu.memref_slice %arg7[%dma_start3A_72] : memref<102400xf32, #tpu.memory_space<vmem_shared>> -> memref<102400xf32, #tpu.memory_space<vmem_shared>>
        tpu.enqueue_indirect_dma source(%arg6 : memref<128xf32, #tpu.memory_space<vmem>>) target(%dma_start3A_73 : memref<102400xf32, #tpu.memory_space<vmem_shared>>) offsets(%dma_start3A_71 : memref<128xi32, #tpu.memory_space<vmem>>) semaphore(%arg8 : memref<!tpu.dma_semaphore, #tpu.memory_space<semaphore_mem>>) {add = true}
        %add3A_74 = arith.constant 1 : i32
        %add3A_75 = arith.addi %mul3A_69, %add3A_74 : i32
        %dma_start3A_76 = arith.constant 0 : i32
        %dma_start3A_77 = tpu.memref_slice %arg5[%add3A_75, %dma_start3A_76] : memref<16x128xi32, #tpu.memory_space<vmem>> -> memref<1x128xi32, #tpu.memory_space<vmem>>
        %dma_start3A_78 = tpu.memref_squeeze %dma_start3A_77 : memref<1x128xi32, #tpu.memory_space<vmem>> -> memref<128xi32, #tpu.memory_space<vmem>>
        %dma_start3A_79 = arith.constant 0 : i32
        %dma_start3A_80 = tpu.memref_slice %arg7[%dma_start3A_79] : memref<102400xf32, #tpu.memory_space<vmem_shared>> -> memref<102400xf32, #tpu.memory_space<vmem_shared>>
        tpu.enqueue_indirect_dma source(%arg6 : memref<128xf32, #tpu.memory_space<vmem>>) target(%dma_start3A_80 : memref<102400xf32, #tpu.memory_space<vmem_shared>>) offsets(%dma_start3A_78 : memref<128xi32, #tpu.memory_space<vmem>>) semaphore(%arg9 : memref<!tpu.dma_semaphore, #tpu.memory_space<semaphore_mem>>) {add = true}
        %add3A_81 = arith.constant 2 : i32
        %add3A_82 = arith.addi %mul3A_69, %add3A_81 : i32
        %dma_start3A_83 = arith.constant 0 : i32
        %dma_start3A_84 = tpu.memref_slice %arg5[%add3A_82, %dma_start3A_83] : memref<16x128xi32, #tpu.memory_space<vmem>> -> memref<1x128xi32, #tpu.memory_space<vmem>>
        %dma_start3A_85 = tpu.memref_squeeze %dma_start3A_84 : memref<1x128xi32, #tpu.memory_space<vmem>> -> memref<128xi32, #tpu.memory_space<vmem>>
        %dma_start3A_86 = arith.constant 0 : i32
        %dma_start3A_87 = tpu.memref_slice %arg7[%dma_start3A_86] : memref<102400xf32, #tpu.memory_space<vmem_shared>> -> memref<102400xf32, #tpu.memory_space<vmem_shared>>
        tpu.enqueue_indirect_dma source(%arg6 : memref<128xf32, #tpu.memory_space<vmem>>) target(%dma_start3A_87 : memref<102400xf32, #tpu.memory_space<vmem_shared>>) offsets(%dma_start3A_85 : memref<128xi32, #tpu.memory_space<vmem>>) semaphore(%arg8 : memref<!tpu.dma_semaphore, #tpu.memory_space<semaphore_mem>>) {add = true}
        %add3A_88 = arith.constant 3 : i32
        %add3A_89 = arith.addi %mul3A_69, %add3A_88 : i32
        %dma_start3A_90 = arith.constant 0 : i32
        %dma_start3A_91 = tpu.memref_slice %arg5[%add3A_89, %dma_start3A_90] : memref<16x128xi32, #tpu.memory_space<vmem>> -> memref<1x128xi32, #tpu.memory_space<vmem>>
        %dma_start3A_92 = tpu.memref_squeeze %dma_start3A_91 : memref<1x128xi32, #tpu.memory_space<vmem>> -> memref<128xi32, #tpu.memory_space<vmem>>
        %dma_start3A_93 = arith.constant 0 : i32
        %dma_start3A_94 = tpu.memref_slice %arg7[%dma_start3A_93] : memref<102400xf32, #tpu.memory_space<vmem_shared>> -> memref<102400xf32, #tpu.memory_space<vmem_shared>>
        tpu.enqueue_indirect_dma source(%arg6 : memref<128xf32, #tpu.memory_space<vmem>>) target(%dma_start3A_94 : memref<102400xf32, #tpu.memory_space<vmem_shared>>) offsets(%dma_start3A_92 : memref<128xi32, #tpu.memory_space<vmem>>) semaphore(%arg9 : memref<!tpu.dma_semaphore, #tpu.memory_space<semaphore_mem>>) {add = true}
        %dma_wait3A = arith.constant 0 : i32
        %dma_wait3A_95 = tpu.memref_slice %arg5[%mul3A_69, %dma_wait3A] : memref<16x128xi32, #tpu.memory_space<vmem>> -> memref<1x128xi32, #tpu.memory_space<vmem>>
        %dma_wait3A_96 = tpu.memref_squeeze %dma_wait3A_95 : memref<1x128xi32, #tpu.memory_space<vmem>> -> memref<128xi32, #tpu.memory_space<vmem>>
        %dma_wait3A_97 = arith.constant 0 : i32
        %dma_wait3A_98 = tpu.memref_slice %arg7[%dma_wait3A_97] : memref<102400xf32, #tpu.memory_space<vmem_shared>> -> memref<102400xf32, #tpu.memory_space<vmem_shared>>
        tpu.wait_indirect_dma semaphore(%arg8 : memref<!tpu.dma_semaphore, #tpu.memory_space<semaphore_mem>>) src(%arg6 : memref<128xf32, #tpu.memory_space<vmem>>) dst(%dma_wait3A_98 : memref<102400xf32, #tpu.memory_space<vmem_shared>>)
        %dma_wait3A_99 = arith.constant 0 : i32
        %dma_wait3A_100 = tpu.memref_slice %arg5[%add3A_75, %dma_wait3A_99] : memref<16x128xi32, #tpu.memory_space<vmem>> -> memref<1x128xi32, #tpu.memory_space<vmem>>
        %dma_wait3A_101 = tpu.memref_squeeze %dma_wait3A_100 : memref<1x128xi32, #tpu.memory_space<vmem>> -> memref<128xi32, #tpu.memory_space<vmem>>
        %dma_wait3A_102 = arith.constant 0 : i32
        %dma_wait3A_103 = tpu.memref_slice %arg7[%dma_wait3A_102] : memref<102400xf32, #tpu.memory_space<vmem_shared>> -> memref<102400xf32, #tpu.memory_space<vmem_shared>>
        tpu.wait_indirect_dma semaphore(%arg9 : memref<!tpu.dma_semaphore, #tpu.memory_space<semaphore_mem>>) src(%arg6 : memref<128xf32, #tpu.memory_space<vmem>>) dst(%dma_wait3A_103 : memref<102400xf32, #tpu.memory_space<vmem_shared>>)
        %dma_wait3A_104 = arith.constant 0 : i32
        %dma_wait3A_105 = tpu.memref_slice %arg5[%add3A_82, %dma_wait3A_104] : memref<16x128xi32, #tpu.memory_space<vmem>> -> memref<1x128xi32, #tpu.memory_space<vmem>>
        %dma_wait3A_106 = tpu.memref_squeeze %dma_wait3A_105 : memref<1x128xi32, #tpu.memory_space<vmem>> -> memref<128xi32, #tpu.memory_space<vmem>>
        %dma_wait3A_107 = arith.constant 0 : i32
        %dma_wait3A_108 = tpu.memref_slice %arg7[%dma_wait3A_107] : memref<102400xf32, #tpu.memory_space<vmem_shared>> -> memref<102400xf32, #tpu.memory_space<vmem_shared>>
        tpu.wait_indirect_dma semaphore(%arg8 : memref<!tpu.dma_semaphore, #tpu.memory_space<semaphore_mem>>) src(%arg6 : memref<128xf32, #tpu.memory_space<vmem>>) dst(%dma_wait3A_108 : memref<102400xf32, #tpu.memory_space<vmem_shared>>)
        %dma_wait3A_109 = arith.constant 0 : i32
        %dma_wait3A_110 = tpu.memref_slice %arg5[%add3A_89, %dma_wait3A_109] : memref<16x128xi32, #tpu.memory_space<vmem>> -> memref<1x128xi32, #tpu.memory_space<vmem>>
        %dma_wait3A_111 = tpu.memref_squeeze %dma_wait3A_110 : memref<1x128xi32, #tpu.memory_space<vmem>> -> memref<128xi32, #tpu.memory_space<vmem>>
        %dma_wait3A_112 = arith.constant 0 : i32
        %dma_wait3A_113 = tpu.memref_slice %arg7[%dma_wait3A_112] : memref<102400xf32, #tpu.memory_space<vmem_shared>> -> memref<102400xf32, #tpu.memory_space<vmem_shared>>
        tpu.wait_indirect_dma semaphore(%arg9 : memref<!tpu.dma_semaphore, #tpu.memory_space<semaphore_mem>>) src(%arg6 : memref<128xf32, #tpu.memory_space<vmem>>) dst(%dma_wait3A_113 : memref<102400xf32, #tpu.memory_space<vmem_shared>>)
      }
      %scan3A_66 = arith.constant 4 : i32
    }
    %scan3A_55 = arith.constant 50 : i32
    %barrier3A_56 = arith.constant 0 : index
    tpu.barrier barrier_id(%barrier3A_56)
    "tpu.region"() ({
      %run_scoped3A = tpu.sem_alloc : memref<!tpu.dma_semaphore, #tpu.memory_space<semaphore_mem>>
      %dma_start3A = tpu.memref_slice %arg4[%arg0, %mul3A_48] : memref<2x102400xf32, #tpu.memory_space<hbm>> -> memref<1x6400xf32, #tpu.memory_space<hbm>>
      %dma_start3A_57 = tpu.memref_squeeze %dma_start3A : memref<1x6400xf32, #tpu.memory_space<hbm>> -> memref<6400xf32, #tpu.memory_space<hbm>>
      %dma_start3A_58 = tpu.memref_slice %arg7[%mul3A_48] : memref<102400xf32, #tpu.memory_space<vmem_shared>> -> memref<6400xf32, #tpu.memory_space<vmem_shared>>
      tpu.enqueue_dma source(%dma_start3A_58 : memref<6400xf32, #tpu.memory_space<vmem_shared>>) target(%dma_start3A_57 : memref<6400xf32, #tpu.memory_space<hbm>>) target_semaphore(%run_scoped3A : memref<!tpu.dma_semaphore, #tpu.memory_space<semaphore_mem>>)
      %dma_wait3A = tpu.memref_slice %arg4[%arg0, %mul3A_48] : memref<2x102400xf32, #tpu.memory_space<hbm>> -> memref<1x6400xf32, #tpu.memory_space<hbm>>
      %dma_wait3A_59 = tpu.memref_squeeze %dma_wait3A : memref<1x6400xf32, #tpu.memory_space<hbm>> -> memref<6400xf32, #tpu.memory_space<hbm>>
      %dma_wait3A_60 = tpu.memref_slice %arg7[%mul3A_48] : memref<102400xf32, #tpu.memory_space<vmem_shared>> -> memref<6400xf32, #tpu.memory_space<vmem_shared>>
      tpu.wait_dma2 semaphore(%run_scoped3A : memref<!tpu.dma_semaphore, #tpu.memory_space<semaphore_mem>>) src(%dma_wait3A_60 : memref<6400xf32, #tpu.memory_space<vmem_shared>>) dst(%dma_wait3A_59 : memref<6400xf32, #tpu.memory_space<hbm>>)
      tpu.yield
    }) : () -> ()
    return
  }
}

#map = affine_map<(d0, d1) -> (0, 0)>
#map1 = affine_map<(d0, d1) -> (0)>
module attributes {stable_mosaic.version = 14 : i64} {
  func.func @_agg_sc(%arg0: i32, %arg1: i32, %arg2: memref<25600x128xi32, #tpu.memory_space<hbm>>, %arg3: memref<25600x128xi32, #tpu.memory_space<hbm>>, %arg4: memref<102400xf32, #tpu.memory_space<hbm>>, %arg5: memref<102400xf32, #tpu.memory_space<hbm>>, %arg6: memref<16xi32, #tpu.memory_space<hbm>>, %arg7: memref<16xi32, #tpu.memory_space<hbm>>, %arg8: memref<102400xf32, #tpu.memory_space<hbm>>, %arg9: memref<2x102400xf32, #tpu.memory_space<hbm>>, %arg10: memref<2x102400xf32, #tpu.memory_space<hbm>>, %arg11: memref<2x102400xf32, #tpu.memory_space<hbm>>, %arg12: memref<2x102400xf32, #tpu.memory_space<hbm>>, %arg13: memref<16x128xi32, #tpu.memory_space<vmem>>, %arg14: memref<16x128xi32, #tpu.memory_space<vmem>>, %arg15: memref<128xf32, #tpu.memory_space<vmem>>, %arg16: memref<128xf32, #tpu.memory_space<vmem>>, %arg17: memref<128xf32, #tpu.memory_space<vmem>>, %arg18: memref<128xf32, #tpu.memory_space<vmem>>, %arg19: memref<128xf32, #tpu.memory_space<vmem>>, %arg20: memref<128xf32, #tpu.memory_space<vmem>>, %arg21: memref<128xf32, #tpu.memory_space<vmem>>, %arg22: memref<128xf32, #tpu.memory_space<vmem>>, %arg23: memref<16xi32, #tpu.memory_space<vmem>>, %arg24: memref<16xi32, #tpu.memory_space<vmem>>, %arg25: memref<102400xf32, #tpu.memory_space<vmem_shared>>, %arg26: memref<102400xf32, #tpu.memory_space<vmem_shared>>, %arg27: memref<102400xf32, #tpu.memory_space<vmem_shared>>, %arg28: memref<102400xf32, #tpu.memory_space<vmem_shared>>, %arg29: memref<102400xf32, #tpu.memory_space<vmem_shared>>, %arg30: memref<102400xf32, #tpu.memory_space<vmem_shared>>, %arg31: memref<!tpu.dma_semaphore, #tpu.memory_space<semaphore_mem>>, %arg32: memref<!tpu.dma_semaphore, #tpu.memory_space<semaphore_mem>>, %arg33: memref<!tpu.dma_semaphore, #tpu.memory_space<semaphore_mem>>, %arg34: memref<!tpu.dma_semaphore, #tpu.memory_space<semaphore_mem>>) attributes {dimension_semantics = [#tpu.dimension_semantics<core_parallel>, #tpu.dimension_semantics<subcore_parallel>], iteration_bounds = array<i64: 2, 16>, scalar_prefetch = 0 : i64, scratch_operands = 22 : i64, tpu.core_type = #tpu.core_type<sc_vector_subcore>, window_params = [{transform_indices = #map}, {transform_indices = #map}, {transform_indices = #map1}, {transform_indices = #map1}, {transform_indices = #map1}, {transform_indices = #map1}, {transform_indices = #map1}, {transform_indices = #map}, {transform_indices = #map}, {transform_indices = #map}, {transform_indices = #map}]} {
    %mul3A = arith.constant 16 : i32
    %mul3A_0 = arith.muli %arg0, %mul3A : i32
    %add3A = arith.addi %mul3A_0, %arg1 : i32
    %mul3A_1 = arith.constant 6400 : i32
    %mul3A_2 = arith.muli %arg1, %mul3A_1 : i32
    "tpu.region"() ({
      %run_scoped3A = tpu.sem_alloc : memref<!tpu.dma_semaphore, #tpu.memory_space<semaphore_mem>>
      %dma_start3A = tpu.memref_slice %arg25[%mul3A_2] : memref<102400xf32, #tpu.memory_space<vmem_shared>> -> memref<6400xf32, #tpu.memory_space<vmem_shared>>
      %dma_start3A_11 = tpu.memref_slice %arg4[%mul3A_2] : memref<102400xf32, #tpu.memory_space<hbm>> -> memref<6400xf32, #tpu.memory_space<hbm>>
      tpu.enqueue_dma source(%dma_start3A_11 : memref<6400xf32, #tpu.memory_space<hbm>>) target(%dma_start3A : memref<6400xf32, #tpu.memory_space<vmem_shared>>) target_semaphore(%run_scoped3A : memref<!tpu.dma_semaphore, #tpu.memory_space<semaphore_mem>>)
      %dma_wait3A = tpu.memref_slice %arg25[%mul3A_2] : memref<102400xf32, #tpu.memory_space<vmem_shared>> -> memref<6400xf32, #tpu.memory_space<vmem_shared>>
      %dma_wait3A_12 = tpu.memref_slice %arg4[%mul3A_2] : memref<102400xf32, #tpu.memory_space<hbm>> -> memref<6400xf32, #tpu.memory_space<hbm>>
      tpu.wait_dma2 semaphore(%run_scoped3A : memref<!tpu.dma_semaphore, #tpu.memory_space<semaphore_mem>>) src(%dma_wait3A_12 : memref<6400xf32, #tpu.memory_space<hbm>>) dst(%dma_wait3A : memref<6400xf32, #tpu.memory_space<vmem_shared>>)
      tpu.yield
    }) : () -> ()
    "tpu.region"() ({
      %run_scoped3A = tpu.sem_alloc : memref<!tpu.dma_semaphore, #tpu.memory_space<semaphore_mem>>
      %dma_start3A = tpu.memref_slice %arg26[%mul3A_2] : memref<102400xf32, #tpu.memory_space<vmem_shared>> -> memref<6400xf32, #tpu.memory_space<vmem_shared>>
      %dma_start3A_11 = tpu.memref_slice %arg5[%mul3A_2] : memref<102400xf32, #tpu.memory_space<hbm>> -> memref<6400xf32, #tpu.memory_space<hbm>>
      tpu.enqueue_dma source(%dma_start3A_11 : memref<6400xf32, #tpu.memory_space<hbm>>) target(%dma_start3A : memref<6400xf32, #tpu.memory_space<vmem_shared>>) target_semaphore(%run_scoped3A : memref<!tpu.dma_semaphore, #tpu.memory_space<semaphore_mem>>)
      %dma_wait3A = tpu.memref_slice %arg26[%mul3A_2] : memref<102400xf32, #tpu.memory_space<vmem_shared>> -> memref<6400xf32, #tpu.memory_space<vmem_shared>>
      %dma_wait3A_12 = tpu.memref_slice %arg5[%mul3A_2] : memref<102400xf32, #tpu.memory_space<hbm>> -> memref<6400xf32, #tpu.memory_space<hbm>>
      tpu.wait_dma2 semaphore(%run_scoped3A : memref<!tpu.dma_semaphore, #tpu.memory_space<semaphore_mem>>) src(%dma_wait3A_12 : memref<6400xf32, #tpu.memory_space<hbm>>) dst(%dma_wait3A : memref<6400xf32, #tpu.memory_space<vmem_shared>>)
      tpu.yield
    }) : () -> ()
    "tpu.region"() ({
      %run_scoped3A = tpu.sem_alloc : memref<!tpu.dma_semaphore, #tpu.memory_space<semaphore_mem>>
      %dma_start3A = tpu.memref_slice %arg27[%mul3A_2] : memref<102400xf32, #tpu.memory_space<vmem_shared>> -> memref<6400xf32, #tpu.memory_space<vmem_shared>>
      %dma_start3A_11 = tpu.memref_slice %arg8[%mul3A_2] : memref<102400xf32, #tpu.memory_space<hbm>> -> memref<6400xf32, #tpu.memory_space<hbm>>
      tpu.enqueue_dma source(%dma_start3A_11 : memref<6400xf32, #tpu.memory_space<hbm>>) target(%dma_start3A : memref<6400xf32, #tpu.memory_space<vmem_shared>>) target_semaphore(%run_scoped3A : memref<!tpu.dma_semaphore, #tpu.memory_space<semaphore_mem>>)
      %dma_wait3A = tpu.memref_slice %arg27[%mul3A_2] : memref<102400xf32, #tpu.memory_space<vmem_shared>> -> memref<6400xf32, #tpu.memory_space<vmem_shared>>
      %dma_wait3A_12 = tpu.memref_slice %arg8[%mul3A_2] : memref<102400xf32, #tpu.memory_space<hbm>> -> memref<6400xf32, #tpu.memory_space<hbm>>
      tpu.wait_dma2 semaphore(%run_scoped3A : memref<!tpu.dma_semaphore, #tpu.memory_space<semaphore_mem>>) src(%dma_wait3A_12 : memref<6400xf32, #tpu.memory_space<hbm>>) dst(%dma_wait3A : memref<6400xf32, #tpu.memory_space<vmem_shared>>)
      tpu.yield
    }) : () -> ()
    "tpu.region"() ({
      %run_scoped3A = tpu.sem_alloc : memref<!tpu.dma_semaphore, #tpu.memory_space<semaphore_mem>>
      %dma_start3A = tpu.memref_slice %arg28[%mul3A_2] : memref<102400xf32, #tpu.memory_space<vmem_shared>> -> memref<6400xf32, #tpu.memory_space<vmem_shared>>
      %dma_start3A_11 = tpu.memref_slice %arg8[%mul3A_2] : memref<102400xf32, #tpu.memory_space<hbm>> -> memref<6400xf32, #tpu.memory_space<hbm>>
      tpu.enqueue_dma source(%dma_start3A_11 : memref<6400xf32, #tpu.memory_space<hbm>>) target(%dma_start3A : memref<6400xf32, #tpu.memory_space<vmem_shared>>) target_semaphore(%run_scoped3A : memref<!tpu.dma_semaphore, #tpu.memory_space<semaphore_mem>>)
      %dma_wait3A = tpu.memref_slice %arg28[%mul3A_2] : memref<102400xf32, #tpu.memory_space<vmem_shared>> -> memref<6400xf32, #tpu.memory_space<vmem_shared>>
      %dma_wait3A_12 = tpu.memref_slice %arg8[%mul3A_2] : memref<102400xf32, #tpu.memory_space<hbm>> -> memref<6400xf32, #tpu.memory_space<hbm>>
      tpu.wait_dma2 semaphore(%run_scoped3A : memref<!tpu.dma_semaphore, #tpu.memory_space<semaphore_mem>>) src(%dma_wait3A_12 : memref<6400xf32, #tpu.memory_space<hbm>>) dst(%dma_wait3A : memref<6400xf32, #tpu.memory_space<vmem_shared>>)
      tpu.yield
    }) : () -> ()
    "tpu.region"() ({
      %run_scoped3A = tpu.sem_alloc : memref<!tpu.dma_semaphore, #tpu.memory_space<semaphore_mem>>
      %dma_start3A = tpu.memref_slice %arg29[%mul3A_2] : memref<102400xf32, #tpu.memory_space<vmem_shared>> -> memref<6400xf32, #tpu.memory_space<vmem_shared>>
      %dma_start3A_11 = tpu.memref_slice %arg8[%mul3A_2] : memref<102400xf32, #tpu.memory_space<hbm>> -> memref<6400xf32, #tpu.memory_space<hbm>>
      tpu.enqueue_dma source(%dma_start3A_11 : memref<6400xf32, #tpu.memory_space<hbm>>) target(%dma_start3A : memref<6400xf32, #tpu.memory_space<vmem_shared>>) target_semaphore(%run_scoped3A : memref<!tpu.dma_semaphore, #tpu.memory_space<semaphore_mem>>)
      %dma_wait3A = tpu.memref_slice %arg29[%mul3A_2] : memref<102400xf32, #tpu.memory_space<vmem_shared>> -> memref<6400xf32, #tpu.memory_space<vmem_shared>>
      %dma_wait3A_12 = tpu.memref_slice %arg8[%mul3A_2] : memref<102400xf32, #tpu.memory_space<hbm>> -> memref<6400xf32, #tpu.memory_space<hbm>>
      tpu.wait_dma2 semaphore(%run_scoped3A : memref<!tpu.dma_semaphore, #tpu.memory_space<semaphore_mem>>) src(%dma_wait3A_12 : memref<6400xf32, #tpu.memory_space<hbm>>) dst(%dma_wait3A : memref<6400xf32, #tpu.memory_space<vmem_shared>>)
      tpu.yield
    }) : () -> ()
    "tpu.region"() ({
      %run_scoped3A = tpu.sem_alloc : memref<!tpu.dma_semaphore, #tpu.memory_space<semaphore_mem>>
      %dma_start3A = tpu.memref_slice %arg30[%mul3A_2] : memref<102400xf32, #tpu.memory_space<vmem_shared>> -> memref<6400xf32, #tpu.memory_space<vmem_shared>>
      %dma_start3A_11 = tpu.memref_slice %arg8[%mul3A_2] : memref<102400xf32, #tpu.memory_space<hbm>> -> memref<6400xf32, #tpu.memory_space<hbm>>
      tpu.enqueue_dma source(%dma_start3A_11 : memref<6400xf32, #tpu.memory_space<hbm>>) target(%dma_start3A : memref<6400xf32, #tpu.memory_space<vmem_shared>>) target_semaphore(%run_scoped3A : memref<!tpu.dma_semaphore, #tpu.memory_space<semaphore_mem>>)
      %dma_wait3A = tpu.memref_slice %arg30[%mul3A_2] : memref<102400xf32, #tpu.memory_space<vmem_shared>> -> memref<6400xf32, #tpu.memory_space<vmem_shared>>
      %dma_wait3A_12 = tpu.memref_slice %arg8[%mul3A_2] : memref<102400xf32, #tpu.memory_space<hbm>> -> memref<6400xf32, #tpu.memory_space<hbm>>
      tpu.wait_dma2 semaphore(%run_scoped3A : memref<!tpu.dma_semaphore, #tpu.memory_space<semaphore_mem>>) src(%dma_wait3A_12 : memref<6400xf32, #tpu.memory_space<hbm>>) dst(%dma_wait3A : memref<6400xf32, #tpu.memory_space<vmem_shared>>)
      tpu.yield
    }) : () -> ()
    "tpu.region"() ({
      %run_scoped3A = tpu.sem_alloc : memref<!tpu.dma_semaphore, #tpu.memory_space<semaphore_mem>>
      tpu.enqueue_dma source(%arg6 : memref<16xi32, #tpu.memory_space<hbm>>) target(%arg23 : memref<16xi32, #tpu.memory_space<vmem>>) target_semaphore(%run_scoped3A : memref<!tpu.dma_semaphore, #tpu.memory_space<semaphore_mem>>)
      tpu.wait_dma2 semaphore(%run_scoped3A : memref<!tpu.dma_semaphore, #tpu.memory_space<semaphore_mem>>) src(%arg6 : memref<16xi32, #tpu.memory_space<hbm>>) dst(%arg23 : memref<16xi32, #tpu.memory_space<vmem>>)
      tpu.yield
    }) : () -> ()
    "tpu.region"() ({
      %run_scoped3A = tpu.sem_alloc : memref<!tpu.dma_semaphore, #tpu.memory_space<semaphore_mem>>
      tpu.enqueue_dma source(%arg7 : memref<16xi32, #tpu.memory_space<hbm>>) target(%arg24 : memref<16xi32, #tpu.memory_space<vmem>>) target_semaphore(%run_scoped3A : memref<!tpu.dma_semaphore, #tpu.memory_space<semaphore_mem>>)
      tpu.wait_dma2 semaphore(%run_scoped3A : memref<!tpu.dma_semaphore, #tpu.memory_space<semaphore_mem>>) src(%arg7 : memref<16xi32, #tpu.memory_space<hbm>>) dst(%arg24 : memref<16xi32, #tpu.memory_space<vmem>>)
      tpu.yield
    }) : () -> ()
    %barrier3A = arith.constant 0 : index
    tpu.barrier barrier_id(%barrier3A)
    %mul3A_3 = arith.constant 800 : i32
    %mul3A_4 = arith.muli %add3A, %mul3A_3 : i32
    %scan3A = arith.constant 0 : i32
    %scan3A_5 = arith.constant 0 : i32
    %scan3A_6 = arith.constant 50 : i32
    %scan3A_7 = arith.addi %scan3A_5, %scan3A_6 : i32
    %scan3A_8 = arith.constant 1 : i32
    scf.for %scan3A_11 = %scan3A_5 to %scan3A_7 step %scan3A_8  : i32 {
      %mul3A_12 = arith.constant 16 : i32
      %mul3A_13 = arith.muli %scan3A_11, %mul3A_12 : i32
      %add3A_14 = arith.addi %mul3A_4, %mul3A_13 : i32
      "tpu.region"() ({
        %run_scoped3A = tpu.sem_alloc : memref<!tpu.dma_semaphore, #tpu.memory_space<semaphore_mem>>
        %dma_start3A = arith.constant 0 : i32
        %dma_start3A_26 = tpu.memref_slice %arg2[%add3A_14, %dma_start3A] : memref<25600x128xi32, #tpu.memory_space<hbm>> -> memref<16x128xi32, #tpu.memory_space<hbm>>
        %dma_start3A_27 = arith.constant 0 : i32
        %dma_start3A_28 = tpu.memref_slice %arg2[%add3A_14, %dma_start3A_27] : memref<25600x128xi32, #tpu.memory_space<hbm>> -> memref<16x128xi32, #tpu.memory_space<hbm>>
        tpu.enqueue_dma source(%dma_start3A_28 : memref<16x128xi32, #tpu.memory_space<hbm>>) target(%arg13 : memref<16x128xi32, #tpu.memory_space<vmem>>) target_semaphore(%run_scoped3A : memref<!tpu.dma_semaphore, #tpu.memory_space<semaphore_mem>>)
        %dma_wait3A = arith.constant 0 : i32
        %dma_wait3A_29 = tpu.memref_slice %arg2[%add3A_14, %dma_wait3A] : memref<25600x128xi32, #tpu.memory_space<hbm>> -> memref<16x128xi32, #tpu.memory_space<hbm>>
        %dma_wait3A_30 = arith.constant 0 : i32
        %dma_wait3A_31 = tpu.memref_slice %arg2[%add3A_14, %dma_wait3A_30] : memref<25600x128xi32, #tpu.memory_space<hbm>> -> memref<16x128xi32, #tpu.memory_space<hbm>>
        tpu.wait_dma2 semaphore(%run_scoped3A : memref<!tpu.dma_semaphore, #tpu.memory_space<semaphore_mem>>) src(%dma_wait3A_31 : memref<16x128xi32, #tpu.memory_space<hbm>>) dst(%arg13 : memref<16x128xi32, #tpu.memory_space<vmem>>)
        tpu.yield
      }) : () -> ()
      "tpu.region"() ({
        %run_scoped3A = tpu.sem_alloc : memref<!tpu.dma_semaphore, #tpu.memory_space<semaphore_mem>>
        %dma_start3A = arith.constant 0 : i32
        %dma_start3A_26 = tpu.memref_slice %arg3[%add3A_14, %dma_start3A] : memref<25600x128xi32, #tpu.memory_space<hbm>> -> memref<16x128xi32, #tpu.memory_space<hbm>>
        %dma_start3A_27 = arith.constant 0 : i32
        %dma_start3A_28 = tpu.memref_slice %arg3[%add3A_14, %dma_start3A_27] : memref<25600x128xi32, #tpu.memory_space<hbm>> -> memref<16x128xi32, #tpu.memory_space<hbm>>
        tpu.enqueue_dma source(%dma_start3A_28 : memref<16x128xi32, #tpu.memory_space<hbm>>) target(%arg14 : memref<16x128xi32, #tpu.memory_space<vmem>>) target_semaphore(%run_scoped3A : memref<!tpu.dma_semaphore, #tpu.memory_space<semaphore_mem>>)
        %dma_wait3A = arith.constant 0 : i32
        %dma_wait3A_29 = tpu.memref_slice %arg3[%add3A_14, %dma_wait3A] : memref<25600x128xi32, #tpu.memory_space<hbm>> -> memref<16x128xi32, #tpu.memory_space<hbm>>
        %dma_wait3A_30 = arith.constant 0 : i32
        %dma_wait3A_31 = tpu.memref_slice %arg3[%add3A_14, %dma_wait3A_30] : memref<25600x128xi32, #tpu.memory_space<hbm>> -> memref<16x128xi32, #tpu.memory_space<hbm>>
        tpu.wait_dma2 semaphore(%run_scoped3A : memref<!tpu.dma_semaphore, #tpu.memory_space<semaphore_mem>>) src(%dma_wait3A_31 : memref<16x128xi32, #tpu.memory_space<hbm>>) dst(%arg14 : memref<16x128xi32, #tpu.memory_space<vmem>>)
        tpu.yield
      }) : () -> ()
      %get3A = arith.constant 0 : index
      %get3A_15 = tpu.vector_load %arg23[%get3A] {strides = array<i32>} : memref<16xi32, #tpu.memory_space<vmem>>, vector<16xi32>,
      %get3A_16 = vector.shape_cast %get3A_15 : vector<16xi32> to vector<16xi32>
      %get3A_17 = arith.constant 0 : index
      %get3A_18 = tpu.vector_load %arg24[%get3A_17] {strides = array<i32>} : memref<16xi32, #tpu.memory_space<vmem>>, vector<16xi32>,
      %get3A_19 = vector.shape_cast %get3A_18 : vector<16xi32> to vector<16xi32>
      %scan3A_20 = arith.constant 0 : i32
      %scan3A_21 = arith.constant 0 : i32
      %scan3A_22 = arith.constant 8 : i32
      %scan3A_23 = arith.addi %scan3A_21, %scan3A_22 : i32
      %scan3A_24 = arith.constant 1 : i32
      scf.for %scan3A_26 = %scan3A_21 to %scan3A_23 step %scan3A_24  : i32 {
        %mul3A_27 = arith.constant 2 : i32
        %mul3A_28 = arith.muli %mul3A_27, %scan3A_26 : i32
        %mul3A_29 = arith.constant 2 : i32
        %mul3A_30 = arith.muli %mul3A_29, %scan3A_26 : i32
        %add3A_31 = arith.constant 1 : i32
        %add3A_32 = arith.addi %mul3A_30, %add3A_31 : i32
        %dma_start3A = arith.constant 0 : i32
        %dma_start3A_33 = tpu.memref_slice %arg13[%mul3A_28, %dma_start3A] : memref<16x128xi32, #tpu.memory_space<vmem>> -> memref<1x128xi32, #tpu.memory_space<vmem>>
        %dma_start3A_34 = tpu.memref_squeeze %dma_start3A_33 : memref<1x128xi32, #tpu.memory_space<vmem>> -> memref<128xi32, #tpu.memory_space<vmem>>
        %dma_start3A_35 = arith.constant 0 : i32
        %dma_start3A_36 = tpu.memref_slice %arg25[%dma_start3A_35] : memref<102400xf32, #tpu.memory_space<vmem_shared>> -> memref<102400xf32, #tpu.memory_space<vmem_shared>>
        tpu.enqueue_indirect_dma source(%dma_start3A_36 : memref<102400xf32, #tpu.memory_space<vmem_shared>>) target(%arg15 : memref<128xf32, #tpu.memory_space<vmem>>) offsets(%dma_start3A_34 : memref<128xi32, #tpu.memory_space<vmem>>) semaphore(%arg31 : memref<!tpu.dma_semaphore, #tpu.memory_space<semaphore_mem>>)
        %dma_start3A_37 = arith.constant 0 : i32
        %dma_start3A_38 = tpu.memref_slice %arg13[%mul3A_28, %dma_start3A_37] : memref<16x128xi32, #tpu.memory_space<vmem>> -> memref<1x128xi32, #tpu.memory_space<vmem>>
        %dma_start3A_39 = tpu.memref_squeeze %dma_start3A_38 : memref<1x128xi32, #tpu.memory_space<vmem>> -> memref<128xi32, #tpu.memory_space<vmem>>
        %dma_start3A_40 = arith.constant 0 : i32
        %dma_start3A_41 = tpu.memref_slice %arg26[%dma_start3A_40] : memref<102400xf32, #tpu.memory_space<vmem_shared>> -> memref<102400xf32, #tpu.memory_space<vmem_shared>>
        tpu.enqueue_indirect_dma source(%dma_start3A_41 : memref<102400xf32, #tpu.memory_space<vmem_shared>>) target(%arg16 : memref<128xf32, #tpu.memory_space<vmem>>) offsets(%dma_start3A_39 : memref<128xi32, #tpu.memory_space<vmem>>) semaphore(%arg32 : memref<!tpu.dma_semaphore, #tpu.memory_space<semaphore_mem>>)
        %get3A_42 = arith.index_cast %mul3A_28 : i32 to index
        %get3A_43 = arith.constant 0 : index
        %get3A_44 = tpu.vector_load %arg14[%get3A_42, %get3A_43] {strides = array<i32>} : memref<16x128xi32, #tpu.memory_space<vmem>>, vector<1x16xi32>,
        %get3A_45 = vector.shape_cast %get3A_44 : vector<1x16xi32> to vector<16xi32>
        %eq3A = arith.cmpi eq, %get3A_45, %get3A_16 : vector<16xi32>
        %jit3A = arith.constant 1.000000e+00 : f32
        %jit3A_46 = arith.constant 0.000000e+00 : f32
        %broadcast_in_dim3A = vector.broadcast %jit3A : f32 to vector<16xf32>
        %broadcast_in_dim3A_47 = vector.broadcast %jit3A_46 : f32 to vector<16xf32>
        %select_n3A = arith.select %eq3A, %broadcast_in_dim3A, %broadcast_in_dim3A_47 : vector<16xi1>, vector<16xf32>
        %swap3A = arith.constant 0 : index
        %swap3A_48 = tpu.vector_load %arg19[%swap3A] {strides = array<i32>} : memref<128xf32, #tpu.memory_space<vmem>>, vector<16xf32>,
        %swap3A_49 = vector.shape_cast %swap3A_48 : vector<16xf32> to vector<16xf32>
        %swap3A_50 = vector.shape_cast %select_n3A : vector<16xf32> to vector<16xf32>
        tpu.vector_store %arg19[%swap3A], %swap3A_50 {strides = array<i32>} : memref<128xf32, #tpu.memory_space<vmem>>, vector<16xf32>,
        %eq3A_51 = arith.cmpi eq, %get3A_45, %get3A_19 : vector<16xi32>
        %jit3A_52 = arith.constant 1.000000e+00 : f32
        %jit3A_53 = arith.constant 0.000000e+00 : f32
        %broadcast_in_dim3A_54 = vector.broadcast %jit3A_52 : f32 to vector<16xf32>
        %broadcast_in_dim3A_55 = vector.broadcast %jit3A_53 : f32 to vector<16xf32>
        %select_n3A_56 = arith.select %eq3A_51, %broadcast_in_dim3A_54, %broadcast_in_dim3A_55 : vector<16xi1>, vector<16xf32>
        %swap3A_57 = arith.constant 0 : index
        %swap3A_58 = tpu.vector_load %arg20[%swap3A_57] {strides = array<i32>} : memref<128xf32, #tpu.memory_space<vmem>>, vector<16xf32>,
        %swap3A_59 = vector.shape_cast %swap3A_58 : vector<16xf32> to vector<16xf32>
        %swap3A_60 = vector.shape_cast %select_n3A_56 : vector<16xf32> to vector<16xf32>
        tpu.vector_store %arg20[%swap3A_57], %swap3A_60 {strides = array<i32>} : memref<128xf32, #tpu.memory_space<vmem>>, vector<16xf32>,
        %get3A_61 = arith.index_cast %mul3A_28 : i32 to index
        %get3A_62 = arith.constant 16 : index
        %get3A_63 = tpu.vector_load %arg14[%get3A_61, %get3A_62] {strides = array<i32>} : memref<16x128xi32, #tpu.memory_space<vmem>>, vector<1x16xi32>,
        %get3A_64 = vector.shape_cast %get3A_63 : vector<1x16xi32> to vector<16xi32>
        %eq3A_65 = arith.cmpi eq, %get3A_64, %get3A_16 : vector<16xi32>
        %jit3A_66 = arith.constant 1.000000e+00 : f32
        %jit3A_67 = arith.constant 0.000000e+00 : f32
        %broadcast_in_dim3A_68 = vector.broadcast %jit3A_66 : f32 to vector<16xf32>
        %broadcast_in_dim3A_69 = vector.broadcast %jit3A_67 : f32 to vector<16xf32>
        %select_n3A_70 = arith.select %eq3A_65, %broadcast_in_dim3A_68, %broadcast_in_dim3A_69 : vector<16xi1>, vector<16xf32>
        %swap3A_71 = arith.constant 16 : index
        %swap3A_72 = tpu.vector_load %arg19[%swap3A_71] {strides = array<i32>} : memref<128xf32, #tpu.memory_space<vmem>>, vector<16xf32>,
        %swap3A_73 = vector.shape_cast %swap3A_72 : vector<16xf32> to vector<16xf32>
        %swap3A_74 = vector.shape_cast %select_n3A_70 : vector<16xf32> to vector<16xf32>
        tpu.vector_store %arg19[%swap3A_71], %swap3A_74 {strides = array<i32>} : memref<128xf32, #tpu.memory_space<vmem>>, vector<16xf32>,
        %eq3A_75 = arith.cmpi eq, %get3A_64, %get3A_19 : vector<16xi32>
        %jit3A_76 = arith.constant 1.000000e+00 : f32
        %jit3A_77 = arith.constant 0.000000e+00 : f32
        %broadcast_in_dim3A_78 = vector.broadcast %jit3A_76 : f32 to vector<16xf32>
        %broadcast_in_dim3A_79 = vector.broadcast %jit3A_77 : f32 to vector<16xf32>
        %select_n3A_80 = arith.select %eq3A_75, %broadcast_in_dim3A_78, %broadcast_in_dim3A_79 : vector<16xi1>, vector<16xf32>
        %swap3A_81 = arith.constant 16 : index
        %swap3A_82 = tpu.vector_load %arg20[%swap3A_81] {strides = array<i32>} : memref<128xf32, #tpu.memory_space<vmem>>, vector<16xf32>,
        %swap3A_83 = vector.shape_cast %swap3A_82 : vector<16xf32> to vector<16xf32>
        %swap3A_84 = vector.shape_cast %select_n3A_80 : vector<16xf32> to vector<16xf32>
        tpu.vector_store %arg20[%swap3A_81], %swap3A_84 {strides = array<i32>} : memref<128xf32, #tpu.memory_space<vmem>>, vector<16xf32>,
        %get3A_85 = arith.index_cast %mul3A_28 : i32 to index
        %get3A_86 = arith.constant 32 : index
        %get3A_87 = tpu.vector_load %arg14[%get3A_85, %get3A_86] {strides = array<i32>} : memref<16x128xi32, #tpu.memory_space<vmem>>, vector<1x16xi32>,
        %get3A_88 = vector.shape_cast %get3A_87 : vector<1x16xi32> to vector<16xi32>
        %eq3A_89 = arith.cmpi eq, %get3A_88, %get3A_16 : vector<16xi32>
        %jit3A_90 = arith.constant 1.000000e+00 : f32
        %jit3A_91 = arith.constant 0.000000e+00 : f32
        %broadcast_in_dim3A_92 = vector.broadcast %jit3A_90 : f32 to vector<16xf32>
        %broadcast_in_dim3A_93 = vector.broadcast %jit3A_91 : f32 to vector<16xf32>
        %select_n3A_94 = arith.select %eq3A_89, %broadcast_in_dim3A_92, %broadcast_in_dim3A_93 : vector<16xi1>, vector<16xf32>
        %swap3A_95 = arith.constant 32 : index
        %swap3A_96 = tpu.vector_load %arg19[%swap3A_95] {strides = array<i32>} : memref<128xf32, #tpu.memory_space<vmem>>, vector<16xf32>,
        %swap3A_97 = vector.shape_cast %swap3A_96 : vector<16xf32> to vector<16xf32>
        %swap3A_98 = vector.shape_cast %select_n3A_94 : vector<16xf32> to vector<16xf32>
        tpu.vector_store %arg19[%swap3A_95], %swap3A_98 {strides = array<i32>} : memref<128xf32, #tpu.memory_space<vmem>>, vector<16xf32>,
        %eq3A_99 = arith.cmpi eq, %get3A_88, %get3A_19 : vector<16xi32>
        %jit3A_100 = arith.constant 1.000000e+00 : f32
        %jit3A_101 = arith.constant 0.000000e+00 : f32
        %broadcast_in_dim3A_102 = vector.broadcast %jit3A_100 : f32 to vector<16xf32>
        %broadcast_in_dim3A_103 = vector.broadcast %jit3A_101 : f32 to vector<16xf32>
        %select_n3A_104 = arith.select %eq3A_99, %broadcast_in_dim3A_102, %broadcast_in_dim3A_103 : vector<16xi1>, vector<16xf32>
        %swap3A_105 = arith.constant 32 : index
        %swap3A_106 = tpu.vector_load %arg20[%swap3A_105] {strides = array<i32>} : memref<128xf32, #tpu.memory_space<vmem>>, vector<16xf32>,
        %swap3A_107 = vector.shape_cast %swap3A_106 : vector<16xf32> to vector<16xf32>
        %swap3A_108 = vector.shape_cast %select_n3A_104 : vector<16xf32> to vector<16xf32>
        tpu.vector_store %arg20[%swap3A_105], %swap3A_108 {strides = array<i32>} : memref<128xf32, #tpu.memory_space<vmem>>, vector<16xf32>,
        %get3A_109 = arith.index_cast %mul3A_28 : i32 to index
        %get3A_110 = arith.constant 48 : index
        %get3A_111 = tpu.vector_load %arg14[%get3A_109, %get3A_110] {strides = array<i32>} : memref<16x128xi32, #tpu.memory_space<vmem>>, vector<1x16xi32>,
        %get3A_112 = vector.shape_cast %get3A_111 : vector<1x16xi32> to vector<16xi32>
        %eq3A_113 = arith.cmpi eq, %get3A_112, %get3A_16 : vector<16xi32>
        %jit3A_114 = arith.constant 1.000000e+00 : f32
        %jit3A_115 = arith.constant 0.000000e+00 : f32
        %broadcast_in_dim3A_116 = vector.broadcast %jit3A_114 : f32 to vector<16xf32>
        %broadcast_in_dim3A_117 = vector.broadcast %jit3A_115 : f32 to vector<16xf32>
        %select_n3A_118 = arith.select %eq3A_113, %broadcast_in_dim3A_116, %broadcast_in_dim3A_117 : vector<16xi1>, vector<16xf32>
        %swap3A_119 = arith.constant 48 : index
        %swap3A_120 = tpu.vector_load %arg19[%swap3A_119] {strides = array<i32>} : memref<128xf32, #tpu.memory_space<vmem>>, vector<16xf32>,
        %swap3A_121 = vector.shape_cast %swap3A_120 : vector<16xf32> to vector<16xf32>
        %swap3A_122 = vector.shape_cast %select_n3A_118 : vector<16xf32> to vector<16xf32>
        tpu.vector_store %arg19[%swap3A_119], %swap3A_122 {strides = array<i32>} : memref<128xf32, #tpu.memory_space<vmem>>, vector<16xf32>,
        %eq3A_123 = arith.cmpi eq, %get3A_112, %get3A_19 : vector<16xi32>
        %jit3A_124 = arith.constant 1.000000e+00 : f32
        %jit3A_125 = arith.constant 0.000000e+00 : f32
        %broadcast_in_dim3A_126 = vector.broadcast %jit3A_124 : f32 to vector<16xf32>
        %broadcast_in_dim3A_127 = vector.broadcast %jit3A_125 : f32 to vector<16xf32>
        %select_n3A_128 = arith.select %eq3A_123, %broadcast_in_dim3A_126, %broadcast_in_dim3A_127 : vector<16xi1>, vector<16xf32>
        %swap3A_129 = arith.constant 48 : index
        %swap3A_130 = tpu.vector_load %arg20[%swap3A_129] {strides = array<i32>} : memref<128xf32, #tpu.memory_space<vmem>>, vector<16xf32>,
        %swap3A_131 = vector.shape_cast %swap3A_130 : vector<16xf32> to vector<16xf32>
        %swap3A_132 = vector.shape_cast %select_n3A_128 : vector<16xf32> to vector<16xf32>
        tpu.vector_store %arg20[%swap3A_129], %swap3A_132 {strides = array<i32>} : memref<128xf32, #tpu.memory_space<vmem>>, vector<16xf32>,
        %get3A_133 = arith.index_cast %mul3A_28 : i32 to index
        %get3A_134 = arith.constant 64 : index
        %get3A_135 = tpu.vector_load %arg14[%get3A_133, %get3A_134] {strides = array<i32>} : memref<16x128xi32, #tpu.memory_space<vmem>>, vector<1x16xi32>,
        %get3A_136 = vector.shape_cast %get3A_135 : vector<1x16xi32> to vector<16xi32>
        %eq3A_137 = arith.cmpi eq, %get3A_136, %get3A_16 : vector<16xi32>
        %jit3A_138 = arith.constant 1.000000e+00 : f32
        %jit3A_139 = arith.constant 0.000000e+00 : f32
        %broadcast_in_dim3A_140 = vector.broadcast %jit3A_138 : f32 to vector<16xf32>
        %broadcast_in_dim3A_141 = vector.broadcast %jit3A_139 : f32 to vector<16xf32>
        %select_n3A_142 = arith.select %eq3A_137, %broadcast_in_dim3A_140, %broadcast_in_dim3A_141 : vector<16xi1>, vector<16xf32>
        %swap3A_143 = arith.constant 64 : index
        %swap3A_144 = tpu.vector_load %arg19[%swap3A_143] {strides = array<i32>} : memref<128xf32, #tpu.memory_space<vmem>>, vector<16xf32>,
        %swap3A_145 = vector.shape_cast %swap3A_144 : vector<16xf32> to vector<16xf32>
        %swap3A_146 = vector.shape_cast %select_n3A_142 : vector<16xf32> to vector<16xf32>
        tpu.vector_store %arg19[%swap3A_143], %swap3A_146 {strides = array<i32>} : memref<128xf32, #tpu.memory_space<vmem>>, vector<16xf32>,
        %eq3A_147 = arith.cmpi eq, %get3A_136, %get3A_19 : vector<16xi32>
        %jit3A_148 = arith.constant 1.000000e+00 : f32
        %jit3A_149 = arith.constant 0.000000e+00 : f32
        %broadcast_in_dim3A_150 = vector.broadcast %jit3A_148 : f32 to vector<16xf32>
        %broadcast_in_dim3A_151 = vector.broadcast %jit3A_149 : f32 to vector<16xf32>
        %select_n3A_152 = arith.select %eq3A_147, %broadcast_in_dim3A_150, %broadcast_in_dim3A_151 : vector<16xi1>, vector<16xf32>
        %swap3A_153 = arith.constant 64 : index
        %swap3A_154 = tpu.vector_load %arg20[%swap3A_153] {strides = array<i32>} : memref<128xf32, #tpu.memory_space<vmem>>, vector<16xf32>,
        %swap3A_155 = vector.shape_cast %swap3A_154 : vector<16xf32> to vector<16xf32>
        %swap3A_156 = vector.shape_cast %select_n3A_152 : vector<16xf32> to vector<16xf32>
        tpu.vector_store %arg20[%swap3A_153], %swap3A_156 {strides = array<i32>} : memref<128xf32, #tpu.memory_space<vmem>>, vector<16xf32>,
        %get3A_157 = arith.index_cast %mul3A_28 : i32 to index
        %get3A_158 = arith.constant 80 : index
        %get3A_159 = tpu.vector_load %arg14[%get3A_157, %get3A_158] {strides = array<i32>} : memref<16x128xi32, #tpu.memory_space<vmem>>, vector<1x16xi32>,
        %get3A_160 = vector.shape_cast %get3A_159 : vector<1x16xi32> to vector<16xi32>
        %eq3A_161 = arith.cmpi eq, %get3A_160, %get3A_16 : vector<16xi32>
        %jit3A_162 = arith.constant 1.000000e+00 : f32
        %jit3A_163 = arith.constant 0.000000e+00 : f32
        %broadcast_in_dim3A_164 = vector.broadcast %jit3A_162 : f32 to vector<16xf32>
        %broadcast_in_dim3A_165 = vector.broadcast %jit3A_163 : f32 to vector<16xf32>
        %select_n3A_166 = arith.select %eq3A_161, %broadcast_in_dim3A_164, %broadcast_in_dim3A_165 : vector<16xi1>, vector<16xf32>
        %swap3A_167 = arith.constant 80 : index
        %swap3A_168 = tpu.vector_load %arg19[%swap3A_167] {strides = array<i32>} : memref<128xf32, #tpu.memory_space<vmem>>, vector<16xf32>,
        %swap3A_169 = vector.shape_cast %swap3A_168 : vector<16xf32> to vector<16xf32>
        %swap3A_170 = vector.shape_cast %select_n3A_166 : vector<16xf32> to vector<16xf32>
        tpu.vector_store %arg19[%swap3A_167], %swap3A_170 {strides = array<i32>} : memref<128xf32, #tpu.memory_space<vmem>>, vector<16xf32>,
        %eq3A_171 = arith.cmpi eq, %get3A_160, %get3A_19 : vector<16xi32>
        %jit3A_172 = arith.constant 1.000000e+00 : f32
        %jit3A_173 = arith.constant 0.000000e+00 : f32
        %broadcast_in_dim3A_174 = vector.broadcast %jit3A_172 : f32 to vector<16xf32>
        %broadcast_in_dim3A_175 = vector.broadcast %jit3A_173 : f32 to vector<16xf32>
        %select_n3A_176 = arith.select %eq3A_171, %broadcast_in_dim3A_174, %broadcast_in_dim3A_175 : vector<16xi1>, vector<16xf32>
        %swap3A_177 = arith.constant 80 : index
        %swap3A_178 = tpu.vector_load %arg20[%swap3A_177] {strides = array<i32>} : memref<128xf32, #tpu.memory_space<vmem>>, vector<16xf32>,
        %swap3A_179 = vector.shape_cast %swap3A_178 : vector<16xf32> to vector<16xf32>
        %swap3A_180 = vector.shape_cast %select_n3A_176 : vector<16xf32> to vector<16xf32>
        tpu.vector_store %arg20[%swap3A_177], %swap3A_180 {strides = array<i32>} : memref<128xf32, #tpu.memory_space<vmem>>, vector<16xf32>,
        %get3A_181 = arith.index_cast %mul3A_28 : i32 to index
        %get3A_182 = arith.constant 96 : index
        %get3A_183 = tpu.vector_load %arg14[%get3A_181, %get3A_182] {strides = array<i32>} : memref<16x128xi32, #tpu.memory_space<vmem>>, vector<1x16xi32>,
        %get3A_184 = vector.shape_cast %get3A_183 : vector<1x16xi32> to vector<16xi32>
        %eq3A_185 = arith.cmpi eq, %get3A_184, %get3A_16 : vector<16xi32>
        %jit3A_186 = arith.constant 1.000000e+00 : f32
        %jit3A_187 = arith.constant 0.000000e+00 : f32
        %broadcast_in_dim3A_188 = vector.broadcast %jit3A_186 : f32 to vector<16xf32>
        %broadcast_in_dim3A_189 = vector.broadcast %jit3A_187 : f32 to vector<16xf32>
        %select_n3A_190 = arith.select %eq3A_185, %broadcast_in_dim3A_188, %broadcast_in_dim3A_189 : vector<16xi1>, vector<16xf32>
        %swap3A_191 = arith.constant 96 : index
        %swap3A_192 = tpu.vector_load %arg19[%swap3A_191] {strides = array<i32>} : memref<128xf32, #tpu.memory_space<vmem>>, vector<16xf32>,
        %swap3A_193 = vector.shape_cast %swap3A_192 : vector<16xf32> to vector<16xf32>
        %swap3A_194 = vector.shape_cast %select_n3A_190 : vector<16xf32> to vector<16xf32>
        tpu.vector_store %arg19[%swap3A_191], %swap3A_194 {strides = array<i32>} : memref<128xf32, #tpu.memory_space<vmem>>, vector<16xf32>,
        %eq3A_195 = arith.cmpi eq, %get3A_184, %get3A_19 : vector<16xi32>
        %jit3A_196 = arith.constant 1.000000e+00 : f32
        %jit3A_197 = arith.constant 0.000000e+00 : f32
        %broadcast_in_dim3A_198 = vector.broadcast %jit3A_196 : f32 to vector<16xf32>
        %broadcast_in_dim3A_199 = vector.broadcast %jit3A_197 : f32 to vector<16xf32>
        %select_n3A_200 = arith.select %eq3A_195, %broadcast_in_dim3A_198, %broadcast_in_dim3A_199 : vector<16xi1>, vector<16xf32>
        %swap3A_201 = arith.constant 96 : index
        %swap3A_202 = tpu.vector_load %arg20[%swap3A_201] {strides = array<i32>} : memref<128xf32, #tpu.memory_space<vmem>>, vector<16xf32>,
        %swap3A_203 = vector.shape_cast %swap3A_202 : vector<16xf32> to vector<16xf32>
        %swap3A_204 = vector.shape_cast %select_n3A_200 : vector<16xf32> to vector<16xf32>
        tpu.vector_store %arg20[%swap3A_201], %swap3A_204 {strides = array<i32>} : memref<128xf32, #tpu.memory_space<vmem>>, vector<16xf32>,
        %get3A_205 = arith.index_cast %mul3A_28 : i32 to index
        %get3A_206 = arith.constant 112 : index
        %get3A_207 = tpu.vector_load %arg14[%get3A_205, %get3A_206] {strides = array<i32>} : memref<16x128xi32, #tpu.memory_space<vmem>>, vector<1x16xi32>,
        %get3A_208 = vector.shape_cast %get3A_207 : vector<1x16xi32> to vector<16xi32>
        %eq3A_209 = arith.cmpi eq, %get3A_208, %get3A_16 : vector<16xi32>
        %jit3A_210 = arith.constant 1.000000e+00 : f32
        %jit3A_211 = arith.constant 0.000000e+00 : f32
        %broadcast_in_dim3A_212 = vector.broadcast %jit3A_210 : f32 to vector<16xf32>
        %broadcast_in_dim3A_213 = vector.broadcast %jit3A_211 : f32 to vector<16xf32>
        %select_n3A_214 = arith.select %eq3A_209, %broadcast_in_dim3A_212, %broadcast_in_dim3A_213 : vector<16xi1>, vector<16xf32>
        %swap3A_215 = arith.constant 112 : index
        %swap3A_216 = tpu.vector_load %arg19[%swap3A_215] {strides = array<i32>} : memref<128xf32, #tpu.memory_space<vmem>>, vector<16xf32>,
        %swap3A_217 = vector.shape_cast %swap3A_216 : vector<16xf32> to vector<16xf32>
        %swap3A_218 = vector.shape_cast %select_n3A_214 : vector<16xf32> to vector<16xf32>
        tpu.vector_store %arg19[%swap3A_215], %swap3A_218 {strides = array<i32>} : memref<128xf32, #tpu.memory_space<vmem>>, vector<16xf32>,
        %eq3A_219 = arith.cmpi eq, %get3A_208, %get3A_19 : vector<16xi32>
        %jit3A_220 = arith.constant 1.000000e+00 : f32
        %jit3A_221 = arith.constant 0.000000e+00 : f32
        %broadcast_in_dim3A_222 = vector.broadcast %jit3A_220 : f32 to vector<16xf32>
        %broadcast_in_dim3A_223 = vector.broadcast %jit3A_221 : f32 to vector<16xf32>
        %select_n3A_224 = arith.select %eq3A_219, %broadcast_in_dim3A_222, %broadcast_in_dim3A_223 : vector<16xi1>, vector<16xf32>
        %swap3A_225 = arith.constant 112 : index
        %swap3A_226 = tpu.vector_load %arg20[%swap3A_225] {strides = array<i32>} : memref<128xf32, #tpu.memory_space<vmem>>, vector<16xf32>,
        %swap3A_227 = vector.shape_cast %swap3A_226 : vector<16xf32> to vector<16xf32>
        %swap3A_228 = vector.shape_cast %select_n3A_224 : vector<16xf32> to vector<16xf32>
        tpu.vector_store %arg20[%swap3A_225], %swap3A_228 {strides = array<i32>} : memref<128xf32, #tpu.memory_space<vmem>>, vector<16xf32>,
        %dma_start3A_229 = arith.constant 0 : i32
        %dma_start3A_230 = tpu.memref_slice %arg13[%add3A_32, %dma_start3A_229] : memref<16x128xi32, #tpu.memory_space<vmem>> -> memref<1x128xi32, #tpu.memory_space<vmem>>
        %dma_start3A_231 = tpu.memref_squeeze %dma_start3A_230 : memref<1x128xi32, #tpu.memory_space<vmem>> -> memref<128xi32, #tpu.memory_space<vmem>>
        %dma_start3A_232 = arith.constant 0 : i32
        %dma_start3A_233 = tpu.memref_slice %arg25[%dma_start3A_232] : memref<102400xf32, #tpu.memory_space<vmem_shared>> -> memref<102400xf32, #tpu.memory_space<vmem_shared>>
        tpu.enqueue_indirect_dma source(%dma_start3A_233 : memref<102400xf32, #tpu.memory_space<vmem_shared>>) target(%arg17 : memref<128xf32, #tpu.memory_space<vmem>>) offsets(%dma_start3A_231 : memref<128xi32, #tpu.memory_space<vmem>>) semaphore(%arg31 : memref<!tpu.dma_semaphore, #tpu.memory_space<semaphore_mem>>)
        %dma_start3A_234 = arith.constant 0 : i32
        %dma_start3A_235 = tpu.memref_slice %arg13[%add3A_32, %dma_start3A_234] : memref<16x128xi32, #tpu.memory_space<vmem>> -> memref<1x128xi32, #tpu.memory_space<vmem>>
        %dma_start3A_236 = tpu.memref_squeeze %dma_start3A_235 : memref<1x128xi32, #tpu.memory_space<vmem>> -> memref<128xi32, #tpu.memory_space<vmem>>
        %dma_start3A_237 = arith.constant 0 : i32
        %dma_start3A_238 = tpu.memref_slice %arg26[%dma_start3A_237] : memref<102400xf32, #tpu.memory_space<vmem_shared>> -> memref<102400xf32, #tpu.memory_space<vmem_shared>>
        tpu.enqueue_indirect_dma source(%dma_start3A_238 : memref<102400xf32, #tpu.memory_space<vmem_shared>>) target(%arg18 : memref<128xf32, #tpu.memory_space<vmem>>) offsets(%dma_start3A_236 : memref<128xi32, #tpu.memory_space<vmem>>) semaphore(%arg32 : memref<!tpu.dma_semaphore, #tpu.memory_space<semaphore_mem>>)
        %dma_wait3A = arith.constant 0 : i32
        %dma_wait3A_239 = tpu.memref_slice %arg13[%mul3A_28, %dma_wait3A] : memref<16x128xi32, #tpu.memory_space<vmem>> -> memref<1x128xi32, #tpu.memory_space<vmem>>
        %dma_wait3A_240 = tpu.memref_squeeze %dma_wait3A_239 : memref<1x128xi32, #tpu.memory_space<vmem>> -> memref<128xi32, #tpu.memory_space<vmem>>
        %dma_wait3A_241 = arith.constant 0 : i32
        %dma_wait3A_242 = tpu.memref_slice %arg25[%dma_wait3A_241] : memref<102400xf32, #tpu.memory_space<vmem_shared>> -> memref<102400xf32, #tpu.memory_space<vmem_shared>>
        tpu.wait_indirect_dma semaphore(%arg31 : memref<!tpu.dma_semaphore, #tpu.memory_space<semaphore_mem>>) src(%dma_wait3A_242 : memref<102400xf32, #tpu.memory_space<vmem_shared>>) dst(%arg15 : memref<128xf32, #tpu.memory_space<vmem>>)
        %dma_wait3A_243 = arith.constant 0 : i32
        %dma_wait3A_244 = tpu.memref_slice %arg13[%mul3A_28, %dma_wait3A_243] : memref<16x128xi32, #tpu.memory_space<vmem>> -> memref<1x128xi32, #tpu.memory_space<vmem>>
        %dma_wait3A_245 = tpu.memref_squeeze %dma_wait3A_244 : memref<1x128xi32, #tpu.memory_space<vmem>> -> memref<128xi32, #tpu.memory_space<vmem>>
        %dma_wait3A_246 = arith.constant 0 : i32
        %dma_wait3A_247 = tpu.memref_slice %arg26[%dma_wait3A_246] : memref<102400xf32, #tpu.memory_space<vmem_shared>> -> memref<102400xf32, #tpu.memory_space<vmem_shared>>
        tpu.wait_indirect_dma semaphore(%arg32 : memref<!tpu.dma_semaphore, #tpu.memory_space<semaphore_mem>>) src(%dma_wait3A_247 : memref<102400xf32, #tpu.memory_space<vmem_shared>>) dst(%arg16 : memref<128xf32, #tpu.memory_space<vmem>>)
        %dma_start3A_248 = arith.constant 0 : i32
        %dma_start3A_249 = tpu.memref_slice %arg14[%mul3A_28, %dma_start3A_248] : memref<16x128xi32, #tpu.memory_space<vmem>> -> memref<1x128xi32, #tpu.memory_space<vmem>>
        %dma_start3A_250 = tpu.memref_squeeze %dma_start3A_249 : memref<1x128xi32, #tpu.memory_space<vmem>> -> memref<128xi32, #tpu.memory_space<vmem>>
        %dma_start3A_251 = arith.constant 0 : i32
        %dma_start3A_252 = tpu.memref_slice %arg27[%dma_start3A_251] : memref<102400xf32, #tpu.memory_space<vmem_shared>> -> memref<102400xf32, #tpu.memory_space<vmem_shared>>
        tpu.enqueue_indirect_dma source(%arg15 : memref<128xf32, #tpu.memory_space<vmem>>) target(%dma_start3A_252 : memref<102400xf32, #tpu.memory_space<vmem_shared>>) offsets(%dma_start3A_250 : memref<128xi32, #tpu.memory_space<vmem>>) semaphore(%arg33 : memref<!tpu.dma_semaphore, #tpu.memory_space<semaphore_mem>>) {add = true}
        %dma_start3A_253 = arith.constant 0 : i32
        %dma_start3A_254 = tpu.memref_slice %arg14[%mul3A_28, %dma_start3A_253] : memref<16x128xi32, #tpu.memory_space<vmem>> -> memref<1x128xi32, #tpu.memory_space<vmem>>
        %dma_start3A_255 = tpu.memref_squeeze %dma_start3A_254 : memref<1x128xi32, #tpu.memory_space<vmem>> -> memref<128xi32, #tpu.memory_space<vmem>>
        %dma_start3A_256 = arith.constant 0 : i32
        %dma_start3A_257 = tpu.memref_slice %arg28[%dma_start3A_256] : memref<102400xf32, #tpu.memory_space<vmem_shared>> -> memref<102400xf32, #tpu.memory_space<vmem_shared>>
        tpu.enqueue_indirect_dma source(%arg16 : memref<128xf32, #tpu.memory_space<vmem>>) target(%dma_start3A_257 : memref<102400xf32, #tpu.memory_space<vmem_shared>>) offsets(%dma_start3A_255 : memref<128xi32, #tpu.memory_space<vmem>>) semaphore(%arg34 : memref<!tpu.dma_semaphore, #tpu.memory_space<semaphore_mem>>) {add = true}
        %dma_start3A_258 = arith.constant 0 : i32
        %dma_start3A_259 = tpu.memref_slice %arg13[%mul3A_28, %dma_start3A_258] : memref<16x128xi32, #tpu.memory_space<vmem>> -> memref<1x128xi32, #tpu.memory_space<vmem>>
        %dma_start3A_260 = tpu.memref_squeeze %dma_start3A_259 : memref<1x128xi32, #tpu.memory_space<vmem>> -> memref<128xi32, #tpu.memory_space<vmem>>
        %dma_start3A_261 = arith.constant 0 : i32
        %dma_start3A_262 = tpu.memref_slice %arg29[%dma_start3A_261] : memref<102400xf32, #tpu.memory_space<vmem_shared>> -> memref<102400xf32, #tpu.memory_space<vmem_shared>>
        tpu.enqueue_indirect_dma source(%arg19 : memref<128xf32, #tpu.memory_space<vmem>>) target(%dma_start3A_262 : memref<102400xf32, #tpu.memory_space<vmem_shared>>) offsets(%dma_start3A_260 : memref<128xi32, #tpu.memory_space<vmem>>) semaphore(%arg33 : memref<!tpu.dma_semaphore, #tpu.memory_space<semaphore_mem>>) {add = true}
        %dma_start3A_263 = arith.constant 0 : i32
        %dma_start3A_264 = tpu.memref_slice %arg13[%mul3A_28, %dma_start3A_263] : memref<16x128xi32, #tpu.memory_space<vmem>> -> memref<1x128xi32, #tpu.memory_space<vmem>>
        %dma_start3A_265 = tpu.memref_squeeze %dma_start3A_264 : memref<1x128xi32, #tpu.memory_space<vmem>> -> memref<128xi32, #tpu.memory_space<vmem>>
        %dma_start3A_266 = arith.constant 0 : i32
        %dma_start3A_267 = tpu.memref_slice %arg30[%dma_start3A_266] : memref<102400xf32, #tpu.memory_space<vmem_shared>> -> memref<102400xf32, #tpu.memory_space<vmem_shared>>
        tpu.enqueue_indirect_dma source(%arg20 : memref<128xf32, #tpu.memory_space<vmem>>) target(%dma_start3A_267 : memref<102400xf32, #tpu.memory_space<vmem_shared>>) offsets(%dma_start3A_265 : memref<128xi32, #tpu.memory_space<vmem>>) semaphore(%arg34 : memref<!tpu.dma_semaphore, #tpu.memory_space<semaphore_mem>>) {add = true}
        %get3A_268 = arith.index_cast %add3A_32 : i32 to index
        %get3A_269 = arith.constant 0 : index
        %get3A_270 = tpu.vector_load %arg14[%get3A_268, %get3A_269] {strides = array<i32>} : memref<16x128xi32, #tpu.memory_space<vmem>>, vector<1x16xi32>,
        %get3A_271 = vector.shape_cast %get3A_270 : vector<1x16xi32> to vector<16xi32>
        %eq3A_272 = arith.cmpi eq, %get3A_271, %get3A_16 : vector<16xi32>
        %jit3A_273 = arith.constant 1.000000e+00 : f32
        %jit3A_274 = arith.constant 0.000000e+00 : f32
        %broadcast_in_dim3A_275 = vector.broadcast %jit3A_273 : f32 to vector<16xf32>
        %broadcast_in_dim3A_276 = vector.broadcast %jit3A_274 : f32 to vector<16xf32>
        %select_n3A_277 = arith.select %eq3A_272, %broadcast_in_dim3A_275, %broadcast_in_dim3A_276 : vector<16xi1>, vector<16xf32>
        %swap3A_278 = arith.constant 0 : index
        %swap3A_279 = tpu.vector_load %arg21[%swap3A_278] {strides = array<i32>} : memref<128xf32, #tpu.memory_space<vmem>>, vector<16xf32>,
        %swap3A_280 = vector.shape_cast %swap3A_279 : vector<16xf32> to vector<16xf32>
        %swap3A_281 = vector.shape_cast %select_n3A_277 : vector<16xf32> to vector<16xf32>
        tpu.vector_store %arg21[%swap3A_278], %swap3A_281 {strides = array<i32>} : memref<128xf32, #tpu.memory_space<vmem>>, vector<16xf32>,
        %eq3A_282 = arith.cmpi eq, %get3A_271, %get3A_19 : vector<16xi32>
        %jit3A_283 = arith.constant 1.000000e+00 : f32
        %jit3A_284 = arith.constant 0.000000e+00 : f32
        %broadcast_in_dim3A_285 = vector.broadcast %jit3A_283 : f32 to vector<16xf32>
        %broadcast_in_dim3A_286 = vector.broadcast %jit3A_284 : f32 to vector<16xf32>
        %select_n3A_287 = arith.select %eq3A_282, %broadcast_in_dim3A_285, %broadcast_in_dim3A_286 : vector<16xi1>, vector<16xf32>
        %swap3A_288 = arith.constant 0 : index
        %swap3A_289 = tpu.vector_load %arg22[%swap3A_288] {strides = array<i32>} : memref<128xf32, #tpu.memory_space<vmem>>, vector<16xf32>,
        %swap3A_290 = vector.shape_cast %swap3A_289 : vector<16xf32> to vector<16xf32>
        %swap3A_291 = vector.shape_cast %select_n3A_287 : vector<16xf32> to vector<16xf32>
        tpu.vector_store %arg22[%swap3A_288], %swap3A_291 {strides = array<i32>} : memref<128xf32, #tpu.memory_space<vmem>>, vector<16xf32>,
        %get3A_292 = arith.index_cast %add3A_32 : i32 to index
        %get3A_293 = arith.constant 16 : index
        %get3A_294 = tpu.vector_load %arg14[%get3A_292, %get3A_293] {strides = array<i32>} : memref<16x128xi32, #tpu.memory_space<vmem>>, vector<1x16xi32>,
        %get3A_295 = vector.shape_cast %get3A_294 : vector<1x16xi32> to vector<16xi32>
        %eq3A_296 = arith.cmpi eq, %get3A_295, %get3A_16 : vector<16xi32>
        %jit3A_297 = arith.constant 1.000000e+00 : f32
        %jit3A_298 = arith.constant 0.000000e+00 : f32
        %broadcast_in_dim3A_299 = vector.broadcast %jit3A_297 : f32 to vector<16xf32>
        %broadcast_in_dim3A_300 = vector.broadcast %jit3A_298 : f32 to vector<16xf32>
        %select_n3A_301 = arith.select %eq3A_296, %broadcast_in_dim3A_299, %broadcast_in_dim3A_300 : vector<16xi1>, vector<16xf32>
        %swap3A_302 = arith.constant 16 : index
        %swap3A_303 = tpu.vector_load %arg21[%swap3A_302] {strides = array<i32>} : memref<128xf32, #tpu.memory_space<vmem>>, vector<16xf32>,
        %swap3A_304 = vector.shape_cast %swap3A_303 : vector<16xf32> to vector<16xf32>
        %swap3A_305 = vector.shape_cast %select_n3A_301 : vector<16xf32> to vector<16xf32>
        tpu.vector_store %arg21[%swap3A_302], %swap3A_305 {strides = array<i32>} : memref<128xf32, #tpu.memory_space<vmem>>, vector<16xf32>,
        %eq3A_306 = arith.cmpi eq, %get3A_295, %get3A_19 : vector<16xi32>
        %jit3A_307 = arith.constant 1.000000e+00 : f32
        %jit3A_308 = arith.constant 0.000000e+00 : f32
        %broadcast_in_dim3A_309 = vector.broadcast %jit3A_307 : f32 to vector<16xf32>
        %broadcast_in_dim3A_310 = vector.broadcast %jit3A_308 : f32 to vector<16xf32>
        %select_n3A_311 = arith.select %eq3A_306, %broadcast_in_dim3A_309, %broadcast_in_dim3A_310 : vector<16xi1>, vector<16xf32>
        %swap3A_312 = arith.constant 16 : index
        %swap3A_313 = tpu.vector_load %arg22[%swap3A_312] {strides = array<i32>} : memref<128xf32, #tpu.memory_space<vmem>>, vector<16xf32>,
        %swap3A_314 = vector.shape_cast %swap3A_313 : vector<16xf32> to vector<16xf32>
        %swap3A_315 = vector.shape_cast %select_n3A_311 : vector<16xf32> to vector<16xf32>
        tpu.vector_store %arg22[%swap3A_312], %swap3A_315 {strides = array<i32>} : memref<128xf32, #tpu.memory_space<vmem>>, vector<16xf32>,
        %get3A_316 = arith.index_cast %add3A_32 : i32 to index
        %get3A_317 = arith.constant 32 : index
        %get3A_318 = tpu.vector_load %arg14[%get3A_316, %get3A_317] {strides = array<i32>} : memref<16x128xi32, #tpu.memory_space<vmem>>, vector<1x16xi32>,
        %get3A_319 = vector.shape_cast %get3A_318 : vector<1x16xi32> to vector<16xi32>
        %eq3A_320 = arith.cmpi eq, %get3A_319, %get3A_16 : vector<16xi32>
        %jit3A_321 = arith.constant 1.000000e+00 : f32
        %jit3A_322 = arith.constant 0.000000e+00 : f32
        %broadcast_in_dim3A_323 = vector.broadcast %jit3A_321 : f32 to vector<16xf32>
        %broadcast_in_dim3A_324 = vector.broadcast %jit3A_322 : f32 to vector<16xf32>
        %select_n3A_325 = arith.select %eq3A_320, %broadcast_in_dim3A_323, %broadcast_in_dim3A_324 : vector<16xi1>, vector<16xf32>
        %swap3A_326 = arith.constant 32 : index
        %swap3A_327 = tpu.vector_load %arg21[%swap3A_326] {strides = array<i32>} : memref<128xf32, #tpu.memory_space<vmem>>, vector<16xf32>,
        %swap3A_328 = vector.shape_cast %swap3A_327 : vector<16xf32> to vector<16xf32>
        %swap3A_329 = vector.shape_cast %select_n3A_325 : vector<16xf32> to vector<16xf32>
        tpu.vector_store %arg21[%swap3A_326], %swap3A_329 {strides = array<i32>} : memref<128xf32, #tpu.memory_space<vmem>>, vector<16xf32>,
        %eq3A_330 = arith.cmpi eq, %get3A_319, %get3A_19 : vector<16xi32>
        %jit3A_331 = arith.constant 1.000000e+00 : f32
        %jit3A_332 = arith.constant 0.000000e+00 : f32
        %broadcast_in_dim3A_333 = vector.broadcast %jit3A_331 : f32 to vector<16xf32>
        %broadcast_in_dim3A_334 = vector.broadcast %jit3A_332 : f32 to vector<16xf32>
        %select_n3A_335 = arith.select %eq3A_330, %broadcast_in_dim3A_333, %broadcast_in_dim3A_334 : vector<16xi1>, vector<16xf32>
        %swap3A_336 = arith.constant 32 : index
        %swap3A_337 = tpu.vector_load %arg22[%swap3A_336] {strides = array<i32>} : memref<128xf32, #tpu.memory_space<vmem>>, vector<16xf32>,
        %swap3A_338 = vector.shape_cast %swap3A_337 : vector<16xf32> to vector<16xf32>
        %swap3A_339 = vector.shape_cast %select_n3A_335 : vector<16xf32> to vector<16xf32>
        tpu.vector_store %arg22[%swap3A_336], %swap3A_339 {strides = array<i32>} : memref<128xf32, #tpu.memory_space<vmem>>, vector<16xf32>,
        %get3A_340 = arith.index_cast %add3A_32 : i32 to index
        %get3A_341 = arith.constant 48 : index
        %get3A_342 = tpu.vector_load %arg14[%get3A_340, %get3A_341] {strides = array<i32>} : memref<16x128xi32, #tpu.memory_space<vmem>>, vector<1x16xi32>,
        %get3A_343 = vector.shape_cast %get3A_342 : vector<1x16xi32> to vector<16xi32>
        %eq3A_344 = arith.cmpi eq, %get3A_343, %get3A_16 : vector<16xi32>
        %jit3A_345 = arith.constant 1.000000e+00 : f32
        %jit3A_346 = arith.constant 0.000000e+00 : f32
        %broadcast_in_dim3A_347 = vector.broadcast %jit3A_345 : f32 to vector<16xf32>
        %broadcast_in_dim3A_348 = vector.broadcast %jit3A_346 : f32 to vector<16xf32>
        %select_n3A_349 = arith.select %eq3A_344, %broadcast_in_dim3A_347, %broadcast_in_dim3A_348 : vector<16xi1>, vector<16xf32>
        %swap3A_350 = arith.constant 48 : index
        %swap3A_351 = tpu.vector_load %arg21[%swap3A_350] {strides = array<i32>} : memref<128xf32, #tpu.memory_space<vmem>>, vector<16xf32>,
        %swap3A_352 = vector.shape_cast %swap3A_351 : vector<16xf32> to vector<16xf32>
        %swap3A_353 = vector.shape_cast %select_n3A_349 : vector<16xf32> to vector<16xf32>
        tpu.vector_store %arg21[%swap3A_350], %swap3A_353 {strides = array<i32>} : memref<128xf32, #tpu.memory_space<vmem>>, vector<16xf32>,
        %eq3A_354 = arith.cmpi eq, %get3A_343, %get3A_19 : vector<16xi32>
        %jit3A_355 = arith.constant 1.000000e+00 : f32
        %jit3A_356 = arith.constant 0.000000e+00 : f32
        %broadcast_in_dim3A_357 = vector.broadcast %jit3A_355 : f32 to vector<16xf32>
        %broadcast_in_dim3A_358 = vector.broadcast %jit3A_356 : f32 to vector<16xf32>
        %select_n3A_359 = arith.select %eq3A_354, %broadcast_in_dim3A_357, %broadcast_in_dim3A_358 : vector<16xi1>, vector<16xf32>
        %swap3A_360 = arith.constant 48 : index
        %swap3A_361 = tpu.vector_load %arg22[%swap3A_360] {strides = array<i32>} : memref<128xf32, #tpu.memory_space<vmem>>, vector<16xf32>,
        %swap3A_362 = vector.shape_cast %swap3A_361 : vector<16xf32> to vector<16xf32>
        %swap3A_363 = vector.shape_cast %select_n3A_359 : vector<16xf32> to vector<16xf32>
        tpu.vector_store %arg22[%swap3A_360], %swap3A_363 {strides = array<i32>} : memref<128xf32, #tpu.memory_space<vmem>>, vector<16xf32>,
        %get3A_364 = arith.index_cast %add3A_32 : i32 to index
        %get3A_365 = arith.constant 64 : index
        %get3A_366 = tpu.vector_load %arg14[%get3A_364, %get3A_365] {strides = array<i32>} : memref<16x128xi32, #tpu.memory_space<vmem>>, vector<1x16xi32>,
        %get3A_367 = vector.shape_cast %get3A_366 : vector<1x16xi32> to vector<16xi32>
        %eq3A_368 = arith.cmpi eq, %get3A_367, %get3A_16 : vector<16xi32>
        %jit3A_369 = arith.constant 1.000000e+00 : f32
        %jit3A_370 = arith.constant 0.000000e+00 : f32
        %broadcast_in_dim3A_371 = vector.broadcast %jit3A_369 : f32 to vector<16xf32>
        %broadcast_in_dim3A_372 = vector.broadcast %jit3A_370 : f32 to vector<16xf32>
        %select_n3A_373 = arith.select %eq3A_368, %broadcast_in_dim3A_371, %broadcast_in_dim3A_372 : vector<16xi1>, vector<16xf32>
        %swap3A_374 = arith.constant 64 : index
        %swap3A_375 = tpu.vector_load %arg21[%swap3A_374] {strides = array<i32>} : memref<128xf32, #tpu.memory_space<vmem>>, vector<16xf32>,
        %swap3A_376 = vector.shape_cast %swap3A_375 : vector<16xf32> to vector<16xf32>
        %swap3A_377 = vector.shape_cast %select_n3A_373 : vector<16xf32> to vector<16xf32>
        tpu.vector_store %arg21[%swap3A_374], %swap3A_377 {strides = array<i32>} : memref<128xf32, #tpu.memory_space<vmem>>, vector<16xf32>,
        %eq3A_378 = arith.cmpi eq, %get3A_367, %get3A_19 : vector<16xi32>
        %jit3A_379 = arith.constant 1.000000e+00 : f32
        %jit3A_380 = arith.constant 0.000000e+00 : f32
        %broadcast_in_dim3A_381 = vector.broadcast %jit3A_379 : f32 to vector<16xf32>
        %broadcast_in_dim3A_382 = vector.broadcast %jit3A_380 : f32 to vector<16xf32>
        %select_n3A_383 = arith.select %eq3A_378, %broadcast_in_dim3A_381, %broadcast_in_dim3A_382 : vector<16xi1>, vector<16xf32>
        %swap3A_384 = arith.constant 64 : index
        %swap3A_385 = tpu.vector_load %arg22[%swap3A_384] {strides = array<i32>} : memref<128xf32, #tpu.memory_space<vmem>>, vector<16xf32>,
        %swap3A_386 = vector.shape_cast %swap3A_385 : vector<16xf32> to vector<16xf32>
        %swap3A_387 = vector.shape_cast %select_n3A_383 : vector<16xf32> to vector<16xf32>
        tpu.vector_store %arg22[%swap3A_384], %swap3A_387 {strides = array<i32>} : memref<128xf32, #tpu.memory_space<vmem>>, vector<16xf32>,
        %get3A_388 = arith.index_cast %add3A_32 : i32 to index
        %get3A_389 = arith.constant 80 : index
        %get3A_390 = tpu.vector_load %arg14[%get3A_388, %get3A_389] {strides = array<i32>} : memref<16x128xi32, #tpu.memory_space<vmem>>, vector<1x16xi32>,
        %get3A_391 = vector.shape_cast %get3A_390 : vector<1x16xi32> to vector<16xi32>
        %eq3A_392 = arith.cmpi eq, %get3A_391, %get3A_16 : vector<16xi32>
        %jit3A_393 = arith.constant 1.000000e+00 : f32
        %jit3A_394 = arith.constant 0.000000e+00 : f32
        %broadcast_in_dim3A_395 = vector.broadcast %jit3A_393 : f32 to vector<16xf32>
        %broadcast_in_dim3A_396 = vector.broadcast %jit3A_394 : f32 to vector<16xf32>
        %select_n3A_397 = arith.select %eq3A_392, %broadcast_in_dim3A_395, %broadcast_in_dim3A_396 : vector<16xi1>, vector<16xf32>
        %swap3A_398 = arith.constant 80 : index
        %swap3A_399 = tpu.vector_load %arg21[%swap3A_398] {strides = array<i32>} : memref<128xf32, #tpu.memory_space<vmem>>, vector<16xf32>,
        %swap3A_400 = vector.shape_cast %swap3A_399 : vector<16xf32> to vector<16xf32>
        %swap3A_401 = vector.shape_cast %select_n3A_397 : vector<16xf32> to vector<16xf32>
        tpu.vector_store %arg21[%swap3A_398], %swap3A_401 {strides = array<i32>} : memref<128xf32, #tpu.memory_space<vmem>>, vector<16xf32>,
        %eq3A_402 = arith.cmpi eq, %get3A_391, %get3A_19 : vector<16xi32>
        %jit3A_403 = arith.constant 1.000000e+00 : f32
        %jit3A_404 = arith.constant 0.000000e+00 : f32
        %broadcast_in_dim3A_405 = vector.broadcast %jit3A_403 : f32 to vector<16xf32>
        %broadcast_in_dim3A_406 = vector.broadcast %jit3A_404 : f32 to vector<16xf32>
        %select_n3A_407 = arith.select %eq3A_402, %broadcast_in_dim3A_405, %broadcast_in_dim3A_406 : vector<16xi1>, vector<16xf32>
        %swap3A_408 = arith.constant 80 : index
        %swap3A_409 = tpu.vector_load %arg22[%swap3A_408] {strides = array<i32>} : memref<128xf32, #tpu.memory_space<vmem>>, vector<16xf32>,
        %swap3A_410 = vector.shape_cast %swap3A_409 : vector<16xf32> to vector<16xf32>
        %swap3A_411 = vector.shape_cast %select_n3A_407 : vector<16xf32> to vector<16xf32>
        tpu.vector_store %arg22[%swap3A_408], %swap3A_411 {strides = array<i32>} : memref<128xf32, #tpu.memory_space<vmem>>, vector<16xf32>,
        %get3A_412 = arith.index_cast %add3A_32 : i32 to index
        %get3A_413 = arith.constant 96 : index
        %get3A_414 = tpu.vector_load %arg14[%get3A_412, %get3A_413] {strides = array<i32>} : memref<16x128xi32, #tpu.memory_space<vmem>>, vector<1x16xi32>,
        %get3A_415 = vector.shape_cast %get3A_414 : vector<1x16xi32> to vector<16xi32>
        %eq3A_416 = arith.cmpi eq, %get3A_415, %get3A_16 : vector<16xi32>
        %jit3A_417 = arith.constant 1.000000e+00 : f32
        %jit3A_418 = arith.constant 0.000000e+00 : f32
        %broadcast_in_dim3A_419 = vector.broadcast %jit3A_417 : f32 to vector<16xf32>
        %broadcast_in_dim3A_420 = vector.broadcast %jit3A_418 : f32 to vector<16xf32>
        %select_n3A_421 = arith.select %eq3A_416, %broadcast_in_dim3A_419, %broadcast_in_dim3A_420 : vector<16xi1>, vector<16xf32>
        %swap3A_422 = arith.constant 96 : index
        %swap3A_423 = tpu.vector_load %arg21[%swap3A_422] {strides = array<i32>} : memref<128xf32, #tpu.memory_space<vmem>>, vector<16xf32>,
        %swap3A_424 = vector.shape_cast %swap3A_423 : vector<16xf32> to vector<16xf32>
        %swap3A_425 = vector.shape_cast %select_n3A_421 : vector<16xf32> to vector<16xf32>
        tpu.vector_store %arg21[%swap3A_422], %swap3A_425 {strides = array<i32>} : memref<128xf32, #tpu.memory_space<vmem>>, vector<16xf32>,
        %eq3A_426 = arith.cmpi eq, %get3A_415, %get3A_19 : vector<16xi32>
        %jit3A_427 = arith.constant 1.000000e+00 : f32
        %jit3A_428 = arith.constant 0.000000e+00 : f32
        %broadcast_in_dim3A_429 = vector.broadcast %jit3A_427 : f32 to vector<16xf32>
        %broadcast_in_dim3A_430 = vector.broadcast %jit3A_428 : f32 to vector<16xf32>
        %select_n3A_431 = arith.select %eq3A_426, %broadcast_in_dim3A_429, %broadcast_in_dim3A_430 : vector<16xi1>, vector<16xf32>
        %swap3A_432 = arith.constant 96 : index
        %swap3A_433 = tpu.vector_load %arg22[%swap3A_432] {strides = array<i32>} : memref<128xf32, #tpu.memory_space<vmem>>, vector<16xf32>,
        %swap3A_434 = vector.shape_cast %swap3A_433 : vector<16xf32> to vector<16xf32>
        %swap3A_435 = vector.shape_cast %select_n3A_431 : vector<16xf32> to vector<16xf32>
        tpu.vector_store %arg22[%swap3A_432], %swap3A_435 {strides = array<i32>} : memref<128xf32, #tpu.memory_space<vmem>>, vector<16xf32>,
        %get3A_436 = arith.index_cast %add3A_32 : i32 to index
        %get3A_437 = arith.constant 112 : index
        %get3A_438 = tpu.vector_load %arg14[%get3A_436, %get3A_437] {strides = array<i32>} : memref<16x128xi32, #tpu.memory_space<vmem>>, vector<1x16xi32>,
        %get3A_439 = vector.shape_cast %get3A_438 : vector<1x16xi32> to vector<16xi32>
        %eq3A_440 = arith.cmpi eq, %get3A_439, %get3A_16 : vector<16xi32>
        %jit3A_441 = arith.constant 1.000000e+00 : f32
        %jit3A_442 = arith.constant 0.000000e+00 : f32
        %broadcast_in_dim3A_443 = vector.broadcast %jit3A_441 : f32 to vector<16xf32>
        %broadcast_in_dim3A_444 = vector.broadcast %jit3A_442 : f32 to vector<16xf32>
        %select_n3A_445 = arith.select %eq3A_440, %broadcast_in_dim3A_443, %broadcast_in_dim3A_444 : vector<16xi1>, vector<16xf32>
        %swap3A_446 = arith.constant 112 : index
        %swap3A_447 = tpu.vector_load %arg21[%swap3A_446] {strides = array<i32>} : memref<128xf32, #tpu.memory_space<vmem>>, vector<16xf32>,
        %swap3A_448 = vector.shape_cast %swap3A_447 : vector<16xf32> to vector<16xf32>
        %swap3A_449 = vector.shape_cast %select_n3A_445 : vector<16xf32> to vector<16xf32>
        tpu.vector_store %arg21[%swap3A_446], %swap3A_449 {strides = array<i32>} : memref<128xf32, #tpu.memory_space<vmem>>, vector<16xf32>,
        %eq3A_450 = arith.cmpi eq, %get3A_439, %get3A_19 : vector<16xi32>
        %jit3A_451 = arith.constant 1.000000e+00 : f32
        %jit3A_452 = arith.constant 0.000000e+00 : f32
        %broadcast_in_dim3A_453 = vector.broadcast %jit3A_451 : f32 to vector<16xf32>
        %broadcast_in_dim3A_454 = vector.broadcast %jit3A_452 : f32 to vector<16xf32>
        %select_n3A_455 = arith.select %eq3A_450, %broadcast_in_dim3A_453, %broadcast_in_dim3A_454 : vector<16xi1>, vector<16xf32>
        %swap3A_456 = arith.constant 112 : index
        %swap3A_457 = tpu.vector_load %arg22[%swap3A_456] {strides = array<i32>} : memref<128xf32, #tpu.memory_space<vmem>>, vector<16xf32>,
        %swap3A_458 = vector.shape_cast %swap3A_457 : vector<16xf32> to vector<16xf32>
        %swap3A_459 = vector.shape_cast %select_n3A_455 : vector<16xf32> to vector<16xf32>
        tpu.vector_store %arg22[%swap3A_456], %swap3A_459 {strides = array<i32>} : memref<128xf32, #tpu.memory_space<vmem>>, vector<16xf32>,
        %dma_wait3A_460 = arith.constant 0 : i32
        %dma_wait3A_461 = tpu.memref_slice %arg13[%add3A_32, %dma_wait3A_460] : memref<16x128xi32, #tpu.memory_space<vmem>> -> memref<1x128xi32, #tpu.memory_space<vmem>>
        %dma_wait3A_462 = tpu.memref_squeeze %dma_wait3A_461 : memref<1x128xi32, #tpu.memory_space<vmem>> -> memref<128xi32, #tpu.memory_space<vmem>>
        %dma_wait3A_463 = arith.constant 0 : i32
        %dma_wait3A_464 = tpu.memref_slice %arg25[%dma_wait3A_463] : memref<102400xf32, #tpu.memory_space<vmem_shared>> -> memref<102400xf32, #tpu.memory_space<vmem_shared>>
        tpu.wait_indirect_dma semaphore(%arg31 : memref<!tpu.dma_semaphore, #tpu.memory_space<semaphore_mem>>) src(%dma_wait3A_464 : memref<102400xf32, #tpu.memory_space<vmem_shared>>) dst(%arg17 : memref<128xf32, #tpu.memory_space<vmem>>)
        %dma_wait3A_465 = arith.constant 0 : i32
        %dma_wait3A_466 = tpu.memref_slice %arg13[%add3A_32, %dma_wait3A_465] : memref<16x128xi32, #tpu.memory_space<vmem>> -> memref<1x128xi32, #tpu.memory_space<vmem>>
        %dma_wait3A_467 = tpu.memref_squeeze %dma_wait3A_466 : memref<1x128xi32, #tpu.memory_space<vmem>> -> memref<128xi32, #tpu.memory_space<vmem>>
        %dma_wait3A_468 = arith.constant 0 : i32
        %dma_wait3A_469 = tpu.memref_slice %arg26[%dma_wait3A_468] : memref<102400xf32, #tpu.memory_space<vmem_shared>> -> memref<102400xf32, #tpu.memory_space<vmem_shared>>
        tpu.wait_indirect_dma semaphore(%arg32 : memref<!tpu.dma_semaphore, #tpu.memory_space<semaphore_mem>>) src(%dma_wait3A_469 : memref<102400xf32, #tpu.memory_space<vmem_shared>>) dst(%arg18 : memref<128xf32, #tpu.memory_space<vmem>>)
        %dma_wait3A_470 = arith.constant 0 : i32
        %dma_wait3A_471 = tpu.memref_slice %arg14[%mul3A_28, %dma_wait3A_470] : memref<16x128xi32, #tpu.memory_space<vmem>> -> memref<1x128xi32, #tpu.memory_space<vmem>>
        %dma_wait3A_472 = tpu.memref_squeeze %dma_wait3A_471 : memref<1x128xi32, #tpu.memory_space<vmem>> -> memref<128xi32, #tpu.memory_space<vmem>>
        %dma_wait3A_473 = arith.constant 0 : i32
        %dma_wait3A_474 = tpu.memref_slice %arg27[%dma_wait3A_473] : memref<102400xf32, #tpu.memory_space<vmem_shared>> -> memref<102400xf32, #tpu.memory_space<vmem_shared>>
        tpu.wait_indirect_dma semaphore(%arg33 : memref<!tpu.dma_semaphore, #tpu.memory_space<semaphore_mem>>) src(%arg15 : memref<128xf32, #tpu.memory_space<vmem>>) dst(%dma_wait3A_474 : memref<102400xf32, #tpu.memory_space<vmem_shared>>)
        %dma_wait3A_475 = arith.constant 0 : i32
        %dma_wait3A_476 = tpu.memref_slice %arg14[%mul3A_28, %dma_wait3A_475] : memref<16x128xi32, #tpu.memory_space<vmem>> -> memref<1x128xi32, #tpu.memory_space<vmem>>
        %dma_wait3A_477 = tpu.memref_squeeze %dma_wait3A_476 : memref<1x128xi32, #tpu.memory_space<vmem>> -> memref<128xi32, #tpu.memory_space<vmem>>
        %dma_wait3A_478 = arith.constant 0 : i32
        %dma_wait3A_479 = tpu.memref_slice %arg28[%dma_wait3A_478] : memref<102400xf32, #tpu.memory_space<vmem_shared>> -> memref<102400xf32, #tpu.memory_space<vmem_shared>>
        tpu.wait_indirect_dma semaphore(%arg34 : memref<!tpu.dma_semaphore, #tpu.memory_space<semaphore_mem>>) src(%arg16 : memref<128xf32, #tpu.memory_space<vmem>>) dst(%dma_wait3A_479 : memref<102400xf32, #tpu.memory_space<vmem_shared>>)
        %dma_wait3A_480 = arith.constant 0 : i32
        %dma_wait3A_481 = tpu.memref_slice %arg13[%mul3A_28, %dma_wait3A_480] : memref<16x128xi32, #tpu.memory_space<vmem>> -> memref<1x128xi32, #tpu.memory_space<vmem>>
        %dma_wait3A_482 = tpu.memref_squeeze %dma_wait3A_481 : memref<1x128xi32, #tpu.memory_space<vmem>> -> memref<128xi32, #tpu.memory_space<vmem>>
        %dma_wait3A_483 = arith.constant 0 : i32
        %dma_wait3A_484 = tpu.memref_slice %arg29[%dma_wait3A_483] : memref<102400xf32, #tpu.memory_space<vmem_shared>> -> memref<102400xf32, #tpu.memory_space<vmem_shared>>
        tpu.wait_indirect_dma semaphore(%arg33 : memref<!tpu.dma_semaphore, #tpu.memory_space<semaphore_mem>>) src(%arg19 : memref<128xf32, #tpu.memory_space<vmem>>) dst(%dma_wait3A_484 : memref<102400xf32, #tpu.memory_space<vmem_shared>>)
        %dma_wait3A_485 = arith.constant 0 : i32
        %dma_wait3A_486 = tpu.memref_slice %arg13[%mul3A_28, %dma_wait3A_485] : memref<16x128xi32, #tpu.memory_space<vmem>> -> memref<1x128xi32, #tpu.memory_space<vmem>>
        %dma_wait3A_487 = tpu.memref_squeeze %dma_wait3A_486 : memref<1x128xi32, #tpu.memory_space<vmem>> -> memref<128xi32, #tpu.memory_space<vmem>>
        %dma_wait3A_488 = arith.constant 0 : i32
        %dma_wait3A_489 = tpu.memref_slice %arg30[%dma_wait3A_488] : memref<102400xf32, #tpu.memory_space<vmem_shared>> -> memref<102400xf32, #tpu.memory_space<vmem_shared>>
        tpu.wait_indirect_dma semaphore(%arg34 : memref<!tpu.dma_semaphore, #tpu.memory_space<semaphore_mem>>) src(%arg20 : memref<128xf32, #tpu.memory_space<vmem>>) dst(%dma_wait3A_489 : memref<102400xf32, #tpu.memory_space<vmem_shared>>)
        %dma_start3A_490 = arith.constant 0 : i32
        %dma_start3A_491 = tpu.memref_slice %arg14[%add3A_32, %dma_start3A_490] : memref<16x128xi32, #tpu.memory_space<vmem>> -> memref<1x128xi32, #tpu.memory_space<vmem>>
        %dma_start3A_492 = tpu.memref_squeeze %dma_start3A_491 : memref<1x128xi32, #tpu.memory_space<vmem>> -> memref<128xi32, #tpu.memory_space<vmem>>
        %dma_start3A_493 = arith.constant 0 : i32
        %dma_start3A_494 = tpu.memref_slice %arg27[%dma_start3A_493] : memref<102400xf32, #tpu.memory_space<vmem_shared>> -> memref<102400xf32, #tpu.memory_space<vmem_shared>>
        tpu.enqueue_indirect_dma source(%arg17 : memref<128xf32, #tpu.memory_space<vmem>>) target(%dma_start3A_494 : memref<102400xf32, #tpu.memory_space<vmem_shared>>) offsets(%dma_start3A_492 : memref<128xi32, #tpu.memory_space<vmem>>) semaphore(%arg33 : memref<!tpu.dma_semaphore, #tpu.memory_space<semaphore_mem>>) {add = true}
        %dma_start3A_495 = arith.constant 0 : i32
        %dma_start3A_496 = tpu.memref_slice %arg14[%add3A_32, %dma_start3A_495] : memref<16x128xi32, #tpu.memory_space<vmem>> -> memref<1x128xi32, #tpu.memory_space<vmem>>
        %dma_start3A_497 = tpu.memref_squeeze %dma_start3A_496 : memref<1x128xi32, #tpu.memory_space<vmem>> -> memref<128xi32, #tpu.memory_space<vmem>>
        %dma_start3A_498 = arith.constant 0 : i32
        %dma_start3A_499 = tpu.memref_slice %arg28[%dma_start3A_498] : memref<102400xf32, #tpu.memory_space<vmem_shared>> -> memref<102400xf32, #tpu.memory_space<vmem_shared>>
        tpu.enqueue_indirect_dma source(%arg18 : memref<128xf32, #tpu.memory_space<vmem>>) target(%dma_start3A_499 : memref<102400xf32, #tpu.memory_space<vmem_shared>>) offsets(%dma_start3A_497 : memref<128xi32, #tpu.memory_space<vmem>>) semaphore(%arg34 : memref<!tpu.dma_semaphore, #tpu.memory_space<semaphore_mem>>) {add = true}
        %dma_start3A_500 = arith.constant 0 : i32
        %dma_start3A_501 = tpu.memref_slice %arg13[%add3A_32, %dma_start3A_500] : memref<16x128xi32, #tpu.memory_space<vmem>> -> memref<1x128xi32, #tpu.memory_space<vmem>>
        %dma_start3A_502 = tpu.memref_squeeze %dma_start3A_501 : memref<1x128xi32, #tpu.memory_space<vmem>> -> memref<128xi32, #tpu.memory_space<vmem>>
        %dma_start3A_503 = arith.constant 0 : i32
        %dma_start3A_504 = tpu.memref_slice %arg29[%dma_start3A_503] : memref<102400xf32, #tpu.memory_space<vmem_shared>> -> memref<102400xf32, #tpu.memory_space<vmem_shared>>
        tpu.enqueue_indirect_dma source(%arg21 : memref<128xf32, #tpu.memory_space<vmem>>) target(%dma_start3A_504 : memref<102400xf32, #tpu.memory_space<vmem_shared>>) offsets(%dma_start3A_502 : memref<128xi32, #tpu.memory_space<vmem>>) semaphore(%arg33 : memref<!tpu.dma_semaphore, #tpu.memory_space<semaphore_mem>>) {add = true}
        %dma_start3A_505 = arith.constant 0 : i32
        %dma_start3A_506 = tpu.memref_slice %arg13[%add3A_32, %dma_start3A_505] : memref<16x128xi32, #tpu.memory_space<vmem>> -> memref<1x128xi32, #tpu.memory_space<vmem>>
        %dma_start3A_507 = tpu.memref_squeeze %dma_start3A_506 : memref<1x128xi32, #tpu.memory_space<vmem>> -> memref<128xi32, #tpu.memory_space<vmem>>
        %dma_start3A_508 = arith.constant 0 : i32
        %dma_start3A_509 = tpu.memref_slice %arg30[%dma_start3A_508] : memref<102400xf32, #tpu.memory_space<vmem_shared>> -> memref<102400xf32, #tpu.memory_space<vmem_shared>>
        tpu.enqueue_indirect_dma source(%arg22 : memref<128xf32, #tpu.memory_space<vmem>>) target(%dma_start3A_509 : memref<102400xf32, #tpu.memory_space<vmem_shared>>) offsets(%dma_start3A_507 : memref<128xi32, #tpu.memory_space<vmem>>) semaphore(%arg34 : memref<!tpu.dma_semaphore, #tpu.memory_space<semaphore_mem>>) {add = true}
        %dma_wait3A_510 = arith.constant 0 : i32
        %dma_wait3A_511 = tpu.memref_slice %arg14[%add3A_32, %dma_wait3A_510] : memref<16x128xi32, #tpu.memory_space<vmem>> -> memref<1x128xi32, #tpu.memory_space<vmem>>
        %dma_wait3A_512 = tpu.memref_squeeze %dma_wait3A_511 : memref<1x128xi32, #tpu.memory_space<vmem>> -> memref<128xi32, #tpu.memory_space<vmem>>
        %dma_wait3A_513 = arith.constant 0 : i32
        %dma_wait3A_514 = tpu.memref_slice %arg27[%dma_wait3A_513] : memref<102400xf32, #tpu.memory_space<vmem_shared>> -> memref<102400xf32, #tpu.memory_space<vmem_shared>>
        tpu.wait_indirect_dma semaphore(%arg33 : memref<!tpu.dma_semaphore, #tpu.memory_space<semaphore_mem>>) src(%arg17 : memref<128xf32, #tpu.memory_space<vmem>>) dst(%dma_wait3A_514 : memref<102400xf32, #tpu.memory_space<vmem_shared>>)
        %dma_wait3A_515 = arith.constant 0 : i32
        %dma_wait3A_516 = tpu.memref_slice %arg14[%add3A_32, %dma_wait3A_515] : memref<16x128xi32, #tpu.memory_space<vmem>> -> memref<1x128xi32, #tpu.memory_space<vmem>>
        %dma_wait3A_517 = tpu.memref_squeeze %dma_wait3A_516 : memref<1x128xi32, #tpu.memory_space<vmem>> -> memref<128xi32, #tpu.memory_space<vmem>>
        %dma_wait3A_518 = arith.constant 0 : i32
        %dma_wait3A_519 = tpu.memref_slice %arg28[%dma_wait3A_518] : memref<102400xf32, #tpu.memory_space<vmem_shared>> -> memref<102400xf32, #tpu.memory_space<vmem_shared>>
        tpu.wait_indirect_dma semaphore(%arg34 : memref<!tpu.dma_semaphore, #tpu.memory_space<semaphore_mem>>) src(%arg18 : memref<128xf32, #tpu.memory_space<vmem>>) dst(%dma_wait3A_519 : memref<102400xf32, #tpu.memory_space<vmem_shared>>)
        %dma_wait3A_520 = arith.constant 0 : i32
        %dma_wait3A_521 = tpu.memref_slice %arg13[%add3A_32, %dma_wait3A_520] : memref<16x128xi32, #tpu.memory_space<vmem>> -> memref<1x128xi32, #tpu.memory_space<vmem>>
        %dma_wait3A_522 = tpu.memref_squeeze %dma_wait3A_521 : memref<1x128xi32, #tpu.memory_space<vmem>> -> memref<128xi32, #tpu.memory_space<vmem>>
        %dma_wait3A_523 = arith.constant 0 : i32
        %dma_wait3A_524 = tpu.memref_slice %arg29[%dma_wait3A_523] : memref<102400xf32, #tpu.memory_space<vmem_shared>> -> memref<102400xf32, #tpu.memory_space<vmem_shared>>
        tpu.wait_indirect_dma semaphore(%arg33 : memref<!tpu.dma_semaphore, #tpu.memory_space<semaphore_mem>>) src(%arg21 : memref<128xf32, #tpu.memory_space<vmem>>) dst(%dma_wait3A_524 : memref<102400xf32, #tpu.memory_space<vmem_shared>>)
        %dma_wait3A_525 = arith.constant 0 : i32
        %dma_wait3A_526 = tpu.memref_slice %arg13[%add3A_32, %dma_wait3A_525] : memref<16x128xi32, #tpu.memory_space<vmem>> -> memref<1x128xi32, #tpu.memory_space<vmem>>
        %dma_wait3A_527 = tpu.memref_squeeze %dma_wait3A_526 : memref<1x128xi32, #tpu.memory_space<vmem>> -> memref<128xi32, #tpu.memory_space<vmem>>
        %dma_wait3A_528 = arith.constant 0 : i32
        %dma_wait3A_529 = tpu.memref_slice %arg30[%dma_wait3A_528] : memref<102400xf32, #tpu.memory_space<vmem_shared>> -> memref<102400xf32, #tpu.memory_space<vmem_shared>>
        tpu.wait_indirect_dma semaphore(%arg34 : memref<!tpu.dma_semaphore, #tpu.memory_space<semaphore_mem>>) src(%arg22 : memref<128xf32, #tpu.memory_space<vmem>>) dst(%dma_wait3A_529 : memref<102400xf32, #tpu.memory_space<vmem_shared>>)
      }
      %scan3A_25 = arith.constant 8 : i32
    }
    %scan3A_9 = arith.constant 50 : i32
    %barrier3A_10 = arith.constant 0 : index
    tpu.barrier barrier_id(%barrier3A_10)
    "tpu.region"() ({
      %run_scoped3A = tpu.sem_alloc : memref<!tpu.dma_semaphore, #tpu.memory_space<semaphore_mem>>
      %dma_start3A = tpu.memref_slice %arg9[%arg0, %mul3A_2] : memref<2x102400xf32, #tpu.memory_space<hbm>> -> memref<1x6400xf32, #tpu.memory_space<hbm>>
      %dma_start3A_11 = tpu.memref_squeeze %dma_start3A : memref<1x6400xf32, #tpu.memory_space<hbm>> -> memref<6400xf32, #tpu.memory_space<hbm>>
      %dma_start3A_12 = tpu.memref_slice %arg27[%mul3A_2] : memref<102400xf32, #tpu.memory_space<vmem_shared>> -> memref<6400xf32, #tpu.memory_space<vmem_shared>>
      tpu.enqueue_dma source(%dma_start3A_12 : memref<6400xf32, #tpu.memory_space<vmem_shared>>) target(%dma_start3A_11 : memref<6400xf32, #tpu.memory_space<hbm>>) target_semaphore(%run_scoped3A : memref<!tpu.dma_semaphore, #tpu.memory_space<semaphore_mem>>)
      %dma_wait3A = tpu.memref_slice %arg9[%arg0, %mul3A_2] : memref<2x102400xf32, #tpu.memory_space<hbm>> -> memref<1x6400xf32, #tpu.memory_space<hbm>>
      %dma_wait3A_13 = tpu.memref_squeeze %dma_wait3A : memref<1x6400xf32, #tpu.memory_space<hbm>> -> memref<6400xf32, #tpu.memory_space<hbm>>
      %dma_wait3A_14 = tpu.memref_slice %arg27[%mul3A_2] : memref<102400xf32, #tpu.memory_space<vmem_shared>> -> memref<6400xf32, #tpu.memory_space<vmem_shared>>
      tpu.wait_dma2 semaphore(%run_scoped3A : memref<!tpu.dma_semaphore, #tpu.memory_space<semaphore_mem>>) src(%dma_wait3A_14 : memref<6400xf32, #tpu.memory_space<vmem_shared>>) dst(%dma_wait3A_13 : memref<6400xf32, #tpu.memory_space<hbm>>)
      tpu.yield
    }) : () -> ()
    "tpu.region"() ({
      %run_scoped3A = tpu.sem_alloc : memref<!tpu.dma_semaphore, #tpu.memory_space<semaphore_mem>>
      %dma_start3A = tpu.memref_slice %arg10[%arg0, %mul3A_2] : memref<2x102400xf32, #tpu.memory_space<hbm>> -> memref<1x6400xf32, #tpu.memory_space<hbm>>
      %dma_start3A_11 = tpu.memref_squeeze %dma_start3A : memref<1x6400xf32, #tpu.memory_space<hbm>> -> memref<6400xf32, #tpu.memory_space<hbm>>
      %dma_start3A_12 = tpu.memref_slice %arg28[%mul3A_2] : memref<102400xf32, #tpu.memory_space<vmem_shared>> -> memref<6400xf32, #tpu.memory_space<vmem_shared>>
      tpu.enqueue_dma source(%dma_start3A_12 : memref<6400xf32, #tpu.memory_space<vmem_shared>>) target(%dma_start3A_11 : memref<6400xf32, #tpu.memory_space<hbm>>) target_semaphore(%run_scoped3A : memref<!tpu.dma_semaphore, #tpu.memory_space<semaphore_mem>>)
      %dma_wait3A = tpu.memref_slice %arg10[%arg0, %mul3A_2] : memref<2x102400xf32, #tpu.memory_space<hbm>> -> memref<1x6400xf32, #tpu.memory_space<hbm>>
      %dma_wait3A_13 = tpu.memref_squeeze %dma_wait3A : memref<1x6400xf32, #tpu.memory_space<hbm>> -> memref<6400xf32, #tpu.memory_space<hbm>>
      %dma_wait3A_14 = tpu.memref_slice %arg28[%mul3A_2] : memref<102400xf32, #tpu.memory_space<vmem_shared>> -> memref<6400xf32, #tpu.memory_space<vmem_shared>>
      tpu.wait_dma2 semaphore(%run_scoped3A : memref<!tpu.dma_semaphore, #tpu.memory_space<semaphore_mem>>) src(%dma_wait3A_14 : memref<6400xf32, #tpu.memory_space<vmem_shared>>) dst(%dma_wait3A_13 : memref<6400xf32, #tpu.memory_space<hbm>>)
      tpu.yield
    }) : () -> ()
    "tpu.region"() ({
      %run_scoped3A = tpu.sem_alloc : memref<!tpu.dma_semaphore, #tpu.memory_space<semaphore_mem>>
      %dma_start3A = tpu.memref_slice %arg11[%arg0, %mul3A_2] : memref<2x102400xf32, #tpu.memory_space<hbm>> -> memref<1x6400xf32, #tpu.memory_space<hbm>>
      %dma_start3A_11 = tpu.memref_squeeze %dma_start3A : memref<1x6400xf32, #tpu.memory_space<hbm>> -> memref<6400xf32, #tpu.memory_space<hbm>>
      %dma_start3A_12 = tpu.memref_slice %arg29[%mul3A_2] : memref<102400xf32, #tpu.memory_space<vmem_shared>> -> memref<6400xf32, #tpu.memory_space<vmem_shared>>
      tpu.enqueue_dma source(%dma_start3A_12 : memref<6400xf32, #tpu.memory_space<vmem_shared>>) target(%dma_start3A_11 : memref<6400xf32, #tpu.memory_space<hbm>>) target_semaphore(%run_scoped3A : memref<!tpu.dma_semaphore, #tpu.memory_space<semaphore_mem>>)
      %dma_wait3A = tpu.memref_slice %arg11[%arg0, %mul3A_2] : memref<2x102400xf32, #tpu.memory_space<hbm>> -> memref<1x6400xf32, #tpu.memory_space<hbm>>
      %dma_wait3A_13 = tpu.memref_squeeze %dma_wait3A : memref<1x6400xf32, #tpu.memory_space<hbm>> -> memref<6400xf32, #tpu.memory_space<hbm>>
      %dma_wait3A_14 = tpu.memref_slice %arg29[%mul3A_2] : memref<102400xf32, #tpu.memory_space<vmem_shared>> -> memref<6400xf32, #tpu.memory_space<vmem_shared>>
      tpu.wait_dma2 semaphore(%run_scoped3A : memref<!tpu.dma_semaphore, #tpu.memory_space<semaphore_mem>>) src(%dma_wait3A_14 : memref<6400xf32, #tpu.memory_space<vmem_shared>>) dst(%dma_wait3A_13 : memref<6400xf32, #tpu.memory_space<hbm>>)
      tpu.yield
    }) : () -> ()
    "tpu.region"() ({
      %run_scoped3A = tpu.sem_alloc : memref<!tpu.dma_semaphore, #tpu.memory_space<semaphore_mem>>
      %dma_start3A = tpu.memref_slice %arg12[%arg0, %mul3A_2] : memref<2x102400xf32, #tpu.memory_space<hbm>> -> memref<1x6400xf32, #tpu.memory_space<hbm>>
      %dma_start3A_11 = tpu.memref_squeeze %dma_start3A : memref<1x6400xf32, #tpu.memory_space<hbm>> -> memref<6400xf32, #tpu.memory_space<hbm>>
      %dma_start3A_12 = tpu.memref_slice %arg30[%mul3A_2] : memref<102400xf32, #tpu.memory_space<vmem_shared>> -> memref<6400xf32, #tpu.memory_space<vmem_shared>>
      tpu.enqueue_dma source(%dma_start3A_12 : memref<6400xf32, #tpu.memory_space<vmem_shared>>) target(%dma_start3A_11 : memref<6400xf32, #tpu.memory_space<hbm>>) target_semaphore(%run_scoped3A : memref<!tpu.dma_semaphore, #tpu.memory_space<semaphore_mem>>)
      %dma_wait3A = tpu.memref_slice %arg12[%arg0, %mul3A_2] : memref<2x102400xf32, #tpu.memory_space<hbm>> -> memref<1x6400xf32, #tpu.memory_space<hbm>>
      %dma_wait3A_13 = tpu.memref_squeeze %dma_wait3A : memref<1x6400xf32, #tpu.memory_space<hbm>> -> memref<6400xf32, #tpu.memory_space<hbm>>
      %dma_wait3A_14 = tpu.memref_slice %arg30[%mul3A_2] : memref<102400xf32, #tpu.memory_space<vmem_shared>> -> memref<6400xf32, #tpu.memory_space<vmem_shared>>
      tpu.wait_dma2 semaphore(%run_scoped3A : memref<!tpu.dma_semaphore, #tpu.memory_space<semaphore_mem>>) src(%dma_wait3A_14 : memref<6400xf32, #tpu.memory_space<vmem_shared>>) dst(%dma_wait3A_13 : memref<6400xf32, #tpu.memory_space<hbm>>)
      tpu.yield
    }) : () -> ()
    return
  }
}

module attributes {stable_mosaic.version = 14 : i64} {
  func.func @_y_body(%arg0: i32, %arg1: memref<2x20480xf32, #tpu.memory_space<vmem>>, %arg2: memref<2x20480xf32, #tpu.memory_space<vmem>>, %arg3: memref<20480xf32, #tpu.memory_space<vmem>>, %arg4: memref<20480xf32, #tpu.memory_space<vmem>>) attributes {dimension_semantics = [#tpu.dimension_semantics<arbitrary>], iteration_bounds = array<i64: 5>, scalar_prefetch = 0 : i64, scratch_operands = 0 : i64, tpu.core_type = #tpu.core_type<tc>, window_params = [{transform_indices = @transform_0, window_bounds = array<i64: 2, 20480>}, {transform_indices = @transform_1, window_bounds = array<i64: 2, 20480>}, {transform_indices = @transform_2, window_bounds = array<i64: 20480>}, {transform_indices = @transform_3, window_bounds = array<i64: 20480>}]} {
    %get3A = arith.constant 0 : index
    %get3A_0 = arith.constant 0 : index
    %get3A_1 = vector.load %arg1[%get3A, %get3A_0] : memref<2x20480xf32, #tpu.memory_space<vmem>>, vector<1x20480xf32>
    %get3A_2 = vector.shape_cast %get3A_1 : vector<1x20480xf32> to vector<20480xf32>
    %get3A_3 = arith.constant 1 : index
    %get3A_4 = arith.constant 0 : index
    %get3A_5 = vector.load %arg1[%get3A_3, %get3A_4] : memref<2x20480xf32, #tpu.memory_space<vmem>>, vector<1x20480xf32>
    %get3A_6 = vector.shape_cast %get3A_5 : vector<1x20480xf32> to vector<20480xf32>
    %add3A = arith.addf %get3A_2, %get3A_6 : vector<20480xf32>
    %max3A = arith.constant 1.000000e+00 : f32
    %max3A_7 = vector.broadcast %max3A : f32 to vector<20480xf32>
    %max3A_8 = arith.maximumf %add3A, %max3A_7 : vector<20480xf32>
    %rsqrt3A = math.rsqrt %max3A_8 : vector<20480xf32>
    %get3A_9 = arith.constant 0 : index
    %get3A_10 = arith.constant 0 : index
    %get3A_11 = vector.load %arg2[%get3A_9, %get3A_10] : memref<2x20480xf32, #tpu.memory_space<vmem>>, vector<1x20480xf32>
    %get3A_12 = vector.shape_cast %get3A_11 : vector<1x20480xf32> to vector<20480xf32>
    %mul3A = arith.mulf %get3A_12, %rsqrt3A : vector<20480xf32>
    %swap3A = arith.constant 0 : index
    %swap3A_13 = vector.load %arg3[%swap3A] : memref<20480xf32, #tpu.memory_space<vmem>>, vector<20480xf32>
    tpu.vector_store %arg3[%swap3A], %mul3A {strides = array<i32>} : memref<20480xf32, #tpu.memory_space<vmem>>, vector<20480xf32>,
    %get3A_14 = arith.constant 1 : index
    %get3A_15 = arith.constant 0 : index
    %get3A_16 = vector.load %arg2[%get3A_14, %get3A_15] : memref<2x20480xf32, #tpu.memory_space<vmem>>, vector<1x20480xf32>
    %get3A_17 = vector.shape_cast %get3A_16 : vector<1x20480xf32> to vector<20480xf32>
    %mul3A_18 = arith.mulf %get3A_17, %rsqrt3A : vector<20480xf32>
    %swap3A_19 = arith.constant 0 : index
    %swap3A_20 = vector.load %arg4[%swap3A_19] : memref<20480xf32, #tpu.memory_space<vmem>>, vector<20480xf32>
    tpu.vector_store %arg4[%swap3A_19], %mul3A_18 {strides = array<i32>} : memref<20480xf32, #tpu.memory_space<vmem>>, vector<20480xf32>,
    return
  }
  func.func @transform_0(%arg0: i32) -> (i32, i32) {
    %c0_i32 = arith.constant 0 : i32
    %c0_i32_0 = arith.constant 0 : i32
    return %c0_i32, %arg0 : i32, i32
  }
  func.func @transform_1(%arg0: i32) -> (i32, i32) {
    %c0_i32 = arith.constant 0 : i32
    %c0_i32_0 = arith.constant 0 : i32
    return %c0_i32, %arg0 : i32, i32
  }
  func.func @transform_2(%arg0: i32) -> i32 {
    %c0_i32 = arith.constant 0 : i32
    return %arg0 : i32
  }
  func.func @transform_3(%arg0: i32) -> i32 {
    %c0_i32 = arith.constant 0 : i32
    return %arg0 : i32
  }
}

module attributes {stable_mosaic.version = 14 : i64} {
  func.func @_fin_body(%arg0: i32, %arg1: memref<2x12800xf32, #tpu.memory_space<vmem>>, %arg2: memref<2x12800xf32, #tpu.memory_space<vmem>>, %arg3: memref<12800x16xf32, #tpu.memory_space<vmem>>, %arg4: memref<16x16xf32, #tpu.memory_space<vmem>>, %arg5: memref<1x16xf32, #tpu.memory_space<vmem>>, %arg6: memref<32x40xf32, #tpu.memory_space<vmem>>, %arg7: memref<1x40xf32, #tpu.memory_space<vmem>>, %arg8: memref<40x2xf32, #tpu.memory_space<vmem>>, %arg9: memref<1x2xf32, #tpu.memory_space<vmem>>, %arg10: memref<1x2xf32, #tpu.memory_space<vmem>>, %arg11: memref<2x16xf32, #tpu.memory_space<vmem>>, %arg12: memref<1x2xf32, #tpu.memory_space<vmem>>) attributes {dimension_semantics = [#tpu.dimension_semantics<arbitrary>], iteration_bounds = array<i64: 8>, scalar_prefetch = 0 : i64, scratch_operands = 2 : i64, tpu.core_type = #tpu.core_type<tc>, window_params = [{transform_indices = @transform_0, window_bounds = array<i64: 2, 12800>}, {transform_indices = @transform_1, window_bounds = array<i64: 2, 12800>}, {transform_indices = @transform_2, window_bounds = array<i64: 12800, 16>}, {pipeline_mode = #tpu.pipeline_mode<synchronous>, transform_indices = @transform_3, window_bounds = array<i64: 16, 16>}, {pipeline_mode = #tpu.pipeline_mode<synchronous>, transform_indices = @transform_4, window_bounds = array<i64: 1, 16>}, {pipeline_mode = #tpu.pipeline_mode<synchronous>, transform_indices = @transform_5, window_bounds = array<i64: 32, 40>}, {pipeline_mode = #tpu.pipeline_mode<synchronous>, transform_indices = @transform_6, window_bounds = array<i64: 1, 40>}, {pipeline_mode = #tpu.pipeline_mode<synchronous>, transform_indices = @transform_7, window_bounds = array<i64: 40, 2>}, {pipeline_mode = #tpu.pipeline_mode<synchronous>, transform_indices = @transform_8, window_bounds = array<i64: 1, 2>}, {pipeline_mode = #tpu.pipeline_mode<synchronous>, transform_indices = @transform_9, window_bounds = array<i64: 1, 2>}]} {
    %eq3A = arith.constant 0 : i32
    %eq3A_0 = arith.cmpi eq, %arg0, %eq3A : i32
    %convert_element_type3A = arith.extui %eq3A_0 : i1 to i32
    %cond3A = arith.constant 0 : i32
    %cond3A_1 = arith.cmpi ne, %convert_element_type3A, %cond3A : i32
    scf.if %cond3A_1 {
      %broadcast_in_dim3A_67 = arith.constant 0.000000e+00 : f32
      %broadcast_in_dim3A_68 = vector.broadcast %broadcast_in_dim3A_67 : f32 to vector<2x16xf32>
      %swap3A_69 = arith.constant 0 : index
      %swap3A_70 = arith.constant 0 : index
      %swap3A_71 = vector.load %arg11[%swap3A_69, %swap3A_70] : memref<2x16xf32, #tpu.memory_space<vmem>>, vector<2x16xf32>
      tpu.vector_store %arg11[%swap3A_69, %swap3A_70], %broadcast_in_dim3A_68 {strides = array<i32>} : memref<2x16xf32, #tpu.memory_space<vmem>>, vector<2x16xf32>,
      %broadcast_in_dim3A_72 = arith.constant 0.000000e+00 : f32
      %broadcast_in_dim3A_73 = vector.broadcast %broadcast_in_dim3A_72 : f32 to vector<1x2xf32>
      %swap3A_74 = arith.constant 0 : index
      %swap3A_75 = arith.constant 0 : index
      %swap3A_76 = vector.load %arg12[%swap3A_74, %swap3A_75] : memref<1x2xf32, #tpu.memory_space<vmem>>, vector<1x2xf32>
      tpu.vector_store %arg12[%swap3A_74, %swap3A_75], %broadcast_in_dim3A_73 {strides = array<i32>} : memref<1x2xf32, #tpu.memory_space<vmem>>, vector<1x2xf32>,
    } else {
    }
    %get3A = arith.constant 0 : index
    %get3A_2 = arith.constant 0 : index
    %get3A_3 = vector.load %arg1[%get3A, %get3A_2] : memref<2x12800xf32, #tpu.memory_space<vmem>>, vector<1x12800xf32>
    %get3A_4 = vector.shape_cast %get3A_3 : vector<1x12800xf32> to vector<12800xf32>
    %get3A_5 = arith.constant 1 : index
    %get3A_6 = arith.constant 0 : index
    %get3A_7 = vector.load %arg1[%get3A_5, %get3A_6] : memref<2x12800xf32, #tpu.memory_space<vmem>>, vector<1x12800xf32>
    %get3A_8 = vector.shape_cast %get3A_7 : vector<1x12800xf32> to vector<12800xf32>
    %add3A = arith.addf %get3A_4, %get3A_8 : vector<12800xf32>
    %get3A_9 = arith.constant 0 : index
    %get3A_10 = arith.constant 0 : index
    %get3A_11 = vector.load %arg2[%get3A_9, %get3A_10] : memref<2x12800xf32, #tpu.memory_space<vmem>>, vector<1x12800xf32>
    %get3A_12 = vector.shape_cast %get3A_11 : vector<1x12800xf32> to vector<12800xf32>
    %get3A_13 = arith.constant 1 : index
    %get3A_14 = arith.constant 0 : index
    %get3A_15 = vector.load %arg2[%get3A_13, %get3A_14] : memref<2x12800xf32, #tpu.memory_space<vmem>>, vector<1x12800xf32>
    %get3A_16 = vector.shape_cast %get3A_15 : vector<1x12800xf32> to vector<12800xf32>
    %add3A_17 = arith.addf %get3A_12, %get3A_16 : vector<12800xf32>
    %get3A_18 = arith.constant 0 : index
    %get3A_19 = arith.constant 0 : index
    %get3A_20 = vector.load %arg3[%get3A_18, %get3A_19] : memref<12800x16xf32, #tpu.memory_space<vmem>>, vector<12800x16xf32>
    %get3A_21 = arith.constant 0 : index
    %get3A_22 = arith.constant 0 : index
    %get3A_23 = vector.load %arg11[%get3A_21, %get3A_22] : memref<2x16xf32, #tpu.memory_space<vmem>>, vector<1x16xf32>
    %broadcast_in_dim3A = vector.shape_cast %add3A : vector<12800xf32> to vector<12800x1xf32>
    %mul3A = vector.broadcast %broadcast_in_dim3A : vector<12800x1xf32> to vector<12800x16xf32>
    %mul3A_24 = arith.mulf %mul3A, %get3A_20 : vector<12800x16xf32>
    %reduce_sum3A = arith.constant dense<0.000000e+00> : vector<16xf32>
    %reduce_sum3A_25 = vector.multi_reduction <add>, %mul3A_24, %reduce_sum3A [0] : vector<12800x16xf32> to vector<16xf32>
    %broadcast_in_dim3A_26 = vector.shape_cast %reduce_sum3A_25 : vector<16xf32> to vector<1x16xf32>
    %add3A_27 = arith.addf %get3A_23, %broadcast_in_dim3A_26 : vector<1x16xf32>
    %swap3A = arith.constant 0 : index
    %swap3A_28 = arith.constant 0 : index
    %swap3A_29 = vector.load %arg11[%swap3A, %swap3A_28] : memref<2x16xf32, #tpu.memory_space<vmem>>, vector<1x16xf32>
    tpu.vector_store %arg11[%swap3A, %swap3A_28], %add3A_27 {strides = array<i32>} : memref<2x16xf32, #tpu.memory_space<vmem>>, vector<1x16xf32>,
    %get3A_30 = arith.constant 1 : index
    %get3A_31 = arith.constant 0 : index
    %get3A_32 = vector.load %arg11[%get3A_30, %get3A_31] : memref<2x16xf32, #tpu.memory_space<vmem>>, vector<1x16xf32>
    %broadcast_in_dim3A_33 = vector.shape_cast %add3A_17 : vector<12800xf32> to vector<12800x1xf32>
    %mul3A_34 = vector.broadcast %broadcast_in_dim3A_33 : vector<12800x1xf32> to vector<12800x16xf32>
    %mul3A_35 = arith.mulf %mul3A_34, %get3A_20 : vector<12800x16xf32>
    %reduce_sum3A_36 = arith.constant dense<0.000000e+00> : vector<16xf32>
    %reduce_sum3A_37 = vector.multi_reduction <add>, %mul3A_35, %reduce_sum3A_36 [0] : vector<12800x16xf32> to vector<16xf32>
    %broadcast_in_dim3A_38 = vector.shape_cast %reduce_sum3A_37 : vector<16xf32> to vector<1x16xf32>
    %add3A_39 = arith.addf %get3A_32, %broadcast_in_dim3A_38 : vector<1x16xf32>
    %swap3A_40 = arith.constant 1 : index
    %swap3A_41 = arith.constant 0 : index
    %swap3A_42 = vector.load %arg11[%swap3A_40, %swap3A_41] : memref<2x16xf32, #tpu.memory_space<vmem>>, vector<1x16xf32>
    tpu.vector_store %arg11[%swap3A_40, %swap3A_41], %add3A_39 {strides = array<i32>} : memref<2x16xf32, #tpu.memory_space<vmem>>, vector<1x16xf32>,
    %get3A_43 = arith.constant 0 : index
    %get3A_44 = arith.constant 0 : index
    %get3A_45 = vector.load %arg12[%get3A_43, %get3A_44] : memref<1x2xf32, #tpu.memory_space<vmem>>, vector<1x2xf32>
    %reduce_sum3A_46 = vector.shape_cast %add3A : vector<12800xf32> to vector<1x12800xf32>
    %reduce_sum3A_47 = arith.constant dense<0.000000e+00> : vector<1xf32>
    %reduce_sum3A_48 = vector.multi_reduction <add>, %reduce_sum3A_46, %reduce_sum3A_47 [1] : vector<1x12800xf32> to vector<1xf32>
    %reduce_sum3A_49 = vector.shape_cast %reduce_sum3A_48 : vector<1xf32> to vector<1x1xf32>
    %reduce_sum3A_50 = vector.extract %reduce_sum3A_49[0, 0] : f32 from vector<1x1xf32>
    %reduce_sum3A_51 = vector.shape_cast %add3A_17 : vector<12800xf32> to vector<1x12800xf32>
    %reduce_sum3A_52 = arith.constant dense<0.000000e+00> : vector<1xf32>
    %reduce_sum3A_53 = vector.multi_reduction <add>, %reduce_sum3A_51, %reduce_sum3A_52 [1] : vector<1x12800xf32> to vector<1xf32>
    %reduce_sum3A_54 = vector.shape_cast %reduce_sum3A_53 : vector<1xf32> to vector<1x1xf32>
    %reduce_sum3A_55 = vector.extract %reduce_sum3A_54[0, 0] : f32 from vector<1x1xf32>
    %stack3A = vector.broadcast %reduce_sum3A_50 : f32 to vector<1xf32>
    %stack3A_56 = vector.broadcast %reduce_sum3A_55 : f32 to vector<1xf32>
    %stack3A_57 = tpu.concatenate %stack3A, %stack3A_56 in 0 : vector<1xf32>, vector<1xf32> -> vector<2xf32>
    %reshape3A = vector.shape_cast %stack3A_57 : vector<2xf32> to vector<1x2xf32>
    %add3A_58 = arith.addf %get3A_45, %reshape3A : vector<1x2xf32>
    %swap3A_59 = arith.constant 0 : index
    %swap3A_60 = arith.constant 0 : index
    %swap3A_61 = vector.load %arg12[%swap3A_59, %swap3A_60] : memref<1x2xf32, #tpu.memory_space<vmem>>, vector<1x2xf32>
    tpu.vector_store %arg12[%swap3A_59, %swap3A_60], %add3A_58 {strides = array<i32>} : memref<1x2xf32, #tpu.memory_space<vmem>>, vector<1x2xf32>,
    %eq3A_62 = arith.constant 7 : i32
    %eq3A_63 = arith.cmpi eq, %arg0, %eq3A_62 : i32
    %convert_element_type3A_64 = arith.extui %eq3A_63 : i1 to i32
    %cond3A_65 = arith.constant 0 : i32
    %cond3A_66 = arith.cmpi ne, %convert_element_type3A_64, %cond3A_65 : i32
    scf.if %cond3A_66 {
      %get3A_67 = arith.constant 0 : index
      %get3A_68 = arith.constant 0 : index
      %get3A_69 = vector.load %arg12[%get3A_67, %get3A_68] : memref<1x2xf32, #tpu.memory_space<vmem>>, vector<1x2xf32>
      %max3A = arith.constant 1.000000e+00 : f32
      %max3A_70 = vector.broadcast %max3A : f32 to vector<1x2xf32>
      %max3A_71 = arith.maximumf %get3A_69, %max3A_70 : vector<1x2xf32>
      %rsqrt3A = math.rsqrt %max3A_71 : vector<1x2xf32>
      %get3A_72 = arith.constant 0 : index
      %get3A_73 = arith.constant 0 : index
      %get3A_74 = vector.load %arg11[%get3A_72, %get3A_73] : memref<2x16xf32, #tpu.memory_space<vmem>>, vector<2x16xf32>
      %reshape3A_75 = vector.shape_cast %rsqrt3A : vector<1x2xf32> to vector<2x1xf32>
      %mul3A_76 = vector.broadcast %reshape3A_75 : vector<2x1xf32> to vector<2x16xf32>
      %mul3A_77 = arith.mulf %get3A_74, %mul3A_76 : vector<2x16xf32>
      %get3A_78 = arith.constant 0 : index
      %get3A_79 = arith.constant 0 : index
      %get3A_80 = vector.load %arg4[%get3A_78, %get3A_79] : memref<16x16xf32, #tpu.memory_space<vmem>>, vector<16x16xf32>
      %dot_general3A = arith.constant dense<0.000000e+00> : vector<2x16xf32>
      %dot_general3A_81 = tpu.matmul %mul3A_77, %get3A_80, %dot_general3A {dimension_numbers = #tpu.dot_dimension_numbers<[1], [0], [0], [1], [0, 0, 1, 1], [], []>, transpose_lhs_hint = false} : vector<2x16xf32>, vector<16x16xf32>, vector<2x16xf32> -> vector<2x16xf32>
      %get3A_82 = arith.constant 0 : index
      %get3A_83 = arith.constant 0 : index
      %get3A_84 = vector.load %arg5[%get3A_82, %get3A_83] : memref<1x16xf32, #tpu.memory_space<vmem>>, vector<1x16xf32>
      %add3A_85 = vector.broadcast %get3A_84 : vector<1x16xf32> to vector<2x16xf32>
      %add3A_86 = arith.addf %dot_general3A_81, %add3A_85 : vector<2x16xf32>
      %max3A_87 = arith.constant 0.000000e+00 : f32
      %max3A_88 = vector.broadcast %max3A_87 : f32 to vector<2x16xf32>
      %max3A_89 = arith.maximumf %add3A_86, %max3A_88 : vector<2x16xf32>
      %slice3A = vector.extract_strided_slice %max3A_89 {offsets = [0, 0], sizes = [1, 16], strides = [1, 1]} : vector<2x16xf32> to vector<1x16xf32>
      %slice3A_90 = vector.extract_strided_slice %max3A_89 {offsets = [1, 0], sizes = [1, 16], strides = [1, 1]} : vector<2x16xf32> to vector<1x16xf32>
      %concatenate3A = tpu.concatenate %slice3A, %slice3A_90 in 1 : vector<1x16xf32>, vector<1x16xf32> -> vector<1x32xf32>
      %get3A_91 = arith.constant 0 : index
      %get3A_92 = arith.constant 0 : index
      %get3A_93 = vector.load %arg6[%get3A_91, %get3A_92] : memref<32x40xf32, #tpu.memory_space<vmem>>, vector<32x40xf32>
      %dot_general3A_94 = arith.constant dense<0.000000e+00> : vector<1x40xf32>
      %dot_general3A_95 = tpu.matmul %concatenate3A, %get3A_93, %dot_general3A_94 {dimension_numbers = #tpu.dot_dimension_numbers<[1], [0], [0], [1], [0, 0, 1, 1], [], []>, transpose_lhs_hint = false} : vector<1x32xf32>, vector<32x40xf32>, vector<1x40xf32> -> vector<1x40xf32>
      %get3A_96 = arith.constant 0 : index
      %get3A_97 = arith.constant 0 : index
      %get3A_98 = vector.load %arg7[%get3A_96, %get3A_97] : memref<1x40xf32, #tpu.memory_space<vmem>>, vector<1x40xf32>
      %add3A_99 = arith.addf %dot_general3A_95, %get3A_98 : vector<1x40xf32>
      %max3A_100 = arith.constant 0.000000e+00 : f32
      %max3A_101 = vector.broadcast %max3A_100 : f32 to vector<1x40xf32>
      %max3A_102 = arith.maximumf %add3A_99, %max3A_101 : vector<1x40xf32>
      %get3A_103 = arith.constant 0 : index
      %get3A_104 = arith.constant 0 : index
      %get3A_105 = vector.load %arg8[%get3A_103, %get3A_104] : memref<40x2xf32, #tpu.memory_space<vmem>>, vector<40x2xf32>
      %dot_general3A_106 = arith.constant dense<0.000000e+00> : vector<1x2xf32>
      %dot_general3A_107 = tpu.matmul %max3A_102, %get3A_105, %dot_general3A_106 {dimension_numbers = #tpu.dot_dimension_numbers<[1], [0], [0], [1], [0, 0, 1, 1], [], []>, transpose_lhs_hint = false} : vector<1x40xf32>, vector<40x2xf32>, vector<1x2xf32> -> vector<1x2xf32>
      %get3A_108 = arith.constant 0 : index
      %get3A_109 = arith.constant 0 : index
      %get3A_110 = vector.load %arg9[%get3A_108, %get3A_109] : memref<1x2xf32, #tpu.memory_space<vmem>>, vector<1x2xf32>
      %add3A_111 = arith.addf %dot_general3A_107, %get3A_110 : vector<1x2xf32>
      %swap3A_112 = arith.constant 0 : index
      %swap3A_113 = arith.constant 0 : index
      %swap3A_114 = vector.load %arg10[%swap3A_112, %swap3A_113] : memref<1x2xf32, #tpu.memory_space<vmem>>, vector<1x2xf32>
      tpu.vector_store %arg10[%swap3A_112, %swap3A_113], %add3A_111 {strides = array<i32>} : memref<1x2xf32, #tpu.memory_space<vmem>>, vector<1x2xf32>,
    } else {
    }
    return
  }
  func.func @transform_0(%arg0: i32) -> (i32, i32) {
    %c0_i32 = arith.constant 0 : i32
    %c0_i32_0 = arith.constant 0 : i32
    return %c0_i32, %arg0 : i32, i32
  }
  func.func @transform_1(%arg0: i32) -> (i32, i32) {
    %c0_i32 = arith.constant 0 : i32
    %c0_i32_0 = arith.constant 0 : i32
    return %c0_i32, %arg0 : i32, i32
  }
  func.func @transform_2(%arg0: i32) -> (i32, i32) {
    %c0_i32 = arith.constant 0 : i32
    %c0_i32_0 = arith.constant 0 : i32
    return %arg0, %c0_i32 : i32, i32
  }
  func.func @transform_3(%arg0: i32) -> (i32, i32) {
    %c0_i32 = arith.constant 0 : i32
    %c0_i32_0 = arith.constant 0 : i32
    %c0_i32_1 = arith.constant 0 : i32
    return %c0_i32, %c0_i32_0 : i32, i32
  }
  func.func @transform_4(%arg0: i32) -> (i32, i32) {
    %c0_i32 = arith.constant 0 : i32
    %c0_i32_0 = arith.constant 0 : i32
    %c0_i32_1 = arith.constant 0 : i32
    return %c0_i32, %c0_i32_0 : i32, i32
  }
  func.func @transform_5(%arg0: i32) -> (i32, i32) {
    %c0_i32 = arith.constant 0 : i32
    %c0_i32_0 = arith.constant 0 : i32
    %c0_i32_1 = arith.constant 0 : i32
    return %c0_i32, %c0_i32_0 : i32, i32
  }
  func.func @transform_6(%arg0: i32) -> (i32, i32) {
    %c0_i32 = arith.constant 0 : i32
    %c0_i32_0 = arith.constant 0 : i32
    %c0_i32_1 = arith.constant 0 : i32
    return %c0_i32, %c0_i32_0 : i32, i32
  }
  func.func @transform_7(%arg0: i32) -> (i32, i32) {
    %c0_i32 = arith.constant 0 : i32
    %c0_i32_0 = arith.constant 0 : i32
    %c0_i32_1 = arith.constant 0 : i32
    return %c0_i32, %c0_i32_0 : i32, i32
  }
  func.func @transform_8(%arg0: i32) -> (i32, i32) {
    %c0_i32 = arith.constant 0 : i32
    %c0_i32_0 = arith.constant 0 : i32
    %c0_i32_1 = arith.constant 0 : i32
    return %c0_i32, %c0_i32_0 : i32, i32
  }
  func.func @transform_9(%arg0: i32) -> (i32, i32) {
    %c0_i32 = arith.constant 0 : i32
    %c0_i32_0 = arith.constant 0 : i32
    %c0_i32_1 = arith.constant 0 : i32
    return %c0_i32, %c0_i32_0 : i32, i32
  }
}

module attributes {stable_mosaic.version = 14 : i64} {
  func.func @_h1_body(%arg0: i32, %arg1: memref<2x12800xf32, #tpu.memory_space<vmem>>, %arg2: memref<2x12800xf32, #tpu.memory_space<vmem>>, %arg3: memref<2x12800xf32, #tpu.memory_space<vmem>>, %arg4: memref<2x16xf32, #tpu.memory_space<vmem>>, %arg5: memref<1x16xf32, #tpu.memory_space<vmem>>, %arg6: memref<12800x16xf32, #tpu.memory_space<vmem>>) attributes {dimension_semantics = [#tpu.dimension_semantics<arbitrary>], iteration_bounds = array<i64: 8>, scalar_prefetch = 0 : i64, scratch_operands = 0 : i64, tpu.core_type = #tpu.core_type<tc>, window_params = [{transform_indices = @transform_0, window_bounds = array<i64: 2, 12800>}, {transform_indices = @transform_1, window_bounds = array<i64: 2, 12800>}, {transform_indices = @transform_2, window_bounds = array<i64: 2, 12800>}, {pipeline_mode = #tpu.pipeline_mode<synchronous>, transform_indices = @transform_3, window_bounds = array<i64: 2, 16>}, {pipeline_mode = #tpu.pipeline_mode<synchronous>, transform_indices = @transform_4, window_bounds = array<i64: 1, 16>}, {transform_indices = @transform_5, window_bounds = array<i64: 12800, 16>}]} {
    %get3A = arith.constant 0 : index
    %get3A_0 = arith.constant 0 : index
    %get3A_1 = vector.load %arg1[%get3A, %get3A_0] : memref<2x12800xf32, #tpu.memory_space<vmem>>, vector<1x12800xf32>
    %get3A_2 = vector.shape_cast %get3A_1 : vector<1x12800xf32> to vector<12800xf32>
    %get3A_3 = arith.constant 1 : index
    %get3A_4 = arith.constant 0 : index
    %get3A_5 = vector.load %arg1[%get3A_3, %get3A_4] : memref<2x12800xf32, #tpu.memory_space<vmem>>, vector<1x12800xf32>
    %get3A_6 = vector.shape_cast %get3A_5 : vector<1x12800xf32> to vector<12800xf32>
    %add3A = arith.addf %get3A_2, %get3A_6 : vector<12800xf32>
    %get3A_7 = arith.constant 0 : index
    %get3A_8 = arith.constant 0 : index
    %get3A_9 = vector.load %arg2[%get3A_7, %get3A_8] : memref<2x12800xf32, #tpu.memory_space<vmem>>, vector<1x12800xf32>
    %get3A_10 = vector.shape_cast %get3A_9 : vector<1x12800xf32> to vector<12800xf32>
    %get3A_11 = arith.constant 1 : index
    %get3A_12 = arith.constant 0 : index
    %get3A_13 = vector.load %arg2[%get3A_11, %get3A_12] : memref<2x12800xf32, #tpu.memory_space<vmem>>, vector<1x12800xf32>
    %get3A_14 = vector.shape_cast %get3A_13 : vector<1x12800xf32> to vector<12800xf32>
    %add3A_15 = arith.addf %get3A_10, %get3A_14 : vector<12800xf32>
    %get3A_16 = arith.constant 0 : index
    %get3A_17 = arith.constant 0 : index
    %get3A_18 = vector.load %arg3[%get3A_16, %get3A_17] : memref<2x12800xf32, #tpu.memory_space<vmem>>, vector<1x12800xf32>
    %get3A_19 = vector.shape_cast %get3A_18 : vector<1x12800xf32> to vector<12800xf32>
    %get3A_20 = arith.constant 1 : index
    %get3A_21 = arith.constant 0 : index
    %get3A_22 = vector.load %arg3[%get3A_20, %get3A_21] : memref<2x12800xf32, #tpu.memory_space<vmem>>, vector<1x12800xf32>
    %get3A_23 = vector.shape_cast %get3A_22 : vector<1x12800xf32> to vector<12800xf32>
    %add3A_24 = arith.addf %get3A_19, %get3A_23 : vector<12800xf32>
    %max3A = arith.constant 1.000000e+00 : f32
    %max3A_25 = vector.broadcast %max3A : f32 to vector<12800xf32>
    %max3A_26 = arith.maximumf %add3A_24, %max3A_25 : vector<12800xf32>
    %rsqrt3A = math.rsqrt %max3A_26 : vector<12800xf32>
    %mul3A = arith.mulf %add3A, %rsqrt3A : vector<12800xf32>
    %mul3A_27 = arith.mulf %add3A_15, %rsqrt3A : vector<12800xf32>
    %stack3A = vector.shape_cast %mul3A : vector<12800xf32> to vector<12800x1xf32>
    %stack3A_28 = vector.shape_cast %mul3A_27 : vector<12800xf32> to vector<12800x1xf32>
    %stack3A_29 = tpu.concatenate %stack3A, %stack3A_28 in 1 : vector<12800x1xf32>, vector<12800x1xf32> -> vector<12800x2xf32>
    %get3A_30 = arith.constant 0 : index
    %get3A_31 = arith.constant 0 : index
    %get3A_32 = vector.load %arg4[%get3A_30, %get3A_31] : memref<2x16xf32, #tpu.memory_space<vmem>>, vector<2x16xf32>
    %dot_general3A = arith.constant dense<0.000000e+00> : vector<12800x16xf32>
    %dot_general3A_33 = tpu.matmul %stack3A_29, %get3A_32, %dot_general3A {dimension_numbers = #tpu.dot_dimension_numbers<[1], [0], [0], [1], [0, 0, 1, 1], [], []>, transpose_lhs_hint = false} : vector<12800x2xf32>, vector<2x16xf32>, vector<12800x16xf32> -> vector<12800x16xf32>
    %get3A_34 = arith.constant 0 : index
    %get3A_35 = arith.constant 0 : index
    %get3A_36 = vector.load %arg5[%get3A_34, %get3A_35] : memref<1x16xf32, #tpu.memory_space<vmem>>, vector<1x16xf32>
    %add3A_37 = vector.broadcast %get3A_36 : vector<1x16xf32> to vector<12800x16xf32>
    %add3A_38 = arith.addf %dot_general3A_33, %add3A_37 : vector<12800x16xf32>
    %max3A_39 = arith.constant 0.000000e+00 : f32
    %max3A_40 = vector.broadcast %max3A_39 : f32 to vector<12800x16xf32>
    %max3A_41 = arith.maximumf %add3A_38, %max3A_40 : vector<12800x16xf32>
    %broadcast_in_dim3A = vector.shape_cast %rsqrt3A : vector<12800xf32> to vector<12800x1xf32>
    %mul3A_42 = vector.broadcast %broadcast_in_dim3A : vector<12800x1xf32> to vector<12800x16xf32>
    %mul3A_43 = arith.mulf %max3A_41, %mul3A_42 : vector<12800x16xf32>
    %swap3A = arith.constant 0 : index
    %swap3A_44 = arith.constant 0 : index
    %swap3A_45 = vector.load %arg6[%swap3A, %swap3A_44] : memref<12800x16xf32, #tpu.memory_space<vmem>>, vector<12800x16xf32>
    tpu.vector_store %arg6[%swap3A, %swap3A_44], %mul3A_43 {strides = array<i32>} : memref<12800x16xf32, #tpu.memory_space<vmem>>, vector<12800x16xf32>,
    return
  }
  func.func @transform_0(%arg0: i32) -> (i32, i32) {
    %c0_i32 = arith.constant 0 : i32
    %c0_i32_0 = arith.constant 0 : i32
    return %c0_i32, %arg0 : i32, i32
  }
  func.func @transform_1(%arg0: i32) -> (i32, i32) {
    %c0_i32 = arith.constant 0 : i32
    %c0_i32_0 = arith.constant 0 : i32
    return %c0_i32, %arg0 : i32, i32
  }
  func.func @transform_2(%arg0: i32) -> (i32, i32) {
    %c0_i32 = arith.constant 0 : i32
    %c0_i32_0 = arith.constant 0 : i32
    return %c0_i32, %arg0 : i32, i32
  }
  func.func @transform_3(%arg0: i32) -> (i32, i32) {
    %c0_i32 = arith.constant 0 : i32
    %c0_i32_0 = arith.constant 0 : i32
    %c0_i32_1 = arith.constant 0 : i32
    return %c0_i32, %c0_i32_0 : i32, i32
  }
  func.func @transform_4(%arg0: i32) -> (i32, i32) {
    %c0_i32 = arith.constant 0 : i32
    %c0_i32_0 = arith.constant 0 : i32
    %c0_i32_1 = arith.constant 0 : i32
    return %c0_i32, %c0_i32_0 : i32, i32
  }
  func.func @transform_5(%arg0: i32) -> (i32, i32) {
    %c0_i32 = arith.constant 0 : i32
    %c0_i32_0 = arith.constant 0 : i32
    return %arg0, %c0_i32 : i32, i32
  }
}

</mosaic_0001>

<sc_bundles>
// kernel: kernel.10.cloned.1.call-start
scs
__scs_entry_jumppad:
0x0: {  	(pc) =	sbr.rel $0x88, $3  }
0x1: {  	(tag) =	ssettag $0x0;
	lr =	simm.s32 $0x1  }
0x2: {  	[smem:$0x3F95] =	sst lr;
	_ =	strace $0xD0000000  }
0x3: {  	_ = 	snop  }
0x4: {  	_ = 	snop  }
0x5: {  	_ = 	snop  }
0x6: {  	_ = 	snop  }
0x7: {  	_ = 	snop  }
__scs_overlays_trampoline_lowered:
0x8: {  	[smem:$0x3FA4] =	sst s0  }
0x9: {  	[smem:$0x3FA5] =	sst s1  }
0xa: {  	[smem:$0x3FA6] =	sst s2  }
0xb: {  	[smem:$0x3FA7] =	sst s3  }
0xc: {  	[smem:$0x3FA8] =	sst s4  }
0xd: {  	[smem:$0x3FA9] =	sst s5  }
0xe: {  	[smem:$0x3FAA] =	sst s6  }
0xf: {  	[smem:$0x3FAB] =	sst s7  }
0x10: {  	[smem:$0x3FAC] =	sst s8  }
0x11: {  	[smem:$0x3FAD] =	sst s9;
	s0 =	simm.s32 @!p0 $0x0  }
0x12: {  	s1 =	sld [smem:$0x3F93];
	s0 =	simm.s32 @p0 $0x1  }
0x13: {  	[smem:$0x3FAE] =	sst s0;
	s0 =	simm.s32 @!p1 $0x0  }
0x14: {  	s2 =	sld [smem:$0x3F92];
	s0 =	simm.s32 @p1 $0x1  }
0x15: {  	[smem:$0x3FAF] =	sst s0;
	s0 =	simm.s32 @!p2 $0x0  }
0x16: {  	s3 =	sld [smem:$0x3FDB];
	s0 =	simm.s32 @p2 $0x1  }
0x17: {  	s4 =	simm.s32 $0x1BF5;
	[smem:$0x3FB1] =	sst s0  }
0x18: {  	s0 =	sld [smem:$0x3F94];
	_ =	swait.ge [sflag:s4], $0x0  }
0x19: {  	s7 =	sld [smem:$0x3F95]  }
0x1a: {  	s8 =	sadd.s32 $0xFFFFE003, lr  }
0x1b: {  	s9 =	sadd.s32 $0xFFFFFEF7, lr;
	s5 =	simm.s32 $0xFFFFFFFF;
	p2 =	slt.u32 s8, $0xFFFFF086  }
0x1c: {  	p1 =	slt.u32 s9, $0xF7A;
	s5 =	simm.s32 @!p2 $0x0  }
0x1d: {  	s5 =	simm.s32 @p1 $0x1;
	p0 =	seq.s32 s7, s2  }
0x1e: {  	s7 =	smul.u32 @!p0 $0xF7A, s2;
	p2 =	seq.s32 @!p0 s5, $0x0  }
0x1f: {  	s9 =	smul.u32 $0xF7A, s1;
	s8 =	simm.s32 @!p0 $0x1BF5;
	p2 =	por !p2, p0  }
0x20: {  	[sflag:s8] =	ssyncset.s32 @!p0 $0xFFFFF086;
	s6 =	sadd.s32 @!p0 s3, s7;
	s7 =	simm.s32 @!p0 $0x108  }
0x21: {  	s3 =	sadd.s32 s3, s9;
	s6 =	sadd.s32 @!p0 $0x88, s6;
	s7 =	simm.s32 @p2 $0x1082  }
0x22: {  	[simem:s7], [sflag:s8] =	dma.local @!p0 [hbm:s6], $0xF7A  }
0x23: {  	s9 =	sor.u32 $0xD0000000, s2;
	s6 =	simm.s32 $0x108;
	_ =	swait.ge @!p0 [sflag:s8], $0x0  }
0x24: {  	s3 =	sadd.s32 $0x88, s3;
	s6 =	simm.s32 @!p1 $0x1082;
	[sflag:s4] =	ssyncset.s32 $0xFFFFF086  }
0x25: {  	[simem:s6], [sflag:s4] =	dma.local [hbm:s3], $0xF7A  }
0x26: {  	[smem:$0x3F95] =	sst s1;
	(tag) =	ssettag s2;
	_ =	strace s9  }
0x27: {  	s1 =	sld [smem:$0x3FA5]  }
0x28: {  	s2 =	sld [smem:$0x3FA6]  }
0x29: {  	s4 =	sld [smem:$0x3FA8]  }
0x2a: {  	p0 =	seq.s32 s5, $0x0;
	s5 =	sld [smem:$0x3FA9]  }
0x2b: {  	s6 =	sld [smem:$0x3FAA]  }
0x2c: {  	s7 =	sld [smem:$0x3FAB]  }
0x2d: {  	s3 =	simm.s32 $0x108;
	s8 =	sld [smem:$0x3FAC]  }
0x2e: {  	s3 =	simm.s32 @!p0 $0x1082;
	s9 =	sld [smem:$0x3FAD]  }
0x2f: {  	lr =	sadd.s32 s0, s3;
	s0 =	sld [smem:$0x3FA4]  }
0x30: {  	s3 =	sld [smem:$0x3FA7]  }
0x31: {  	[smem:$0x3FB0] =	sst s10  }
0x32: {  	s10 =	sld [smem:$0x3FAE];
	_ =	sdelay $0x3  }
0x33: {  	p0 =	seq.s32 s10, $0x1;
	s10 =	sld [smem:$0x3FB0];
	_ =	sdelay $0x3  }
0x34: {  	[smem:$0x3FB0] =	sst s10  }
0x35: {  	s10 =	sld [smem:$0x3FAF];
	_ =	sdelay $0x3  }
0x36: {  	p1 =	seq.s32 s10, $0x1;
	s10 =	sld [smem:$0x3FB0];
	_ =	sdelay $0x3  }
0x37: {  	[smem:$0x3FB0] =	sst s10  }
0x38: {  	s10 =	sld [smem:$0x3FB1]  }
0x39: {  	_ = 	snop;
	(pc) =	sbr.ind lr, $3  }
0x3a: {  	_ = 	snop  }
0x3b: {  	_ = 	snop  }
0x3c: {  	p2 =	seq.s32 s10, $0x1;
	s10 =	sld [smem:$0x3FB0]  }
0x3d: {  	_ =	shalt  }
0x3e: {  	_ =	shalt  }
0x3f: {  	_ =	shalt  }
0x40: {  	_ =	shalt  }
0x41: {  	_ =	shalt  }
0x42: {  	_ =	shalt  }
0x43: {  	_ =	shalt  }
0x44: {  	_ =	shalt  }
0x45: {  	_ =	shalt  }
0x46: {  	_ =	shalt  }
0x47: {  	_ =	shalt  }
0x48: {  	_ =	shalt  }
0x49: {  	_ =	shalt  }
0x4a: {  	_ =	shalt  }
0x4b: {  	_ =	shalt  }
0x4c: {  	_ =	shalt  }
0x4d: {  	_ =	shalt  }
0x4e: {  	_ =	shalt  }
0x4f: {  	_ =	shalt  }
0x50: {  	_ =	shalt  }
0x51: {  	_ =	shalt  }
0x52: {  	_ =	shalt  }
0x53: {  	_ =	shalt  }
0x54: {  	_ =	shalt  }
0x55: {  	_ =	shalt  }
0x56: {  	_ =	shalt  }
0x57: {  	_ =	shalt  }
0x58: {  	_ =	shalt  }
0x59: {  	_ =	shalt  }
0x5a: {  	_ =	shalt  }
0x5b: {  	_ =	shalt  }
0x5c: {  	_ =	shalt  }
0x5d: {  	_ =	shalt  }
0x5e: {  	_ =	shalt  }
0x5f: {  	_ =	shalt  }
0x60: {  	_ =	shalt  }
0x61: {  	_ =	shalt  }
0x62: {  	_ =	shalt  }
0x63: {  	_ =	shalt  }
0x64: {  	_ =	shalt  }
0x65: {  	_ =	shalt  }
0x66: {  	_ =	shalt  }
0x67: {  	_ =	shalt  }
0x68: {  	_ =	shalt  }
0x69: {  	_ =	shalt  }
0x6a: {  	_ =	shalt  }
0x6b: {  	_ =	shalt  }
0x6c: {  	_ =	shalt  }
0x6d: {  	_ =	shalt  }
0x6e: {  	_ =	shalt  }
0x6f: {  	_ =	shalt  }
0x70: {  	_ =	shalt  }
0x71: {  	_ =	shalt  }
0x72: {  	_ =	shalt  }
0x73: {  	_ =	shalt  }
0x74: {  	_ =	shalt  }
0x75: {  	_ =	shalt  }
0x76: {  	_ =	shalt  }
0x77: {  	_ =	shalt  }
0x78: {  	_ =	shalt  }
0x79: {  	_ =	shalt  }
0x7a: {  	_ =	shalt  }
0x7b: {  	_ =	shalt  }
0x7c: {  	_ =	shalt  }
0x7d: {  	_ =	shalt  }
0x7e: {  	_ =	shalt  }
0x7f: {  	_ =	shalt  }
0x80: {  	_ =	shalt  }
0x81: {  	_ =	shalt  }
0x82: {  	_ =	shalt  }
0x83: {  	_ =	shalt  }
0x84: {  	_ =	shalt  }
0x85: {  	_ =	shalt  }
0x86: {  	_ =	shalt  }
0x87: {  	_ =	shalt  }
.Lfunc_end0:
.L_simem_size_0:
called_computation.1_lowered:
.L_overlay_start_0:
0x88: {  	s2 =	sld [smem:$0x3FD9]  }
0x89: {  	s3 =	sld [smem:$0x3FFE];
	_ =	sdelay $0x1  }
0x8a: {  	s1 =	srdreg.scid  }
0x8b: {  	s0 =	sand.u32 $0x1, s1  }
0x8c: {  	s17 =	sshll.u32 s0, $0xA;
	s2 =	sadd.s32 s3, s2  }
0x8d: {  	s2 =	sadd.s32 s2, s17  }
0x8e: {  	[smem:$0x3FBC] =	sst s2  }
0x8f: {  	_ = 	snop  }
0x90: {  	s2 =	sld [smem:$0x3FD0];
	(tm) =	ssettm $0x1  }
0x91: {  	s18 =	sld [smem:$0x3FFB];
	_ =	sdelay $0x3  }
0x92: {  	_ =	strace s18  }
0x93: {  	s3 =	sld [smem:$0x3FFC];
	_ =	sdelay $0x3  }
0x94: {  	_ =	strace s3  }
0x95: {  	s3 =	sld [smem:$0x3FFD];
	_ =	sdelay $0x3  }
0x96: {  	_ =	strace s3  }
0x97: {  	_ =	strace $0x8FFFFFFF  }
0x98: {  	s19 =	sld [smem:$0x3FDB];
	_ =	sdelay $0x1  }
0x99: {  	s4 =	simm.s32 $_scs_section_size  }
0x9a: {  	s5 =	simm.s32 $_size__tile_overlayer_lowered;
	s6 =	simm.s32 $_tile_overlayer_lowered  }
0x9b: {  	s22 =	simm.s32 $0x1BFF;
	s21 =	sshll.u32 s6, $0x1;
	s3 =	sadd.s32 s4, s19  }
0x9c: {  	s7 =	simm.s32 $0x0;
	s20 =	sshll.u32 s5, $0x1;
	s5 =	sadd.s32 s21, s3  }
0x9d: {  	[timem:s7], [sflag:s22] =	dma.local [hbm:s5], s20  }
0x9e: {  	_ =	swait.ge [sflag:s22], s20  }
0x9f: {  	s4 =	ssub.s32 $0x0, s20;
	[sflag:s22] =	ssyncset.done $0x0  }
0xa0: {  	[sflag:s22] =	ssyncadd.s32 s4;
	_ =	sdelay $0x1  }
0xa1: {  	s23 =	simm.s32 $0x1B8B  }
0xa2: {  	_ =	swait.ge [sflag:s23], $0x1  }
0xa3: {  	[sflag:s23] =	ssyncset.done $0x0  }
0xa4: {  	s25 =	simm.s32 $0x1B8E;
	s24 =	sld [smem:$0x3FFE];
	[sflag:s23] =	ssyncadd.s32 $0xFFFFFFFF  }
0xa5: {  	s26 =	simm.s32 $execute0_lowered;
	[smem:$0x3FD2] =	sst s25  }
0xa6: {  	s5 =	sshll.u32 s26, $0x1;
	_ =	strace $0x80000049;
	[dreg:$0x1] =	wrdreg $0xFFFFFFFF  }
0xa7: {  	s28 =	simm.s32 $_size_execute0_lowered;
	s3 =	sadd.s32 s3, s5;
	[dreg:$0x0] =	wrdreg $0x0  }
0xa8: {  	s5 =	sshll.u32 s28, $0x1;
	[dreg:$0x2] =	wrdreg s3  }
0xa9: {  	[dreg:$0x3] =	wrdreg s5  }
0xaa: {  	[dreg:$0x4] =	wrdreg $0xC0  }
0xab: {  	_ =	task [dreg:s7], $0x5FFFF  }
0xac: {  	[dreg:$0x1] =	wrdreg $0xFFFFFFFF  }
0xad: {  	[dreg:$0x0] =	wrdreg $0x60  }
0xae: {  	[dreg:$0x2] =	wrdreg s24  }
0xaf: {  	[dreg:$0x3] =	wrdreg s2  }
0xb0: {  	[dreg:$0x4] =	wrdreg $0x15000  }
0xb1: {  	[dreg:$0x5] =	wrdreg $0x2E000  }
0xb2: {  	[dreg:$0x6] =	wrdreg $0x47000  }
0xb3: {  	[dreg:$0x7] =	wrdreg $0x60000  }
0xb4: {  	[dreg:$0x8] =	wrdreg $0x79000  }
0xb5: {  	[dreg:$0x9] =	wrdreg $0x92000  }
0xb6: {  	[dreg:$0xa] =	wrdreg $0x9  }
0xb7: {  	_ =	task.clear_ibuf [dreg:s7], $0xBFFFF;
	_ =	strace $0x90000049  }
0xb8: {  	s29 =	simm.s32 $0x9;
	_ =	strace $0x8000004B  }
0xb9: {  	_ =	swait.ge [sflag:s29], $0x1  }
0xba: {  	[sflag:s29] =	ssyncadd.s32 $0xFFFFFFFF  }
0xbb: {  	_ =	strace $0x9000004B  }
0xbc: {  	_ =	sfence  }
0xbd: {  	s30 =	sld [smem:$0x0];
	_ =	sdelay $0x2  }
0xbe: {  	s31 =	sshll.u32 s1, $0xD;
	s1 =	sshrl.u32 s1, $0x2  }
0xbf: {  	s3 =	sand.u32 $0x4000, s31;
	s1 =	sadd.s32 s1, s30  }
0xc0: {  	s0 =	sor.u32 s3, s0;
	s1 =	sshll.u32 s1, $0x11  }
0xc1: {  	s0 =	sor.u32 s1, s0  }
0xc2: {  	s0 =	sadd.s32 $0x8F2B, s0  }
0xc3: {  	[sflag:s0] =	ssyncadd.remote.s32 $0x1  }
0xc4: {  	_ =	sfence.sel $0xFFFF  }
0xc5: {  	[dreg:$0x0] =	wrdreg $0xFFFFFFFF;
	(pc) =	sbr.abs _section_cstart, $3  }
0xc6: {  	[dreg:$0x1] =	wrdreg $0xFFFFFFFF  }
0xc7: {  	_ =	task.clear_ibuf [dreg:s7], $0x2FFFF;
	_ =	strace $0x9FFFFFFF  }
0xc8: {  	(tm) =	ssettm $0x7FFFFFFF  }
0xc9: {  	_ =	shalt  }
tec
execute0_lowered:
.L_overlay_start_1:
0x0: {  	(tag) =	ssettag $0x1  }
0x1: {  	s0 =	rddreg [dreg:$0x0]  }
0x2: {  	s2 =	rddreg [dreg:$0x2]  }
0x3: {  	s3 =	rddreg [dreg:$0x3]  }
0x4: {  	s4 =	rddreg [dreg:$0x4]  }
0x5: {  	s5 =	rddreg [dreg:$0x5]  }
0x6: {  	s6 =	rddreg [dreg:$0x6]  }
0x7: {  	s7 =	rddreg [dreg:$0x7]  }
0x8: {  	s1 =	simm.s32 $0x0;
	s15 =	stileid.u32;
	s8 =	srdreg.scid  }
0x9: {  	s30 =	simm.s32 $0x5;
	s31 =	simm.s32 $0x1000;
	[smem:$0x7FF] =	sst s1  }
0xa: {  	s10 =	sadd.s32 $0x66E00, s0;
	s24 =	smul.u32 $0x1900, s15;
	s11 =	sadd.s32 $0x2E00, s0  }
0xb: {  	s8 =	sand.u32 $0x1, s8;
	s9 =	smul.u32 $0x3200, s15;
	s12 =	sadd.s32 $0xD4400, s0  }
0xc: {  	s18 =	sshll.u32 s15, $0x6;
	_ =	strace $0x8000004A;
	[dreg:$0x9] =	wrdreg s12  }
0xd: {  	s13 =	sshll.u32 s8, $0x7;
	s26 =	ssub.s32 $0x2, s8;
	s8 =	sshll.u32 s8, $0x4  }
0xe: {  	s25 =	sshrl.u32 s24, $0x3;
	s9 =	sor.u32 s13, s9;
	s14 =	sshrl.u32 s26, $0x1  }
0xf: {  	s8 =	sor.u32 s15, s8;
	s29 =	sadd.s32 s24, s2;
	s19 =	sadd.s32 s24, s3  }
0x10: {  	s20 =	sadd.s32 s24, s4;
	s21 =	sadd.s32 s24, s5;
	s22 =	sadd.s32 s24, s6  }
0x11: {  	s1 =	sadd.s32 s24, s7;
	s13 =	simm.s32 $0x1;
	[dreg:$0xc] =	wrdreg s20  }
0x12: {  	s15 =	simm.s32 $0x2;
	s12 =	sadd.s32 s25, s0;
	[dreg:$0xe] =	wrdreg s21  }
0x13: {  	s9 =	sshrl.u32 s9, $0x3;
	s28 =	ssub.s32 s26, s14;
	[dreg:$0xf] =	wrdreg s22  }
0x14: {  	s14 =	sor.u32 $0x1C05, s18;
	[dreg:$0x10] =	wrdreg s1;
	s21 =	smul.u32 $0x19000, s8  }
0x15: {  	s8 =	simm.s32 $0x800;
	s1 =	simm.s32 $0x1080;
	s17 =	sadd.s32 $0xCE000, s12  }
0x16: {  	s18 =	simm.s32 $0x1280;
	s16 =	sadd.s32 $0xD1200, s12;
	[dreg:$0xa] =	wrdreg s17  }
0x17: {  	s20 =	simm.s32 $0x4;
	s12 =	sadd.s32 $0xCAE00, s12;
	[dreg:$0xb] =	wrdreg s16  }
0x18: {  	s22 =	simm.s32 $0x1300;
	s26 =	smax.u32 s28, $0x1;
	[dreg:$0xd] =	wrdreg s12  }
0x19: {  	s0 =	sadd.s32 s9, s0;
	s28 =	sshrl.u32 s29, $0x3;
	[dreg:$0x15] =	wrdreg s26  }
0x1a: {  	s29 =	sshrl.u32 s19, $0x3;
	s9 =	simm.s32 $0x1100;
	[dreg:$0x16] =	wrdreg s28  }
0x1b: {  	s19 =	simm.s32 $0x3;
	s23 =	sadd.s32 $0xD4600, s0;
	[dreg:$0x17] =	wrdreg s29  }
0x1c: {  	s24 =	sadd.s32 $0xDAA00, s0;
	s25 =	sadd.s32 $0xE0E00, s0;
	[dreg:$0x11] =	wrdreg s23  }
0x1d: {  	s0 =	sadd.s32 $0xE7200, s0;
	s12 =	simm.s32 $0x1180;
	[dreg:$0x12] =	wrdreg s24  }
0x1e: {  	s16 =	simm.s32 $0x1200;
	s26 =	simm.s32 $0x0;
	[dreg:$0x13] =	wrdreg s25  }
0x1f: {  	v0 =	vimm.f32 $0.0e+00;
	[dreg:$0x14] =	wrdreg s0;
	s0 =	simm.s32 $0x80;
	s23 =	simm.s32 $0x1380  }
.LBB2_1:
0x20: {  	s17 =	rddreg [dreg:$0xa]  }
0x21: {  	s24 =	rddreg [dreg:$0x16]  }
0x22: {  	[spmem:s24], [sflag:s14] =	dma.local [hbm:s17], $0x320  }
0x23: {  	_ =	swait.ge [sflag:s30], $0x320  }
0x24: {  	[sflag:s30] =	ssyncset.done $0x0;
	s25 =	rddreg [dreg:$0xb]  }
0x25: {  	s29 =	rddreg [dreg:$0x17];
	[sflag:s30] =	ssyncadd.s32 $0xFFFFFCE0  }
0x26: {  	[spmem:s29], [sflag:s14] =	dma.local [hbm:s25], $0x320  }
0x27: {  	_ =	swait.ge [sflag:s30], $0x320  }
0x28: {  	s25 =	rddreg [dreg:$0xc]  }
0x29: {  	[sflag:s30] =	ssyncset.done $0x0;
	s17 =	rddreg [dreg:$0xd];
	s29 =	sshrl.u32 s25, $0x3  }
0x2a: {  	[sflag:s30] =	ssyncadd.s32 $0xFFFFFCE0;
	[dreg:$0x18] =	wrdreg s29  }
0x2b: {  	[spmem:s29], [sflag:s14] =	dma.local [hbm:s17], $0x320  }
0x2c: {  	_ =	swait.ge [sflag:s30], $0x320  }
0x2d: {  	s25 =	rddreg [dreg:$0xe]  }
0x2e: {  	[sflag:s30] =	ssyncset.done $0x0;
	s24 =	sshrl.u32 s25, $0x3  }
0x2f: {  	[sflag:s30] =	ssyncadd.s32 $0xFFFFFCE0;
	[dreg:$0x19] =	wrdreg s24  }
0x30: {  	[spmem:s24], [sflag:s14] =	dma.local [hbm:s17], $0x320  }
0x31: {  	_ =	swait.ge [sflag:s30], $0x320  }
0x32: {  	s29 =	rddreg [dreg:$0xf]  }
0x33: {  	[sflag:s30] =	ssyncset.done $0x0;
	s24 =	sshrl.u32 s29, $0x3  }
0x34: {  	[sflag:s30] =	ssyncadd.s32 $0xFFFFFCE0;
	[dreg:$0x1a] =	wrdreg s24  }
0x35: {  	[spmem:s24], [sflag:s14] =	dma.local [hbm:s17], $0x320  }
0x36: {  	_ =	swait.ge [sflag:s30], $0x320  }
0x37: {  	s25 =	rddreg [dreg:$0x10]  }
0x38: {  	[sflag:s30] =	ssyncset.done $0x0;
	s24 =	sshrl.u32 s25, $0x3  }
0x39: {  	[sflag:s30] =	ssyncadd.s32 $0xFFFFFCE0;
	[dreg:$0x1b] =	wrdreg s24  }
0x3a: {  	[spmem:s24], [sflag:s14] =	dma.local [hbm:s17], $0x320  }
0x3b: {  	_ =	swait.ge [sflag:s30], $0x320  }
0x3c: {  	[sflag:s30] =	ssyncset.done $0x0  }
0x3d: {  	[sflag:s30] =	ssyncadd.s32 $0xFFFFFCE0  }
0x3e: {  	s25 =	simm.s32 $0x1400;
	s24 =	simm.s32 $0x0;
	s29 =	rddreg [dreg:$0x1]  }
0x3f: {  	[tilespmem:s25], [sflag:$0x5] =	stream.linear.gather [hbm4b:s29+s24], $0x80, $0x38;
	[tilespmem:$0xAB00] =	vst v63  }
0x40: {  	_ =	swait.ge [sflag:s30], $0x80  }
0x41: {  	[sflag:s30] =	ssyncset.done $0x0  }
0x42: {  	s29 =	simm.s32 $0x1480;
	s25 =	rddreg [dreg:$0x9];
	[sflag:s30] =	ssyncadd.s32 $0xFFFFFF80  }
0x43: {  	[tilespmem:s29], [sflag:$0x5] =	stream.linear.gather [hbm4b:s25+s24], $0x80, $0x38;
	[tilespmem:$0xAB00] =	vst v63  }
0x44: {  	_ =	swait.ge [sflag:s30], $0x80  }
0x45: {  	[sflag:s30] =	ssyncset.done $0x0  }
0x46: {  	[sflag:s30] =	ssyncadd.s32 $0xFFFFFF80  }
0x47: {  	s28 =	simm.s32 $0x0;
	[bflag:$0x0] =	sbarrier.arrive $0xFFFF  }
.LBB2_2:
0x48: {  	s24 =	sshll.u32 s28, $0xB  }
0x49: {  	s24 =	sadd.s32 s21, s24  }
0x4a: {  	s24 =	sshrl.u32 s24, $0x3  }
0x4b: {  	s29 =	simm.s32 $0x0;
	s25 =	sadd.s32 s10, s24  }
0x4c: {  	[tilespmem:s29], [sflag:$0x5] =	stream.linear.gather [hbm4b:s25+s29], $0x800, $0x38;
	[tilespmem:$0xAB00] =	vst v63  }
0x4d: {  	_ =	swait.ge [sflag:s30], $0x800  }
0x4e: {  	[sflag:s30] =	ssyncset.done $0x0  }
0x4f: {  	s24 =	sadd.s32 s11, s24;
	[sflag:s30] =	ssyncadd.s32 $0xFFFFF800  }
0x50: {  	[tilespmem:s8], [sflag:$0x5] =	stream.linear.gather [hbm4b:s24+s29], $0x800, $0x38;
	[tilespmem:$0xAB00] =	vst v63  }
0x51: {  	_ =	swait.ge [sflag:s30], $0x800  }
0x52: {  	[sflag:s30] =	ssyncset.done $0x0  }
0x53: {  	[sflag:s30] =	ssyncadd.s32 $0xFFFFF800  }
0x54: {  	s17 =	simm.s32 $0x0;
	v1 =	vld [tilespmem:$0x1400]  }
0x55: {  	v2 =	vld [tilespmem:$0x1480];
	[tilespmem:s31], [sflag:$0x1] =	stream.indirect.gather [spmem:s2], $0x1, s17, s0, $0xb8  }
0x56: {  	_ = 	snop  }
0x57: {  	[tilespmem:s1], [sflag:$0x2] =	stream.indirect.gather [spmem:s3], $0x1, s17, s0, $0xb8;
	[tilespmem:$0xAB00] =	vst v63  }
0x58: {  	v3 =	vld [tilespmem:s17+$0x800];
	_ =	sdelay $0x4  }
0x59: {  	vm0 =	veq.s32 v3, v1  }
0x5a: {  	vm1 =	veq.s32 v3, v2;
	v3 =	vsel vm0, $0x3F800000, v0  }
0x5b: {  	v4 =	vsel vm1, $0x3F800000, v0;
	[tilespmem:$0x1200] =	vst v3  }
0x5c: {  	[tilespmem:$0x1280] =	vst v4  }
0x5d: {  	v3 =	vld [tilespmem:s17+$0x810];
	_ =	sdelay $0x4  }
0x5e: {  	vm10 =	veq.s32 v3, v1  }
0x5f: {  	vm11 =	veq.s32 v3, v2;
	v3 =	vsel vm10, $0x3F800000, v0  }
0x60: {  	v49 =	vsel vm11, $0x3F800000, v0;
	[tilespmem:$0x1210] =	vst v3  }
0x61: {  	[tilespmem:$0x1290] =	vst v49  }
0x62: {  	v3 =	vld [tilespmem:s17+$0x820];
	_ =	sdelay $0x4  }
0x63: {  	vm12 =	veq.s32 v3, v1  }
0x64: {  	vm13 =	veq.s32 v3, v2;
	v3 =	vsel vm12, $0x3F800000, v0  }
0x65: {  	v50 =	vsel vm13, $0x3F800000, v0;
	[tilespmem:$0x1220] =	vst v3  }
0x66: {  	[tilespmem:$0x12A0] =	vst v50  }
0x67: {  	v3 =	vld [tilespmem:s17+$0x830];
	_ =	sdelay $0x4  }
0x68: {  	vm14 =	veq.s32 v3, v1  }
0x69: {  	vm15 =	veq.s32 v3, v2;
	v3 =	vsel vm14, $0x3F800000, v0  }
0x6a: {  	v51 =	vsel vm15, $0x3F800000, v0;
	[tilespmem:$0x1230] =	vst v3  }
0x6b: {  	[tilespmem:$0x12B0] =	vst v51  }
0x6c: {  	v3 =	vld [tilespmem:s17+$0x840];
	_ =	sdelay $0x4  }
0x6d: {  	vm4 =	veq.s32 v3, v1  }
0x6e: {  	vm5 =	veq.s32 v3, v2;
	v3 =	vsel vm4, $0x3F800000, v0  }
0x6f: {  	v52 =	vsel vm5, $0x3F800000, v0;
	[tilespmem:$0x1240] =	vst v3  }
0x70: {  	[tilespmem:$0x12C0] =	vst v52  }
0x71: {  	v3 =	vld [tilespmem:s17+$0x850];
	_ =	sdelay $0x4  }
0x72: {  	vm6 =	veq.s32 v3, v1  }
0x73: {  	vm7 =	veq.s32 v3, v2;
	v3 =	vsel vm6, $0x3F800000, v0  }
0x74: {  	v53 =	vsel vm7, $0x3F800000, v0;
	[tilespmem:$0x1250] =	vst v3  }
0x75: {  	[tilespmem:$0x12D0] =	vst v53  }
0x76: {  	v3 =	vld [tilespmem:s17+$0x860];
	_ =	sdelay $0x4  }
0x77: {  	vm8 =	veq.s32 v3, v1  }
0x78: {  	vm9 =	veq.s32 v3, v2;
	v3 =	vsel vm8, $0x3F800000, v0  }
0x79: {  	v54 =	vsel vm9, $0x3F800000, v0;
	[tilespmem:$0x1260] =	vst v3  }
0x7a: {  	[tilespmem:$0x12E0] =	vst v54  }
0x7b: {  	v3 =	vld [tilespmem:s17+$0x870];
	_ =	sdelay $0x4  }
0x7c: {  	vm10 =	veq.s32 v3, v1  }
0x7d: {  	vm11 =	veq.s32 v3, v2;
	v3 =	vsel vm10, $0x3F800000, v0  }
0x7e: {  	v55 =	vsel vm11, $0x3F800000, v0;
	[tilespmem:$0x1270] =	vst v3  }
0x7f: {  	s24 =	simm.s32 $0x80;
	[tilespmem:$0x12F0] =	vst v55  }
0x80: {  	[tilespmem:s9], [sflag:$0x1] =	stream.indirect.gather [spmem:s2], $0x1, s24, s0, $0xb8;
	[tilespmem:$0xAB00] =	vst v63  }
0x81: {  	_ = 	snop  }
0x82: {  	[tilespmem:s12], [sflag:$0x2] =	stream.indirect.gather [spmem:s3], $0x1, s24, s0, $0xb8;
	[tilespmem:$0xAB00] =	vst v63  }
0x83: {  	_ =	swait.ge [sflag:s13], $0x80  }
0x84: {  	[sflag:s13] =	ssyncset.done $0x0  }
0x85: {  	[sflag:s13] =	ssyncadd.s32 $0xFFFFFF80  }
0x86: {  	_ =	swait.ge [sflag:s15], $0x80  }
0x87: {  	[sflag:s15] =	ssyncset.done $0x0  }
0x88: {  	s29 =	simm.s32 $0x800;
	[sflag:s15] =	ssyncadd.s32 $0xFFFFFF80  }
0x89: {  	[spmem:s4] =	stream.indirect.scatter.add.f32 [tilespmem:s31], [sflag:$0x3], $0x1, s29, s0, $0xb8;
	[tilespmem:$0xAB00] =	vst v63  }
0x8a: {  	_ = 	snop  }
0x8b: {  	[spmem:s5] =	stream.indirect.scatter.add.f32 [tilespmem:s1], [sflag:$0x4], $0x1, s29, s0, $0xb8;
	[tilespmem:$0xAB00] =	vst v63  }
0x8c: {  	_ = 	snop  }
0x8d: {  	[spmem:s6] =	stream.indirect.scatter.add.f32 [tilespmem:s16], [sflag:$0x3], $0x1, s17, s0, $0xb8;
	[tilespmem:$0xAB00] =	vst v63  }
0x8e: {  	_ = 	snop  }
0x8f: {  	[spmem:s7] =	stream.indirect.scatter.add.f32 [tilespmem:s18], [sflag:$0x4], $0x1, s17, s0, $0xb8;
	[tilespmem:$0xAB00] =	vst v63  }
0x90: {  	v3 =	vld [tilespmem:s17+$0x880];
	_ =	sdelay $0x4  }
0x91: {  	vm12 =	veq.s32 v3, v1  }
0x92: {  	vm13 =	veq.s32 v3, v2;
	v3 =	vsel vm12, $0x3F800000, v0  }
0x93: {  	v56 =	vsel vm13, $0x3F800000, v0;
	[tilespmem:$0x1300] =	vst v3  }
0x94: {  	[tilespmem:$0x1380] =	vst v56  }
0x95: {  	v3 =	vld [tilespmem:s17+$0x890];
	_ =	sdelay $0x4  }
0x96: {  	vm14 =	veq.s32 v3, v1  }
0x97: {  	vm15 =	veq.s32 v3, v2;
	v3 =	vsel vm14, $0x3F800000, v0  }
0x98: {  	v57 =	vsel vm15, $0x3F800000, v0;
	[tilespmem:$0x1310] =	vst v3  }
0x99: {  	[tilespmem:$0x1390] =	vst v57  }
0x9a: {  	v3 =	vld [tilespmem:s17+$0x8A0];
	_ =	sdelay $0x4  }
0x9b: {  	vm4 =	veq.s32 v3, v1  }
0x9c: {  	vm5 =	veq.s32 v3, v2;
	v3 =	vsel vm4, $0x3F800000, v0  }
0x9d: {  	v58 =	vsel vm5, $0x3F800000, v0;
	[tilespmem:$0x1320] =	vst v3  }
0x9e: {  	[tilespmem:$0x13A0] =	vst v58  }
0x9f: {  	v3 =	vld [tilespmem:s17+$0x8B0];
	_ =	sdelay $0x4  }
0xa0: {  	vm6 =	veq.s32 v3, v1  }
0xa1: {  	vm7 =	veq.s32 v3, v2;
	v3 =	vsel vm6, $0x3F800000, v0  }
0xa2: {  	v59 =	vsel vm7, $0x3F800000, v0;
	[tilespmem:$0x1330] =	vst v3  }
0xa3: {  	[tilespmem:$0x13B0] =	vst v59  }
0xa4: {  	v3 =	vld [tilespmem:s17+$0x8C0];
	_ =	sdelay $0x4  }
0xa5: {  	vm8 =	veq.s32 v3, v1  }
0xa6: {  	vm9 =	veq.s32 v3, v2;
	v3 =	vsel vm8, $0x3F800000, v0  }
0xa7: {  	v60 =	vsel vm9, $0x3F800000, v0;
	[tilespmem:$0x1340] =	vst v3  }
0xa8: {  	[tilespmem:$0x13C0] =	vst v60  }
0xa9: {  	v3 =	vld [tilespmem:s17+$0x8D0];
	_ =	sdelay $0x4  }
0xaa: {  	vm10 =	veq.s32 v3, v1  }
0xab: {  	vm11 =	veq.s32 v3, v2;
	v3 =	vsel vm10, $0x3F800000, v0  }
0xac: {  	v61 =	vsel vm11, $0x3F800000, v0;
	[tilespmem:$0x1350] =	vst v3  }
0xad: {  	[tilespmem:$0x13D0] =	vst v61  }
0xae: {  	v3 =	vld [tilespmem:s17+$0x8E0];
	_ =	sdelay $0x4  }
0xaf: {  	vm12 =	veq.s32 v3, v1  }
0xb0: {  	vm13 =	veq.s32 v3, v2;
	v3 =	vsel vm12, $0x3F800000, v0  }
0xb1: {  	v62 =	vsel vm13, $0x3F800000, v0;
	[tilespmem:$0x1360] =	vst v3  }
0xb2: {  	[tilespmem:$0x13E0] =	vst v62  }
0xb3: {  	v3 =	vld [tilespmem:s17+$0x8F0];
	_ =	sdelay $0x4  }
0xb4: {  	vm14 =	veq.s32 v3, v1  }
0xb5: {  	vm15 =	veq.s32 v3, v2;
	v3 =	vsel vm14, $0x3F800000, v0  }
0xb6: {  	v63 =	vsel vm15, $0x3F800000, v0;
	[tilespmem:$0x1370] =	vst v3  }
0xb7: {  	[tilespmem:$0x13F0] =	vst v63  }
0xb8: {  	_ =	swait.ge [sflag:s13], $0x80  }
0xb9: {  	[sflag:s13] =	ssyncset.done $0x0  }
0xba: {  	[sflag:s13] =	ssyncadd.s32 $0xFFFFFF80  }
0xbb: {  	_ =	swait.ge [sflag:s15], $0x80  }
0xbc: {  	[sflag:s15] =	ssyncset.done $0x0  }
0xbd: {  	[sflag:s15] =	ssyncadd.s32 $0xFFFFFF80  }
0xbe: {  	_ =	swait.ge [sflag:s19], $0x80  }
0xbf: {  	[sflag:s19] =	ssyncset.done $0x0  }
0xc0: {  	[sflag:s19] =	ssyncadd.s32 $0xFFFFFF80  }
0xc1: {  	_ =	swait.ge [sflag:s20], $0x80  }
0xc2: {  	[sflag:s20] =	ssyncset.done $0x0  }
0xc3: {  	[sflag:s20] =	ssyncadd.s32 $0xFFFFFF80  }
0xc4: {  	_ =	swait.ge [sflag:s19], $0x80  }
0xc5: {  	[sflag:s19] =	ssyncset.done $0x0  }
0xc6: {  	[sflag:s19] =	ssyncadd.s32 $0xFFFFFF80  }
0xc7: {  	_ =	swait.ge [sflag:s20], $0x80  }
0xc8: {  	[sflag:s20] =	ssyncset.done $0x0  }
0xc9: {  	s25 =	simm.s32 $0x880;
	s29 =	simm.s32 $0x400;
	[sflag:s20] =	ssyncadd.s32 $0xFFFFFF80  }
0xca: {  	[spmem:s4] =	stream.indirect.scatter.add.f32 [tilespmem:s9], [sflag:$0x3], $0x1, s25, s0, $0xb8;
	[tilespmem:$0xAB00] =	vst v63  }
.LBB2_3:
0xcb: {  	[spmem:s5] =	stream.indirect.scatter.add.f32 [tilespmem:s12], [sflag:$0x4], $0x1, s25, s0, $0xb8;
	[tilespmem:$0xAB00] =	vst v63  }
0xcc: {  	p0 =	sne.s32 s29, $0x1C00;
	s25 =	smov.u32 s29;
	s29 =	sadd.s32 $0x400, s29  }
0xcd: {  	[spmem:s6] =	stream.indirect.scatter.add.f32 [tilespmem:s22], [sflag:$0x3], $0x1, s24, s0, $0xb8;
	[tilespmem:$0xAB00] =	vst v63  }
0xce: {  	_ = 	snop  }
0xcf: {  	[spmem:s7] =	stream.indirect.scatter.add.f32 [tilespmem:s23], [sflag:$0x4], $0x1, s24, s0, $0xb8;
	[tilespmem:$0xAB00] =	vst v63  }
0xd0: {  	_ =	swait.ge [sflag:s19], $0x80  }
0xd1: {  	[sflag:s19] =	ssyncset.done $0x0  }
0xd2: {  	[sflag:s19] =	ssyncadd.s32 $0xFFFFFF80  }
0xd3: {  	_ =	swait.ge [sflag:s20], $0x80  }
0xd4: {  	[sflag:s20] =	ssyncset.done $0x0  }
0xd5: {  	[sflag:s20] =	ssyncadd.s32 $0xFFFFFF80  }
0xd6: {  	_ =	swait.ge [sflag:s19], $0x80  }
0xd7: {  	[sflag:s19] =	ssyncset.done $0x0  }
0xd8: {  	[sflag:s19] =	ssyncadd.s32 $0xFFFFFF80  }
0xd9: {  	_ =	swait.ge [sflag:s20], $0x80  }
0xda: {  	[sflag:s20] =	ssyncset.done $0x0  }
0xdb: {  	s25 =	sshra.s32 s25, $0x2;
	[sflag:s20] =	ssyncadd.s32 $0xFFFFFF80  }
0xdc: {  	[tilespmem:s31], [sflag:$0x1] =	stream.indirect.gather [spmem:s2], $0x1, s25, s0, $0xb8;
	[tilespmem:$0xAB00] =	vst v63  }
0xdd: {  	_ = 	snop  }
0xde: {  	[tilespmem:s1], [sflag:$0x2] =	stream.indirect.gather [spmem:s3], $0x1, s25, s0, $0xb8;
	[tilespmem:$0xAB00] =	vst v63  }
0xdf: {  	v3 =	vld [tilespmem:s25+$0x800];
	_ =	sdelay $0x4  }
0xe0: {  	vm0 =	veq.s32 v3, v1;
	vm1 =	veq.s32 v3, v2  }
0xe1: {  	v3 =	vsel vm0, $0x3F800000, v0;
	v4 =	vsel vm1, $0x3F800000, v0  }
0xe2: {  	[tilespmem:$0x1200] =	vst v3  }
0xe3: {  	[tilespmem:$0x1280] =	vst v4  }
0xe4: {  	v3 =	vld [tilespmem:s25+$0x810];
	_ =	sdelay $0x4  }
0xe5: {  	vm0 =	veq.s32 v3, v1;
	vm1 =	veq.s32 v3, v2  }
0xe6: {  	v3 =	vsel vm0, $0x3F800000, v0;
	v4 =	vsel vm1, $0x3F800000, v0  }
0xe7: {  	[tilespmem:$0x1210] =	vst v3  }
0xe8: {  	[tilespmem:$0x1290] =	vst v4  }
0xe9: {  	v3 =	vld [tilespmem:s25+$0x820];
	_ =	sdelay $0x4  }
0xea: {  	vm0 =	veq.s32 v3, v1;
	vm1 =	veq.s32 v3, v2  }
0xeb: {  	v3 =	vsel vm0, $0x3F800000, v0;
	v4 =	vsel vm1, $0x3F800000, v0  }
0xec: {  	[tilespmem:$0x1220] =	vst v3  }
0xed: {  	[tilespmem:$0x12A0] =	vst v4  }
0xee: {  	v3 =	vld [tilespmem:s25+$0x830];
	_ =	sdelay $0x4  }
0xef: {  	vm0 =	veq.s32 v3, v1;
	vm1 =	veq.s32 v3, v2  }
0xf0: {  	v3 =	vsel vm0, $0x3F800000, v0;
	v4 =	vsel vm1, $0x3F800000, v0  }
0xf1: {  	[tilespmem:$0x1230] =	vst v3  }
0xf2: {  	[tilespmem:$0x12B0] =	vst v4  }
0xf3: {  	v3 =	vld [tilespmem:s25+$0x840];
	_ =	sdelay $0x4  }
0xf4: {  	vm0 =	veq.s32 v3, v1;
	vm1 =	veq.s32 v3, v2  }
0xf5: {  	v3 =	vsel vm0, $0x3F800000, v0;
	v4 =	vsel vm1, $0x3F800000, v0  }
0xf6: {  	[tilespmem:$0x1240] =	vst v3  }
0xf7: {  	[tilespmem:$0x12C0] =	vst v4  }
0xf8: {  	v3 =	vld [tilespmem:s25+$0x850];
	_ =	sdelay $0x4  }
0xf9: {  	vm0 =	veq.s32 v3, v1;
	vm1 =	veq.s32 v3, v2  }
0xfa: {  	v3 =	vsel vm0, $0x3F800000, v0;
	v4 =	vsel vm1, $0x3F800000, v0  }
0xfb: {  	[tilespmem:$0x1250] =	vst v3  }
0xfc: {  	[tilespmem:$0x12D0] =	vst v4  }
0xfd: {  	v3 =	vld [tilespmem:s25+$0x860];
	_ =	sdelay $0x4  }
0xfe: {  	vm0 =	veq.s32 v3, v1;
	vm1 =	veq.s32 v3, v2  }
0xff: {  	v3 =	vsel vm0, $0x3F800000, v0;
	v4 =	vsel vm1, $0x3F800000, v0  }
0x100: {  	[tilespmem:$0x1260] =	vst v3  }
0x101: {  	[tilespmem:$0x12E0] =	vst v4  }
0x102: {  	s24 =	sadd.s32 $0x80, s25;
	v3 =	vld [tilespmem:s25+$0x870];
	_ =	sdelay $0x4  }
0x103: {  	vm0 =	veq.s32 v3, v1;
	vm1 =	veq.s32 v3, v2  }
0x104: {  	v3 =	vsel vm0, $0x3F800000, v0;
	v4 =	vsel vm1, $0x3F800000, v0  }
0x105: {  	[tilespmem:$0x1270] =	vst v3  }
0x106: {  	s17 =	sadd.s32 $0x800, s25;
	[tilespmem:$0x12F0] =	vst v4  }
0x107: {  	[tilespmem:s9], [sflag:$0x1] =	stream.indirect.gather [spmem:s2], $0x1, s24, s0, $0xb8;
	[tilespmem:$0xAB00] =	vst v63  }
0x108: {  	_ = 	snop  }
0x109: {  	[tilespmem:s12], [sflag:$0x2] =	stream.indirect.gather [spmem:s3], $0x1, s24, s0, $0xb8;
	[tilespmem:$0xAB00] =	vst v63  }
0x10a: {  	_ =	swait.ge [sflag:s13], $0x80  }
0x10b: {  	[sflag:s13] =	ssyncset.done $0x0  }
0x10c: {  	[sflag:s13] =	ssyncadd.s32 $0xFFFFFF80  }
0x10d: {  	_ =	swait.ge [sflag:s15], $0x80  }
0x10e: {  	[sflag:s15] =	ssyncset.done $0x0  }
0x10f: {  	[sflag:s15] =	ssyncadd.s32 $0xFFFFFF80  }
0x110: {  	[spmem:s4] =	stream.indirect.scatter.add.f32 [tilespmem:s31], [sflag:$0x3], $0x1, s17, s0, $0xb8;
	[tilespmem:$0xAB00] =	vst v63  }
0x111: {  	_ = 	snop  }
0x112: {  	[spmem:s5] =	stream.indirect.scatter.add.f32 [tilespmem:s1], [sflag:$0x4], $0x1, s17, s0, $0xb8;
	[tilespmem:$0xAB00] =	vst v63  }
0x113: {  	_ = 	snop  }
0x114: {  	[spmem:s6] =	stream.indirect.scatter.add.f32 [tilespmem:s16], [sflag:$0x3], $0x1, s25, s0, $0xb8;
	[tilespmem:$0xAB00] =	vst v63  }
0x115: {  	_ = 	snop  }
0x116: {  	[spmem:s7] =	stream.indirect.scatter.add.f32 [tilespmem:s18], [sflag:$0x4], $0x1, s25, s0, $0xb8;
	[tilespmem:$0xAB00] =	vst v63  }
0x117: {  	v3 =	vld [tilespmem:s25+$0x880];
	_ =	sdelay $0x4  }
0x118: {  	vm0 =	veq.s32 v3, v1;
	vm1 =	veq.s32 v3, v2  }
0x119: {  	v3 =	vsel vm0, $0x3F800000, v0;
	v4 =	vsel vm1, $0x3F800000, v0  }
0x11a: {  	[tilespmem:$0x1300] =	vst v3  }
0x11b: {  	[tilespmem:$0x1380] =	vst v4  }
0x11c: {  	v3 =	vld [tilespmem:s25+$0x890];
	_ =	sdelay $0x4  }
0x11d: {  	vm0 =	veq.s32 v3, v1;
	vm1 =	veq.s32 v3, v2  }
0x11e: {  	v3 =	vsel vm0, $0x3F800000, v0;
	v4 =	vsel vm1, $0x3F800000, v0  }
0x11f: {  	[tilespmem:$0x1310] =	vst v3  }
0x120: {  	[tilespmem:$0x1390] =	vst v4  }
0x121: {  	v3 =	vld [tilespmem:s25+$0x8A0];
	_ =	sdelay $0x4  }
0x122: {  	vm0 =	veq.s32 v3, v1;
	vm1 =	veq.s32 v3, v2  }
0x123: {  	v3 =	vsel vm0, $0x3F800000, v0;
	v4 =	vsel vm1, $0x3F800000, v0  }
0x124: {  	[tilespmem:$0x1320] =	vst v3  }
0x125: {  	[tilespmem:$0x13A0] =	vst v4  }
0x126: {  	v3 =	vld [tilespmem:s25+$0x8B0];
	_ =	sdelay $0x4  }
0x127: {  	vm0 =	veq.s32 v3, v1;
	vm1 =	veq.s32 v3, v2  }
0x128: {  	v3 =	vsel vm0, $0x3F800000, v0;
	v4 =	vsel vm1, $0x3F800000, v0  }
0x129: {  	[tilespmem:$0x1330] =	vst v3  }
0x12a: {  	[tilespmem:$0x13B0] =	vst v4  }
0x12b: {  	v3 =	vld [tilespmem:s25+$0x8C0];
	_ =	sdelay $0x4  }
0x12c: {  	vm0 =	veq.s32 v3, v1;
	vm1 =	veq.s32 v3, v2  }
0x12d: {  	v3 =	vsel vm0, $0x3F800000, v0;
	v4 =	vsel vm1, $0x3F800000, v0  }
0x12e: {  	[tilespmem:$0x1340] =	vst v3  }
0x12f: {  	[tilespmem:$0x13C0] =	vst v4  }
0x130: {  	v3 =	vld [tilespmem:s25+$0x8D0];
	_ =	sdelay $0x4  }
0x131: {  	vm0 =	veq.s32 v3, v1;
	vm1 =	veq.s32 v3, v2  }
0x132: {  	v3 =	vsel vm0, $0x3F800000, v0;
	v4 =	vsel vm1, $0x3F800000, v0  }
0x133: {  	[tilespmem:$0x1350] =	vst v3  }
0x134: {  	[tilespmem:$0x13D0] =	vst v4  }
0x135: {  	v3 =	vld [tilespmem:s25+$0x8E0];
	_ =	sdelay $0x4  }
0x136: {  	vm0 =	veq.s32 v3, v1;
	vm1 =	veq.s32 v3, v2  }
0x137: {  	v3 =	vsel vm0, $0x3F800000, v0;
	v4 =	vsel vm1, $0x3F800000, v0  }
0x138: {  	[tilespmem:$0x1360] =	vst v3  }
0x139: {  	[tilespmem:$0x13E0] =	vst v4  }
0x13a: {  	v3 =	vld [tilespmem:s25+$0x8F0];
	_ =	sdelay $0x4  }
0x13b: {  	vm0 =	veq.s32 v3, v1;
	vm1 =	veq.s32 v3, v2  }
0x13c: {  	v3 =	vsel vm0, $0x3F800000, v0;
	v4 =	vsel vm1, $0x3F800000, v0  }
0x13d: {  	[tilespmem:$0x1370] =	vst v3  }
0x13e: {  	[tilespmem:$0x13F0] =	vst v4  }
0x13f: {  	_ =	swait.ge [sflag:s13], $0x80  }
0x140: {  	s25 =	sadd.s32 $0x880, s25;
	[sflag:s13] =	ssyncset.done $0x0  }
0x141: {  	[sflag:s13] =	ssyncadd.s32 $0xFFFFFF80  }
0x142: {  	_ =	swait.ge [sflag:s15], $0x80  }
0x143: {  	[sflag:s15] =	ssyncset.done $0x0  }
0x144: {  	[sflag:s15] =	ssyncadd.s32 $0xFFFFFF80  }
0x145: {  	_ =	swait.ge [sflag:s19], $0x80  }
0x146: {  	[sflag:s19] =	ssyncset.done $0x0  }
0x147: {  	[sflag:s19] =	ssyncadd.s32 $0xFFFFFF80  }
0x148: {  	_ =	swait.ge [sflag:s20], $0x80  }
0x149: {  	[sflag:s20] =	ssyncset.done $0x0  }
0x14a: {  	[sflag:s20] =	ssyncadd.s32 $0xFFFFFF80  }
0x14b: {  	_ =	swait.ge [sflag:s19], $0x80  }
0x14c: {  	[sflag:s19] =	ssyncset.done $0x0  }
.Ltmp0:
0x14d: {  	[sflag:s19] =	ssyncadd.s32 $0xFFFFFF80;
	(pc) =	sbr.rel @p0 .LBB2_3-.Ltmp0, $4  }
0x14e: {  	_ =	swait.ge [sflag:s20], $0x80  }
0x14f: {  	[sflag:s20] =	ssyncset.done $0x0  }
0x150: {  	[sflag:s20] =	ssyncadd.s32 $0xFFFFFF80  }
0x151: {  	[spmem:s4] =	stream.indirect.scatter.add.f32 [tilespmem:s9], [sflag:$0x3], $0x1, s25, s0, $0xb8;
	[tilespmem:$0xAB00] =	vst v63  }
0x152: {  	[spmem:s5] =	stream.indirect.scatter.add.f32 [tilespmem:s12], [sflag:$0x4], $0x1, s25, s0, $0xb8;
	[tilespmem:$0xAB00] =	vst v63  }
0x153: {  	_ = 	snop  }
0x154: {  	[spmem:s6] =	stream.indirect.scatter.add.f32 [tilespmem:s22], [sflag:$0x3], $0x1, s24, s0, $0xb8;
	[tilespmem:$0xAB00] =	vst v63  }
0x155: {  	_ = 	snop  }
0x156: {  	[spmem:s7] =	stream.indirect.scatter.add.f32 [tilespmem:s23], [sflag:$0x4], $0x1, s24, s0, $0xb8;
	[tilespmem:$0xAB00] =	vst v63  }
0x157: {  	_ =	swait.ge [sflag:s19], $0x80  }
0x158: {  	[sflag:s19] =	ssyncset.done $0x0  }
0x159: {  	[sflag:s19] =	ssyncadd.s32 $0xFFFFFF80  }
0x15a: {  	_ =	swait.ge [sflag:s20], $0x80  }
0x15b: {  	[sflag:s20] =	ssyncset.done $0x0  }
0x15c: {  	s28 =	sadd.s32 $0x1, s28;
	[sflag:s20] =	ssyncadd.s32 $0xFFFFFF80  }
0x15d: {  	p0 =	sne.s32 s28, $0x32;
	_ =	swait.ge [sflag:s19], $0x80  }
.Ltmp1:
0x15e: {  	[sflag:s19] =	ssyncset.done $0x0;
	(pc) =	sbr.rel @p0 .LBB2_2-.Ltmp1, $4  }
0x15f: {  	[sflag:s19] =	ssyncadd.s32 $0xFFFFFF80  }
0x160: {  	_ =	swait.ge [sflag:s20], $0x80  }
0x161: {  	[sflag:s20] =	ssyncset.done $0x0  }
0x162: {  	[sflag:s20] =	ssyncadd.s32 $0xFFFFFF80  }
0x163: {  	[bflag:$0x0] =	sbarrier.arrive $0xFFFF  }
0x164: {  	s17 =	rddreg [dreg:$0x11]  }
0x165: {  	s24 =	simm.s32 $0x20;
	s25 =	simm.s32 $0x10;
	s28 =	rddreg [dreg:$0x18]  }
0x166: {  	[hbm:s17@s24], [sflag:s14] =	dma.strided [spmem:s28@s25], $0x320, s13, $0x10   }
0x167: {  	_ =	swait.ge [sflag:s30], $0x320  }
0x168: {  	[sflag:s30] =	ssyncset.done $0x0;
	s17 =	rddreg [dreg:$0x12]  }
0x169: {  	s29 =	rddreg [dreg:$0x19];
	[sflag:s30] =	ssyncadd.s32 $0xFFFFFCE0  }
0x16a: {  	[hbm:s17@s24], [sflag:s14] =	dma.strided [spmem:s29@s25], $0x320, s13, $0x10   }
0x16b: {  	_ =	swait.ge [sflag:s30], $0x320  }
0x16c: {  	[sflag:s30] =	ssyncset.done $0x0;
	s17 =	rddreg [dreg:$0x13]  }
0x16d: {  	s29 =	rddreg [dreg:$0x1a];
	[sflag:s30] =	ssyncadd.s32 $0xFFFFFCE0  }
0x16e: {  	[hbm:s17@s24], [sflag:s14] =	dma.strided [spmem:s29@s25], $0x320, s13, $0x10   }
0x16f: {  	_ =	swait.ge [sflag:s30], $0x320  }
0x170: {  	[sflag:s30] =	ssyncset.done $0x0;
	s17 =	rddreg [dreg:$0x14]  }
0x171: {  	s29 =	rddreg [dreg:$0x1b];
	[sflag:s30] =	ssyncadd.s32 $0xFFFFFCE0  }
0x172: {  	[hbm:s17@s24], [sflag:s14] =	dma.strided [spmem:s29@s25], $0x320, s13, $0x10   }
0x173: {  	_ =	swait.ge [sflag:s30], $0x320  }
0x174: {  	s26 =	sadd.s32 $0x1, s26;
	s29 =	rddreg [dreg:$0x15]  }
0x175: {  	p0 =	sne.s32 s26, s29  }
.Ltmp2:
0x176: {  	_ = 	snop;
	(pc) =	sbr.rel @p0 .LBB2_1-.Ltmp2, $3  }
0x177: {  	_ =	sdelay $0x1  }
0x178: {  	[sflag:s30] =	ssyncset.done $0x0  }
0x179: {  	[sflag:s30] =	ssyncadd.s32 $0xFFFFFCE0  }
0x17a: {  	_ =	sfence.sel $0x180000  }
0x17b: {  	[bflag:$0x0] =	sbarrier.arrive $0xFFFF  }
0x17c: {  	_ =	strace $0x9000004A  }
0x17d: {  	s0 =	stileid.u32;
	[bflag:$0x2] =	sbarrier.arrive $0xFFFF  }
0x17e: {  	p0 =	sne.s32 s0, $0x0;
	s0 =	rddreg [dreg:$0x8]  }
0x17f: {  	s0 =	sadd.s32 @!p0 $0x100000, s0  }
0x180: {  	[sflag:s0] =	ssyncadd.tile.s32 @!p0 $0x1;
	_ =	shalt  }
.Lfunc_end2:
_tile_overlayer_lowered:
.L_overlay_start_2:
0x181: {  	(tag) =	ssettag $0x2  }
0x182: {  	s0 =	rddreg [dreg:$0x0];
	s2 =	stileid.u32  }
0x183: {  	s1 =	rddreg [dreg:$0x1];
	p0 =	sne.s32 s2, $0x0  }
0x184: {  	s3 =	rddreg [dreg:$0x2];
	[bflag:$0x3] =	sbarrier.arrive $0xFFFF;
	s2 =	simm.s32 @!p0 $0x1C05  }
0x185: {  	[timem:s3], [sflag:s2] =	dma.local @!p0 [hbm:s0], s1  }
0x186: {  	s0 =	simm.s32 @!p0 $0x5  }
0x187: {  	_ =	swait.ge @!p0 [sflag:s0], s1  }
0x188: {  	s1 =	ssub.s32 @!p0 $0x0, s1;
	[sflag:s0] =	ssyncset.done @!p0 $0x0  }
0x189: {  	[sflag:s0] =	ssyncadd.s32 @!p0 s1  }
0x18a: {  	[bflag:$0x3] =	sbarrier.arrive $0xFFFF  }
0x18b: {  	_ =	shalt  }

// kernel: kernel.7.cloned.1.call-start
scs
__scs_entry_jumppad:
0x0: {  	(pc) =	sbr.rel $0x88, $3  }
0x1: {  	(tag) =	ssettag $0x0;
	lr =	simm.s32 $0x1  }
0x2: {  	[smem:$0x3F95] =	sst lr;
	_ =	strace $0xD0000000  }
0x3: {  	_ = 	snop  }
0x4: {  	_ = 	snop  }
0x5: {  	_ = 	snop  }
0x6: {  	_ = 	snop  }
0x7: {  	_ = 	snop  }
__scs_overlays_trampoline_lowered:
0x8: {  	[smem:$0x3FA4] =	sst s0  }
0x9: {  	[smem:$0x3FA5] =	sst s1  }
0xa: {  	[smem:$0x3FA6] =	sst s2  }
0xb: {  	[smem:$0x3FA7] =	sst s3  }
0xc: {  	[smem:$0x3FA8] =	sst s4  }
0xd: {  	[smem:$0x3FA9] =	sst s5  }
0xe: {  	[smem:$0x3FAA] =	sst s6  }
0xf: {  	[smem:$0x3FAB] =	sst s7  }
0x10: {  	[smem:$0x3FAC] =	sst s8  }
0x11: {  	[smem:$0x3FAD] =	sst s9;
	s0 =	simm.s32 @!p0 $0x0  }
0x12: {  	s1 =	sld [smem:$0x3F93];
	s0 =	simm.s32 @p0 $0x1  }
0x13: {  	[smem:$0x3FAE] =	sst s0;
	s0 =	simm.s32 @!p1 $0x0  }
0x14: {  	s2 =	sld [smem:$0x3F92];
	s0 =	simm.s32 @p1 $0x1  }
0x15: {  	[smem:$0x3FAF] =	sst s0;
	s0 =	simm.s32 @!p2 $0x0  }
0x16: {  	s3 =	sld [smem:$0x3FDB];
	s0 =	simm.s32 @p2 $0x1  }
0x17: {  	s4 =	simm.s32 $0x1BF5;
	[smem:$0x3FB1] =	sst s0  }
0x18: {  	s0 =	sld [smem:$0x3F94];
	_ =	swait.ge [sflag:s4], $0x0  }
0x19: {  	s7 =	sld [smem:$0x3F95]  }
0x1a: {  	s8 =	sadd.s32 $0xFFFFE003, lr  }
0x1b: {  	s9 =	sadd.s32 $0xFFFFFEF7, lr;
	s5 =	simm.s32 $0xFFFFFFFF;
	p2 =	slt.u32 s8, $0xFFFFF086  }
0x1c: {  	p1 =	slt.u32 s9, $0xF7A;
	s5 =	simm.s32 @!p2 $0x0  }
0x1d: {  	s5 =	simm.s32 @p1 $0x1;
	p0 =	seq.s32 s7, s2  }
0x1e: {  	s7 =	smul.u32 @!p0 $0xF7A, s2;
	p2 =	seq.s32 @!p0 s5, $0x0  }
0x1f: {  	s9 =	smul.u32 $0xF7A, s1;
	s8 =	simm.s32 @!p0 $0x1BF5;
	p2 =	por !p2, p0  }
0x20: {  	[sflag:s8] =	ssyncset.s32 @!p0 $0xFFFFF086;
	s6 =	sadd.s32 @!p0 s3, s7;
	s7 =	simm.s32 @!p0 $0x108  }
0x21: {  	s3 =	sadd.s32 s3, s9;
	s6 =	sadd.s32 @!p0 $0x88, s6;
	s7 =	simm.s32 @p2 $0x1082  }
0x22: {  	[simem:s7], [sflag:s8] =	dma.local @!p0 [hbm:s6], $0xF7A  }
0x23: {  	s9 =	sor.u32 $0xD0000000, s2;
	s6 =	simm.s32 $0x108;
	_ =	swait.ge @!p0 [sflag:s8], $0x0  }
0x24: {  	s3 =	sadd.s32 $0x88, s3;
	s6 =	simm.s32 @!p1 $0x1082;
	[sflag:s4] =	ssyncset.s32 $0xFFFFF086  }
0x25: {  	[simem:s6], [sflag:s4] =	dma.local [hbm:s3], $0xF7A  }
0x26: {  	[smem:$0x3F95] =	sst s1;
	(tag) =	ssettag s2;
	_ =	strace s9  }
0x27: {  	s1 =	sld [smem:$0x3FA5]  }
0x28: {  	s2 =	sld [smem:$0x3FA6]  }
0x29: {  	s4 =	sld [smem:$0x3FA8]  }
0x2a: {  	p0 =	seq.s32 s5, $0x0;
	s5 =	sld [smem:$0x3FA9]  }
0x2b: {  	s6 =	sld [smem:$0x3FAA]  }
0x2c: {  	s7 =	sld [smem:$0x3FAB]  }
0x2d: {  	s3 =	simm.s32 $0x108;
	s8 =	sld [smem:$0x3FAC]  }
0x2e: {  	s3 =	simm.s32 @!p0 $0x1082;
	s9 =	sld [smem:$0x3FAD]  }
0x2f: {  	lr =	sadd.s32 s0, s3;
	s0 =	sld [smem:$0x3FA4]  }
0x30: {  	s3 =	sld [smem:$0x3FA7]  }
0x31: {  	[smem:$0x3FB0] =	sst s10  }
0x32: {  	s10 =	sld [smem:$0x3FAE];
	_ =	sdelay $0x3  }
0x33: {  	p0 =	seq.s32 s10, $0x1;
	s10 =	sld [smem:$0x3FB0];
	_ =	sdelay $0x3  }
0x34: {  	[smem:$0x3FB0] =	sst s10  }
0x35: {  	s10 =	sld [smem:$0x3FAF];
	_ =	sdelay $0x3  }
0x36: {  	p1 =	seq.s32 s10, $0x1;
	s10 =	sld [smem:$0x3FB0];
	_ =	sdelay $0x3  }
0x37: {  	[smem:$0x3FB0] =	sst s10  }
0x38: {  	s10 =	sld [smem:$0x3FB1]  }
0x39: {  	_ = 	snop;
	(pc) =	sbr.ind lr, $3  }
0x3a: {  	_ = 	snop  }
0x3b: {  	_ = 	snop  }
0x3c: {  	p2 =	seq.s32 s10, $0x1;
	s10 =	sld [smem:$0x3FB0]  }
0x3d: {  	_ =	shalt  }
0x3e: {  	_ =	shalt  }
0x3f: {  	_ =	shalt  }
0x40: {  	_ =	shalt  }
0x41: {  	_ =	shalt  }
0x42: {  	_ =	shalt  }
0x43: {  	_ =	shalt  }
0x44: {  	_ =	shalt  }
0x45: {  	_ =	shalt  }
0x46: {  	_ =	shalt  }
0x47: {  	_ =	shalt  }
0x48: {  	_ =	shalt  }
0x49: {  	_ =	shalt  }
0x4a: {  	_ =	shalt  }
0x4b: {  	_ =	shalt  }
0x4c: {  	_ =	shalt  }
0x4d: {  	_ =	shalt  }
0x4e: {  	_ =	shalt  }
0x4f: {  	_ =	shalt  }
0x50: {  	_ =	shalt  }
0x51: {  	_ =	shalt  }
0x52: {  	_ =	shalt  }
0x53: {  	_ =	shalt  }
0x54: {  	_ =	shalt  }
0x55: {  	_ =	shalt  }
0x56: {  	_ =	shalt  }
0x57: {  	_ =	shalt  }
0x58: {  	_ =	shalt  }
0x59: {  	_ =	shalt  }
0x5a: {  	_ =	shalt  }
0x5b: {  	_ =	shalt  }
0x5c: {  	_ =	shalt  }
0x5d: {  	_ =	shalt  }
0x5e: {  	_ =	shalt  }
0x5f: {  	_ =	shalt  }
0x60: {  	_ =	shalt  }
0x61: {  	_ =	shalt  }
0x62: {  	_ =	shalt  }
0x63: {  	_ =	shalt  }
0x64: {  	_ =	shalt  }
0x65: {  	_ =	shalt  }
0x66: {  	_ =	shalt  }
0x67: {  	_ =	shalt  }
0x68: {  	_ =	shalt  }
0x69: {  	_ =	shalt  }
0x6a: {  	_ =	shalt  }
0x6b: {  	_ =	shalt  }
0x6c: {  	_ =	shalt  }
0x6d: {  	_ =	shalt  }
0x6e: {  	_ =	shalt  }
0x6f: {  	_ =	shalt  }
0x70: {  	_ =	shalt  }
0x71: {  	_ =	shalt  }
0x72: {  	_ =	shalt  }
0x73: {  	_ =	shalt  }
0x74: {  	_ =	shalt  }
0x75: {  	_ =	shalt  }
0x76: {  	_ =	shalt  }
0x77: {  	_ =	shalt  }
0x78: {  	_ =	shalt  }
0x79: {  	_ =	shalt  }
0x7a: {  	_ =	shalt  }
0x7b: {  	_ =	shalt  }
0x7c: {  	_ =	shalt  }
0x7d: {  	_ =	shalt  }
0x7e: {  	_ =	shalt  }
0x7f: {  	_ =	shalt  }
0x80: {  	_ =	shalt  }
0x81: {  	_ =	shalt  }
0x82: {  	_ =	shalt  }
0x83: {  	_ =	shalt  }
0x84: {  	_ =	shalt  }
0x85: {  	_ =	shalt  }
0x86: {  	_ =	shalt  }
0x87: {  	_ =	shalt  }
.Lfunc_end0:
.L_simem_size_0:
called_computation_lowered:
.L_overlay_start_0:
0x88: {  	s2 =	sld [smem:$0x3FD9]  }
0x89: {  	s3 =	sld [smem:$0x3FFE];
	_ =	sdelay $0x1  }
0x8a: {  	s1 =	srdreg.scid  }
0x8b: {  	s0 =	sand.u32 $0x1, s1  }
0x8c: {  	s16 =	sshll.u32 s0, $0xA;
	s2 =	sadd.s32 s3, s2  }
0x8d: {  	s2 =	sadd.s32 s2, s16  }
0x8e: {  	[smem:$0x3FBC] =	sst s2  }
0x8f: {  	_ = 	snop  }
0x90: {  	(tm) =	ssettm $0x1  }
0x91: {  	s17 =	sld [smem:$0x3FFB];
	_ =	sdelay $0x3  }
0x92: {  	_ =	strace s17  }
0x93: {  	s2 =	sld [smem:$0x3FFC];
	_ =	sdelay $0x3  }
0x94: {  	_ =	strace s2  }
0x95: {  	s2 =	sld [smem:$0x3FFD];
	_ =	sdelay $0x3  }
0x96: {  	_ =	strace s2  }
0x97: {  	_ =	strace $0x8FFFFFFF  }
0x98: {  	s18 =	sld [smem:$0x3FDB];
	_ =	sdelay $0x1  }
0x99: {  	s19 =	simm.s32 $_scs_section_size  }
0x9a: {  	s4 =	simm.s32 $_size__tile_overlayer_lowered;
	s5 =	simm.s32 $_tile_overlayer_lowered  }
0x9b: {  	s22 =	simm.s32 $0x1BFF;
	s21 =	sshll.u32 s5, $0x1;
	s2 =	sadd.s32 s19, s18  }
0x9c: {  	s6 =	simm.s32 $0x0;
	s20 =	sshll.u32 s4, $0x1;
	s4 =	sadd.s32 s21, s2  }
0x9d: {  	[timem:s6], [sflag:s22] =	dma.local [hbm:s4], s20  }
0x9e: {  	_ =	swait.ge [sflag:s22], s20  }
0x9f: {  	s3 =	ssub.s32 $0x0, s20;
	[sflag:s22] =	ssyncset.done $0x0  }
0xa0: {  	[sflag:s22] =	ssyncadd.s32 s3;
	_ =	sdelay $0x1  }
0xa1: {  	s23 =	simm.s32 $0x1B8B  }
0xa2: {  	_ =	swait.ge [sflag:s23], $0x1  }
0xa3: {  	[sflag:s23] =	ssyncset.done $0x0  }
0xa4: {  	s25 =	simm.s32 $0x1B8E;
	s24 =	sld [smem:$0x3FFE];
	[sflag:s23] =	ssyncadd.s32 $0xFFFFFFFF  }
0xa5: {  	s26 =	simm.s32 $execute0_lowered;
	[smem:$0x3FD2] =	sst s25  }
0xa6: {  	s4 =	sshll.u32 s26, $0x1;
	_ =	strace $0x80000046;
	[dreg:$0x1] =	wrdreg $0xFFFFFFFF  }
0xa7: {  	s28 =	simm.s32 $_size_execute0_lowered;
	s2 =	sadd.s32 s2, s4;
	[dreg:$0x0] =	wrdreg $0x0  }
0xa8: {  	s4 =	sshll.u32 s28, $0x1;
	[dreg:$0x2] =	wrdreg s2  }
0xa9: {  	[dreg:$0x3] =	wrdreg s4  }
0xaa: {  	[dreg:$0x4] =	wrdreg $0xC0  }
0xab: {  	_ =	task [dreg:s6], $0x5FFFF  }
0xac: {  	[dreg:$0x1] =	wrdreg $0xFFFFFFFF  }
0xad: {  	[dreg:$0x0] =	wrdreg $0x60  }
0xae: {  	[dreg:$0x2] =	wrdreg s24  }
0xaf: {  	[dreg:$0x3] =	wrdreg $0x8800  }
0xb0: {  	[dreg:$0x4] =	wrdreg $0x9  }
0xb1: {  	_ =	task.clear_ibuf [dreg:s6], $0x5FFFF;
	_ =	strace $0x90000046  }
0xb2: {  	s29 =	simm.s32 $0x9;
	_ =	strace $0x80000048  }
0xb3: {  	_ =	swait.ge [sflag:s29], $0x1  }
0xb4: {  	[sflag:s29] =	ssyncadd.s32 $0xFFFFFFFF  }
0xb5: {  	_ =	strace $0x90000048  }
0xb6: {  	_ =	sfence  }
0xb7: {  	s30 =	sld [smem:$0x0];
	_ =	sdelay $0x2  }
0xb8: {  	s31 =	sshll.u32 s1, $0xD;
	s1 =	sshrl.u32 s1, $0x2  }
0xb9: {  	s3 =	sand.u32 $0x4000, s31;
	s1 =	sadd.s32 s1, s30  }
0xba: {  	s0 =	sor.u32 s3, s0;
	s1 =	sshll.u32 s1, $0x11  }
0xbb: {  	s0 =	sor.u32 s1, s0  }
0xbc: {  	s0 =	sadd.s32 $0x8F2B, s0  }
0xbd: {  	[sflag:s0] =	ssyncadd.remote.s32 $0x1  }
0xbe: {  	_ =	sfence.sel $0xFFFF  }
0xbf: {  	[dreg:$0x0] =	wrdreg $0xFFFFFFFF;
	(pc) =	sbr.abs _section_cstart, $3  }
0xc0: {  	[dreg:$0x1] =	wrdreg $0xFFFFFFFF  }
0xc1: {  	_ =	task.clear_ibuf [dreg:s6], $0x2FFFF;
	_ =	strace $0x9FFFFFFF  }
0xc2: {  	(tm) =	ssettm $0x7FFFFFFF  }
0xc3: {  	_ =	shalt  }
tec
execute0_lowered:
.L_overlay_start_1:
0x0: {  	(tag) =	ssettag $0x1  }
0x1: {  	s0 =	rddreg [dreg:$0x0];
	s1 =	srdreg.scid  }
0x2: {  	s2 =	rddreg [dreg:$0x1];
	s10 =	stileid.u32;
	s3 =	simm.s32 $0x0  }
0x3: {  	s11 =	simm.s32 $0x80;
	s12 =	simm.s32 $0x800;
	s13 =	simm.s32 $0x100  }
0x4: {  	s14 =	simm.s32 $0x180;
	s15 =	simm.s32 $0x1;
	s16 =	simm.s32 $0x2  }
0x5: {  	s17 =	simm.s32 $0x200;
	s18 =	simm.s32 $0x280;
	s19 =	simm.s32 $0x300  }
0x6: {  	s20 =	simm.s32 $0x380;
	s21 =	simm.s32 $0x400;
	s22 =	simm.s32 $0x480  }
0x7: {  	s28 =	simm.s32 $0x700;
	s29 =	simm.s32 $0x780;
	s5 =	smul.u32 $0x19000, s10  }
0x8: {  	s1 =	sand.u32 $0x1, s1;
	[smem:$0x7FF] =	sst s3;
	s23 =	smul.u32 $0x3200, s10  }
0x9: {  	s6 =	smul.u32 $0x1900, s10;
	s31 =	sshll.u32 s10, $0x6;
	s10 =	simm.s32 $0x3  }
0xa: {  	s4 =	smul.u32 $0x190000, s1;
	_ =	strace $0x80000047;
	s7 =	sshll.u32 s1, $0x7  }
0xb: {  	s1 =	ssub.s32 $0x2, s1;
	s24 =	sor.u32 s7, s23;
	s25 =	sshrl.u32 s6, $0x3  }
0xc: {  	s26 =	sshrl.u32 s1, $0x1;
	s9 =	sadd.s32 s6, s2;
	s23 =	simm.s32 $0x500  }
0xd: {  	s4 =	sadd.s32 s5, s4;
	s5 =	sadd.s32 s25, s0;
	s1 =	ssub.s32 s1, s26  }
0xe: {  	s9 =	sshrl.u32 s9, $0x3;
	s25 =	simm.s32 $0x600;
	s26 =	simm.s32 $0x680  }
0xf: {  	s4 =	sshrl.u32 s4, $0x3;
	s30 =	sadd.s32 $0xCAE00, s5;
	s5 =	sor.u32 $0x1C03, s31  }
0x10: {  	s7 =	smax.u32 s1, $0x1;
	s8 =	sadd.s32 s4, s0;
	s4 =	sshrl.u32 s24, $0x3  }
0x11: {  	[dreg:$0x3] =	wrdreg s30;
	s24 =	simm.s32 $0x580;
	s0 =	sadd.s32 s4, s0  }
0x12: {  	v0 =	vimm.f32 $1.000000000e+00;
	s8 =	sadd.s32 $0x2E00, s8;
	s6 =	sadd.s32 $0xCE000, s0;
	s0 =	simm.s32 $0x0  }
.LBB2_1:
0x13: {  	[tilespmem:$0x800] =	vst v0  }
0x14: {  	[tilespmem:$0x810] =	vst v0  }
0x15: {  	[tilespmem:$0x820] =	vst v0  }
0x16: {  	[tilespmem:$0x830] =	vst v0  }
0x17: {  	[tilespmem:$0x840] =	vst v0  }
0x18: {  	[tilespmem:$0x850] =	vst v0  }
0x19: {  	[tilespmem:$0x860] =	vst v0  }
0x1a: {  	[tilespmem:$0x870] =	vst v0;
	s1 =	rddreg [dreg:$0x3]  }
0x1b: {  	[spmem:s9], [sflag:s5] =	dma.local [hbm:s1], $0x320  }
0x1c: {  	_ =	swait.ge [sflag:s10], $0x320  }
0x1d: {  	[sflag:s10] =	ssyncset.done $0x0  }
0x1e: {  	[sflag:s10] =	ssyncadd.s32 $0xFFFFFCE0  }
0x1f: {  	s31 =	sadd.s32 $0x0, s8;
	[bflag:$0x0] =	sbarrier.arrive $0xFFFF  }
0x20: {  	[tilespmem:s3], [sflag:$0x3] =	stream.linear.gather [hbm4b:s31+s3], $0x800, $0x38;
	[tilespmem:$0x2180] =	vst v63  }
0x21: {  	_ =	swait.ge [sflag:s10], $0x800  }
0x22: {  	[sflag:s10] =	ssyncset.done $0x0  }
0x23: {  	[sflag:s10] =	ssyncadd.s32 $0xFFFFF800  }
0x24: {  	[spmem:s2] =	stream.indirect.scatter.add.f32 [tilespmem:s12], [sflag:$0x1], $0x1, s3, s11, $0xb8;
	[tilespmem:$0x2180] =	vst v63  }
0x25: {  	_ = 	snop  }
0x26: {  	[spmem:s2] =	stream.indirect.scatter.add.f32 [tilespmem:s12], [sflag:$0x2], $0x1, s11, s11, $0xb8;
	[tilespmem:$0x2180] =	vst v63  }
0x27: {  	_ = 	snop  }
0x28: {  	[spmem:s2] =	stream.indirect.scatter.add.f32 [tilespmem:s12], [sflag:$0x1], $0x1, s13, s11, $0xb8;
	[tilespmem:$0x2180] =	vst v63  }
0x29: {  	_ = 	snop  }
0x2a: {  	[spmem:s2] =	stream.indirect.scatter.add.f32 [tilespmem:s12], [sflag:$0x2], $0x1, s14, s11, $0xb8;
	[tilespmem:$0x2180] =	vst v63  }
0x2b: {  	_ =	swait.ge [sflag:s15], $0x80  }
0x2c: {  	[sflag:s15] =	ssyncset.done $0x0  }
0x2d: {  	[sflag:s15] =	ssyncadd.s32 $0xFFFFFF80  }
0x2e: {  	_ =	swait.ge [sflag:s16], $0x80  }
0x2f: {  	[sflag:s16] =	ssyncset.done $0x0  }
0x30: {  	[sflag:s16] =	ssyncadd.s32 $0xFFFFFF80  }
0x31: {  	_ =	swait.ge [sflag:s15], $0x80  }
0x32: {  	[sflag:s15] =	ssyncset.done $0x0  }
0x33: {  	[sflag:s15] =	ssyncadd.s32 $0xFFFFFF80  }
0x34: {  	_ =	swait.ge [sflag:s16], $0x80  }
0x35: {  	[sflag:s16] =	ssyncset.done $0x0  }
0x36: {  	[sflag:s16] =	ssyncadd.s32 $0xFFFFFF80  }
0x37: {  	[spmem:s2] =	stream.indirect.scatter.add.f32 [tilespmem:s12], [sflag:$0x1], $0x1, s17, s11, $0xb8;
	[tilespmem:$0x2180] =	vst v63  }
0x38: {  	_ = 	snop  }
0x39: {  	[spmem:s2] =	stream.indirect.scatter.add.f32 [tilespmem:s12], [sflag:$0x2], $0x1, s18, s11, $0xb8;
	[tilespmem:$0x2180] =	vst v63  }
0x3a: {  	_ = 	snop  }
0x3b: {  	[spmem:s2] =	stream.indirect.scatter.add.f32 [tilespmem:s12], [sflag:$0x1], $0x1, s19, s11, $0xb8;
	[tilespmem:$0x2180] =	vst v63  }
0x3c: {  	_ = 	snop  }
0x3d: {  	[spmem:s2] =	stream.indirect.scatter.add.f32 [tilespmem:s12], [sflag:$0x2], $0x1, s20, s11, $0xb8;
	[tilespmem:$0x2180] =	vst v63  }
0x3e: {  	_ =	swait.ge [sflag:s15], $0x80  }
0x3f: {  	[sflag:s15] =	ssyncset.done $0x0  }
0x40: {  	[sflag:s15] =	ssyncadd.s32 $0xFFFFFF80  }
0x41: {  	_ =	swait.ge [sflag:s16], $0x80  }
0x42: {  	[sflag:s16] =	ssyncset.done $0x0  }
0x43: {  	[sflag:s16] =	ssyncadd.s32 $0xFFFFFF80  }
0x44: {  	_ =	swait.ge [sflag:s15], $0x80  }
0x45: {  	[sflag:s15] =	ssyncset.done $0x0  }
0x46: {  	[sflag:s15] =	ssyncadd.s32 $0xFFFFFF80  }
0x47: {  	_ =	swait.ge [sflag:s16], $0x80  }
0x48: {  	[sflag:s16] =	ssyncset.done $0x0  }
0x49: {  	[sflag:s16] =	ssyncadd.s32 $0xFFFFFF80  }
0x4a: {  	[spmem:s2] =	stream.indirect.scatter.add.f32 [tilespmem:s12], [sflag:$0x1], $0x1, s21, s11, $0xb8;
	[tilespmem:$0x2180] =	vst v63  }
0x4b: {  	_ = 	snop  }
0x4c: {  	[spmem:s2] =	stream.indirect.scatter.add.f32 [tilespmem:s12], [sflag:$0x2], $0x1, s22, s11, $0xb8;
	[tilespmem:$0x2180] =	vst v63  }
0x4d: {  	_ = 	snop  }
0x4e: {  	[spmem:s2] =	stream.indirect.scatter.add.f32 [tilespmem:s12], [sflag:$0x1], $0x1, s23, s11, $0xb8;
	[tilespmem:$0x2180] =	vst v63  }
0x4f: {  	_ = 	snop  }
0x50: {  	[spmem:s2] =	stream.indirect.scatter.add.f32 [tilespmem:s12], [sflag:$0x2], $0x1, s24, s11, $0xb8;
	[tilespmem:$0x2180] =	vst v63  }
0x51: {  	_ =	swait.ge [sflag:s15], $0x80  }
0x52: {  	[sflag:s15] =	ssyncset.done $0x0  }
0x53: {  	[sflag:s15] =	ssyncadd.s32 $0xFFFFFF80  }
0x54: {  	_ =	swait.ge [sflag:s16], $0x80  }
0x55: {  	[sflag:s16] =	ssyncset.done $0x0  }
0x56: {  	[sflag:s16] =	ssyncadd.s32 $0xFFFFFF80  }
0x57: {  	_ =	swait.ge [sflag:s15], $0x80  }
0x58: {  	[sflag:s15] =	ssyncset.done $0x0  }
0x59: {  	[sflag:s15] =	ssyncadd.s32 $0xFFFFFF80  }
0x5a: {  	_ =	swait.ge [sflag:s16], $0x80  }
0x5b: {  	[sflag:s16] =	ssyncset.done $0x0  }
0x5c: {  	[sflag:s16] =	ssyncadd.s32 $0xFFFFFF80  }
0x5d: {  	[spmem:s2] =	stream.indirect.scatter.add.f32 [tilespmem:s12], [sflag:$0x1], $0x1, s25, s11, $0xb8;
	[tilespmem:$0x2180] =	vst v63  }
0x5e: {  	_ = 	snop  }
0x5f: {  	[spmem:s2] =	stream.indirect.scatter.add.f32 [tilespmem:s12], [sflag:$0x2], $0x1, s26, s11, $0xb8;
	[tilespmem:$0x2180] =	vst v63  }
0x60: {  	_ = 	snop  }
0x61: {  	[spmem:s2] =	stream.indirect.scatter.add.f32 [tilespmem:s12], [sflag:$0x1], $0x1, s28, s11, $0xb8;
	[tilespmem:$0x2180] =	vst v63  }
0x62: {  	_ = 	snop  }
0x63: {  	[spmem:s2] =	stream.indirect.scatter.add.f32 [tilespmem:s12], [sflag:$0x2], $0x1, s29, s11, $0xb8;
	[tilespmem:$0x2180] =	vst v63  }
0x64: {  	_ =	swait.ge [sflag:s15], $0x80  }
0x65: {  	[sflag:s15] =	ssyncset.done $0x0  }
0x66: {  	[sflag:s15] =	ssyncadd.s32 $0xFFFFFF80  }
0x67: {  	_ =	swait.ge [sflag:s16], $0x80  }
0x68: {  	[sflag:s16] =	ssyncset.done $0x0  }
0x69: {  	[sflag:s16] =	ssyncadd.s32 $0xFFFFFF80  }
0x6a: {  	_ =	swait.ge [sflag:s15], $0x80  }
0x6b: {  	[sflag:s15] =	ssyncset.done $0x0  }
0x6c: {  	[sflag:s15] =	ssyncadd.s32 $0xFFFFFF80  }
0x6d: {  	_ =	swait.ge [sflag:s16], $0x80  }
0x6e: {  	s30 =	simm.s32 $0x200;
	s1 =	simm.s32 $0x100;
	[sflag:s16] =	ssyncset.done $0x0  }
.LBB2_2:
0x6f: {  	s4 =	sadd.s32 s1, s8  }
0x70: {  	[sflag:s16] =	ssyncadd.s32 $0xFFFFFF80;
	s1 =	smov.u32 s30;
	s31 =	sadd.s32 $0x100, s30  }
0x71: {  	[tilespmem:s3], [sflag:$0x3] =	stream.linear.gather [hbm4b:s4+s3], $0x800, $0x38;
	[tilespmem:$0x2180] =	vst v63  }
0x72: {  	p0 =	sne.s32 s30, $0x3100;
	_ =	swait.ge [sflag:s10], $0x800  }
0x73: {  	[sflag:s10] =	ssyncset.done $0x0  }
0x74: {  	[sflag:s10] =	ssyncadd.s32 $0xFFFFF800  }
0x75: {  	[spmem:s2] =	stream.indirect.scatter.add.f32 [tilespmem:s12], [sflag:$0x1], $0x1, s3, s11, $0xb8;
	[tilespmem:$0x2180] =	vst v63  }
0x76: {  	_ = 	snop  }
0x77: {  	[spmem:s2] =	stream.indirect.scatter.add.f32 [tilespmem:s12], [sflag:$0x2], $0x1, s11, s11, $0xb8;
	[tilespmem:$0x2180] =	vst v63  }
0x78: {  	_ = 	snop  }
0x79: {  	[spmem:s2] =	stream.indirect.scatter.add.f32 [tilespmem:s12], [sflag:$0x1], $0x1, s13, s11, $0xb8;
	[tilespmem:$0x2180] =	vst v63  }
0x7a: {  	_ = 	snop  }
0x7b: {  	[spmem:s2] =	stream.indirect.scatter.add.f32 [tilespmem:s12], [sflag:$0x2], $0x1, s14, s11, $0xb8;
	[tilespmem:$0x2180] =	vst v63  }
0x7c: {  	_ =	swait.ge [sflag:s15], $0x80  }
0x7d: {  	[sflag:s15] =	ssyncset.done $0x0  }
0x7e: {  	[sflag:s15] =	ssyncadd.s32 $0xFFFFFF80  }
0x7f: {  	_ =	swait.ge [sflag:s16], $0x80  }
0x80: {  	[sflag:s16] =	ssyncset.done $0x0  }
0x81: {  	[sflag:s16] =	ssyncadd.s32 $0xFFFFFF80  }
0x82: {  	_ =	swait.ge [sflag:s15], $0x80  }
0x83: {  	[sflag:s15] =	ssyncset.done $0x0  }
0x84: {  	[sflag:s15] =	ssyncadd.s32 $0xFFFFFF80  }
0x85: {  	_ =	swait.ge [sflag:s16], $0x80  }
0x86: {  	[sflag:s16] =	ssyncset.done $0x0  }
0x87: {  	[sflag:s16] =	ssyncadd.s32 $0xFFFFFF80  }
0x88: {  	[spmem:s2] =	stream.indirect.scatter.add.f32 [tilespmem:s12], [sflag:$0x1], $0x1, s17, s11, $0xb8;
	[tilespmem:$0x2180] =	vst v63  }
0x89: {  	_ = 	snop  }
0x8a: {  	[spmem:s2] =	stream.indirect.scatter.add.f32 [tilespmem:s12], [sflag:$0x2], $0x1, s18, s11, $0xb8;
	[tilespmem:$0x2180] =	vst v63  }
0x8b: {  	_ = 	snop  }
0x8c: {  	[spmem:s2] =	stream.indirect.scatter.add.f32 [tilespmem:s12], [sflag:$0x1], $0x1, s19, s11, $0xb8;
	[tilespmem:$0x2180] =	vst v63  }
0x8d: {  	_ = 	snop  }
0x8e: {  	[spmem:s2] =	stream.indirect.scatter.add.f32 [tilespmem:s12], [sflag:$0x2], $0x1, s20, s11, $0xb8;
	[tilespmem:$0x2180] =	vst v63  }
0x8f: {  	_ =	swait.ge [sflag:s15], $0x80  }
0x90: {  	[sflag:s15] =	ssyncset.done $0x0  }
0x91: {  	[sflag:s15] =	ssyncadd.s32 $0xFFFFFF80  }
0x92: {  	_ =	swait.ge [sflag:s16], $0x80  }
0x93: {  	[sflag:s16] =	ssyncset.done $0x0  }
0x94: {  	[sflag:s16] =	ssyncadd.s32 $0xFFFFFF80  }
0x95: {  	_ =	swait.ge [sflag:s15], $0x80  }
0x96: {  	[sflag:s15] =	ssyncset.done $0x0  }
0x97: {  	[sflag:s15] =	ssyncadd.s32 $0xFFFFFF80  }
0x98: {  	_ =	swait.ge [sflag:s16], $0x80  }
0x99: {  	[sflag:s16] =	ssyncset.done $0x0  }
0x9a: {  	[sflag:s16] =	ssyncadd.s32 $0xFFFFFF80  }
0x9b: {  	[spmem:s2] =	stream.indirect.scatter.add.f32 [tilespmem:s12], [sflag:$0x1], $0x1, s21, s11, $0xb8;
	[tilespmem:$0x2180] =	vst v63  }
0x9c: {  	_ = 	snop  }
0x9d: {  	[spmem:s2] =	stream.indirect.scatter.add.f32 [tilespmem:s12], [sflag:$0x2], $0x1, s22, s11, $0xb8;
	[tilespmem:$0x2180] =	vst v63  }
0x9e: {  	_ = 	snop  }
0x9f: {  	[spmem:s2] =	stream.indirect.scatter.add.f32 [tilespmem:s12], [sflag:$0x1], $0x1, s23, s11, $0xb8;
	[tilespmem:$0x2180] =	vst v63  }
0xa0: {  	_ = 	snop  }
0xa1: {  	[spmem:s2] =	stream.indirect.scatter.add.f32 [tilespmem:s12], [sflag:$0x2], $0x1, s24, s11, $0xb8;
	[tilespmem:$0x2180] =	vst v63  }
0xa2: {  	_ =	swait.ge [sflag:s15], $0x80  }
0xa3: {  	[sflag:s15] =	ssyncset.done $0x0  }
0xa4: {  	[sflag:s15] =	ssyncadd.s32 $0xFFFFFF80  }
0xa5: {  	_ =	swait.ge [sflag:s16], $0x80  }
0xa6: {  	[sflag:s16] =	ssyncset.done $0x0  }
0xa7: {  	[sflag:s16] =	ssyncadd.s32 $0xFFFFFF80  }
0xa8: {  	_ =	swait.ge [sflag:s15], $0x80  }
0xa9: {  	[sflag:s15] =	ssyncset.done $0x0  }
0xaa: {  	[sflag:s15] =	ssyncadd.s32 $0xFFFFFF80  }
0xab: {  	_ =	swait.ge [sflag:s16], $0x80  }
0xac: {  	[sflag:s16] =	ssyncset.done $0x0  }
0xad: {  	[sflag:s16] =	ssyncadd.s32 $0xFFFFFF80  }
0xae: {  	[spmem:s2] =	stream.indirect.scatter.add.f32 [tilespmem:s12], [sflag:$0x1], $0x1, s25, s11, $0xb8;
	[tilespmem:$0x2180] =	vst v63  }
0xaf: {  	_ = 	snop  }
0xb0: {  	[spmem:s2] =	stream.indirect.scatter.add.f32 [tilespmem:s12], [sflag:$0x2], $0x1, s26, s11, $0xb8;
	[tilespmem:$0x2180] =	vst v63  }
0xb1: {  	_ = 	snop  }
0xb2: {  	[spmem:s2] =	stream.indirect.scatter.add.f32 [tilespmem:s12], [sflag:$0x1], $0x1, s28, s11, $0xb8;
	[tilespmem:$0x2180] =	vst v63  }
0xb3: {  	_ = 	snop  }
0xb4: {  	[spmem:s2] =	stream.indirect.scatter.add.f32 [tilespmem:s12], [sflag:$0x2], $0x1, s29, s11, $0xb8;
	[tilespmem:$0x2180] =	vst v63  }
0xb5: {  	_ =	swait.ge [sflag:s15], $0x80  }
0xb6: {  	[sflag:s15] =	ssyncset.done $0x0  }
0xb7: {  	[sflag:s15] =	ssyncadd.s32 $0xFFFFFF80  }
0xb8: {  	_ =	swait.ge [sflag:s16], $0x80  }
0xb9: {  	[sflag:s16] =	ssyncset.done $0x0  }
0xba: {  	[sflag:s16] =	ssyncadd.s32 $0xFFFFFF80  }
.Ltmp0:
0xbb: {  	_ =	swait.ge [sflag:s15], $0x80;
	(pc) =	sbr.rel @p0 .LBB2_2-.Ltmp0, $4  }
0xbc: {  	[sflag:s15] =	ssyncset.done $0x0  }
0xbd: {  	[sflag:s15] =	ssyncadd.s32 $0xFFFFFF80  }
0xbe: {  	_ =	swait.ge [sflag:s16], $0x80  }
0xbf: {  	s30 =	smov.u32 s31;
	[sflag:s16] =	ssyncset.done $0x0  }
0xc0: {  	s1 =	sadd.s32 s1, s8;
	[sflag:s16] =	ssyncadd.s32 $0xFFFFFF80  }
0xc1: {  	[tilespmem:s3], [sflag:$0x3] =	stream.linear.gather [hbm4b:s1+s3], $0x800, $0x38;
	[tilespmem:$0x2180] =	vst v63  }
0xc2: {  	_ =	swait.ge [sflag:s10], $0x800  }
0xc3: {  	[sflag:s10] =	ssyncset.done $0x0  }
0xc4: {  	[sflag:s10] =	ssyncadd.s32 $0xFFFFF800  }
0xc5: {  	[spmem:s2] =	stream.indirect.scatter.add.f32 [tilespmem:s12], [sflag:$0x1], $0x1, s3, s11, $0xb8;
	[tilespmem:$0x2180] =	vst v63  }
0xc6: {  	_ = 	snop  }
0xc7: {  	[spmem:s2] =	stream.indirect.scatter.add.f32 [tilespmem:s12], [sflag:$0x2], $0x1, s11, s11, $0xb8;
	[tilespmem:$0x2180] =	vst v63  }
0xc8: {  	_ = 	snop  }
0xc9: {  	[spmem:s2] =	stream.indirect.scatter.add.f32 [tilespmem:s12], [sflag:$0x1], $0x1, s13, s11, $0xb8;
	[tilespmem:$0x2180] =	vst v63  }
0xca: {  	_ = 	snop  }
0xcb: {  	[spmem:s2] =	stream.indirect.scatter.add.f32 [tilespmem:s12], [sflag:$0x2], $0x1, s14, s11, $0xb8;
	[tilespmem:$0x2180] =	vst v63  }
0xcc: {  	_ =	swait.ge [sflag:s15], $0x80  }
0xcd: {  	[sflag:s15] =	ssyncset.done $0x0  }
0xce: {  	[sflag:s15] =	ssyncadd.s32 $0xFFFFFF80  }
0xcf: {  	_ =	swait.ge [sflag:s16], $0x80  }
0xd0: {  	[sflag:s16] =	ssyncset.done $0x0  }
0xd1: {  	[sflag:s16] =	ssyncadd.s32 $0xFFFFFF80  }
0xd2: {  	_ =	swait.ge [sflag:s15], $0x80  }
0xd3: {  	[sflag:s15] =	ssyncset.done $0x0  }
0xd4: {  	[sflag:s15] =	ssyncadd.s32 $0xFFFFFF80  }
0xd5: {  	_ =	swait.ge [sflag:s16], $0x80  }
0xd6: {  	[sflag:s16] =	ssyncset.done $0x0  }
0xd7: {  	[sflag:s16] =	ssyncadd.s32 $0xFFFFFF80  }
0xd8: {  	[spmem:s2] =	stream.indirect.scatter.add.f32 [tilespmem:s12], [sflag:$0x1], $0x1, s17, s11, $0xb8;
	[tilespmem:$0x2180] =	vst v63  }
0xd9: {  	_ = 	snop  }
0xda: {  	[spmem:s2] =	stream.indirect.scatter.add.f32 [tilespmem:s12], [sflag:$0x2], $0x1, s18, s11, $0xb8;
	[tilespmem:$0x2180] =	vst v63  }
0xdb: {  	_ = 	snop  }
0xdc: {  	[spmem:s2] =	stream.indirect.scatter.add.f32 [tilespmem:s12], [sflag:$0x1], $0x1, s19, s11, $0xb8;
	[tilespmem:$0x2180] =	vst v63  }
0xdd: {  	_ = 	snop  }
0xde: {  	[spmem:s2] =	stream.indirect.scatter.add.f32 [tilespmem:s12], [sflag:$0x2], $0x1, s20, s11, $0xb8;
	[tilespmem:$0x2180] =	vst v63  }
0xdf: {  	_ =	swait.ge [sflag:s15], $0x80  }
0xe0: {  	[sflag:s15] =	ssyncset.done $0x0  }
0xe1: {  	[sflag:s15] =	ssyncadd.s32 $0xFFFFFF80  }
0xe2: {  	_ =	swait.ge [sflag:s16], $0x80  }
0xe3: {  	[sflag:s16] =	ssyncset.done $0x0  }
0xe4: {  	[sflag:s16] =	ssyncadd.s32 $0xFFFFFF80  }
0xe5: {  	_ =	swait.ge [sflag:s15], $0x80  }
0xe6: {  	[sflag:s15] =	ssyncset.done $0x0  }
0xe7: {  	[sflag:s15] =	ssyncadd.s32 $0xFFFFFF80  }
0xe8: {  	_ =	swait.ge [sflag:s16], $0x80  }
0xe9: {  	[sflag:s16] =	ssyncset.done $0x0  }
0xea: {  	[sflag:s16] =	ssyncadd.s32 $0xFFFFFF80  }
0xeb: {  	[spmem:s2] =	stream.indirect.scatter.add.f32 [tilespmem:s12], [sflag:$0x1], $0x1, s21, s11, $0xb8;
	[tilespmem:$0x2180] =	vst v63  }
0xec: {  	_ = 	snop  }
0xed: {  	[spmem:s2] =	stream.indirect.scatter.add.f32 [tilespmem:s12], [sflag:$0x2], $0x1, s22, s11, $0xb8;
	[tilespmem:$0x2180] =	vst v63  }
0xee: {  	_ = 	snop  }
0xef: {  	[spmem:s2] =	stream.indirect.scatter.add.f32 [tilespmem:s12], [sflag:$0x1], $0x1, s23, s11, $0xb8;
	[tilespmem:$0x2180] =	vst v63  }
0xf0: {  	_ = 	snop  }
0xf1: {  	[spmem:s2] =	stream.indirect.scatter.add.f32 [tilespmem:s12], [sflag:$0x2], $0x1, s24, s11, $0xb8;
	[tilespmem:$0x2180] =	vst v63  }
0xf2: {  	_ =	swait.ge [sflag:s15], $0x80  }
0xf3: {  	[sflag:s15] =	ssyncset.done $0x0  }
0xf4: {  	[sflag:s15] =	ssyncadd.s32 $0xFFFFFF80  }
0xf5: {  	_ =	swait.ge [sflag:s16], $0x80  }
0xf6: {  	[sflag:s16] =	ssyncset.done $0x0  }
0xf7: {  	[sflag:s16] =	ssyncadd.s32 $0xFFFFFF80  }
0xf8: {  	_ =	swait.ge [sflag:s15], $0x80  }
0xf9: {  	[sflag:s15] =	ssyncset.done $0x0  }
0xfa: {  	[sflag:s15] =	ssyncadd.s32 $0xFFFFFF80  }
0xfb: {  	_ =	swait.ge [sflag:s16], $0x80  }
0xfc: {  	[sflag:s16] =	ssyncset.done $0x0  }
0xfd: {  	[sflag:s16] =	ssyncadd.s32 $0xFFFFFF80  }
0xfe: {  	[spmem:s2] =	stream.indirect.scatter.add.f32 [tilespmem:s12], [sflag:$0x1], $0x1, s25, s11, $0xb8;
	[tilespmem:$0x2180] =	vst v63  }
0xff: {  	_ = 	snop  }
0x100: {  	[spmem:s2] =	stream.indirect.scatter.add.f32 [tilespmem:s12], [sflag:$0x2], $0x1, s26, s11, $0xb8;
	[tilespmem:$0x2180] =	vst v63  }
0x101: {  	_ = 	snop  }
0x102: {  	[spmem:s2] =	stream.indirect.scatter.add.f32 [tilespmem:s12], [sflag:$0x1], $0x1, s28, s11, $0xb8;
	[tilespmem:$0x2180] =	vst v63  }
0x103: {  	_ = 	snop  }
0x104: {  	[spmem:s2] =	stream.indirect.scatter.add.f32 [tilespmem:s12], [sflag:$0x2], $0x1, s29, s11, $0xb8;
	[tilespmem:$0x2180] =	vst v63  }
0x105: {  	_ =	swait.ge [sflag:s15], $0x80  }
0x106: {  	[sflag:s15] =	ssyncset.done $0x0  }
0x107: {  	[sflag:s15] =	ssyncadd.s32 $0xFFFFFF80  }
0x108: {  	_ =	swait.ge [sflag:s16], $0x80  }
0x109: {  	[sflag:s16] =	ssyncset.done $0x0  }
0x10a: {  	[sflag:s16] =	ssyncadd.s32 $0xFFFFFF80  }
0x10b: {  	_ =	swait.ge [sflag:s15], $0x80  }
0x10c: {  	[sflag:s15] =	ssyncset.done $0x0  }
0x10d: {  	[sflag:s15] =	ssyncadd.s32 $0xFFFFFF80  }
0x10e: {  	_ =	swait.ge [sflag:s16], $0x80  }
0x10f: {  	s0 =	sadd.s32 $0x1, s0;
	[sflag:s16] =	ssyncset.done $0x0  }
0x110: {  	s31 =	simm.s32 $0x20;
	p0 =	sne.s32 s0, s7;
	[sflag:s16] =	ssyncadd.s32 $0xFFFFFF80  }
.Ltmp1:
0x111: {  	s4 =	simm.s32 $0x10;
	[bflag:$0x0] =	sbarrier.arrive $0xFFFF;
	(pc) =	sbr.rel @p0 .LBB2_1-.Ltmp1, $4  }
0x112: {  	[hbm:s6@s31], [sflag:s5] =	dma.strided [spmem:s9@s4], $0x320, s15, $0x10   }
0x113: {  	_ =	swait.ge [sflag:s10], $0x320  }
0x114: {  	[sflag:s10] =	ssyncset.done $0x0  }
0x115: {  	[sflag:s10] =	ssyncadd.s32 $0xFFFFFCE0  }
0x116: {  	_ =	sfence.sel $0x180000  }
0x117: {  	[bflag:$0x0] =	sbarrier.arrive $0xFFFF  }
0x118: {  	_ =	strace $0x90000047  }
0x119: {  	s0 =	stileid.u32;
	[bflag:$0x2] =	sbarrier.arrive $0xFFFF  }
0x11a: {  	p0 =	sne.s32 s0, $0x0;
	s0 =	rddreg [dreg:$0x2]  }
0x11b: {  	s0 =	sadd.s32 @!p0 $0x100000, s0  }
0x11c: {  	[sflag:s0] =	ssyncadd.tile.s32 @!p0 $0x1;
	_ =	shalt  }
.Lfunc_end2:
_tile_overlayer_lowered:
.L_overlay_start_2:
0x11d: {  	(tag) =	ssettag $0x2  }
0x11e: {  	s0 =	rddreg [dreg:$0x0];
	s2 =	stileid.u32  }
0x11f: {  	s1 =	rddreg [dreg:$0x1];
	p0 =	sne.s32 s2, $0x0  }
0x120: {  	s3 =	rddreg [dreg:$0x2];
	[bflag:$0x3] =	sbarrier.arrive $0xFFFF;
	s2 =	simm.s32 @!p0 $0x1C03  }
0x121: {  	[timem:s3], [sflag:s2] =	dma.local @!p0 [hbm:s0], s1  }
0x122: {  	s0 =	simm.s32 @!p0 $0x3  }
0x123: {  	_ =	swait.ge @!p0 [sflag:s0], s1  }
0x124: {  	s1 =	ssub.s32 @!p0 $0x0, s1;
	[sflag:s0] =	ssyncset.done @!p0 $0x0  }
0x125: {  	[sflag:s0] =	ssyncadd.s32 @!p0 s1  }
0x126: {  	[bflag:$0x3] =	sbarrier.arrive $0xFFFF  }
0x127: {  	_ =	shalt  }

</sc_bundles>
